<compile_context>
chip_gen: v7x
topology: tpu7x:2x2x1
jax: 0.10.2.dev20260603
libtpu: 0.0.44.dev20260713+nightly
codegen_flags: <defaults>
</compile_context>

<pallas_src>
import functools

import jax
import jax.numpy as jnp
from jax import lax
from jax.experimental import pallas as pl
from jax.experimental.pallas import tpu as pltpu
from jax.experimental.pallas import tpu_sc as plsc

_DIM = 768
_H = 12
_DH = 64
_E = 6
_S = 2048

_SB = 256
_SQ = 512

_bf16 = jnp.bfloat16
_f32 = jnp.float32


def _head_expand_matrix():
  rows = jax.lax.broadcasted_iota(jnp.int32, (_H, _DIM), 0)
  cols = jax.lax.broadcasted_iota(jnp.int32, (_H, _DIM), 1)
  return (cols // _DH == rows).astype(_f32)


def _top1_sigmoid(scores_em):
  best_s = jnp.full((scores_em.shape[0], _H), -jnp.inf, _f32)
  best_i = jnp.zeros((scores_em.shape[0], _H), jnp.int32)
  for e in range(_E):
    se = scores_em[:, e * _H:(e + 1) * _H]
    upd = se > best_s
    best_s = jnp.where(upd, se, best_s)
    best_i = jnp.where(upd, e, best_i)
  return jax.nn.sigmoid(best_s), best_i


def _layernorm(xb, g, b):
  m = jnp.mean(xb, axis=-1, keepdims=True)
  xc = xb - m
  v = jnp.mean(xc * xc, axis=-1, keepdims=True)
  return xc / jnp.sqrt(v + 1e-5) * g + b


def _pre_body(x_ref, g_ref, b_ref, wq_ref, wk_ref, wsv_ref, wso_ref, wv_ref,
              q_ref, k_ref, v_ref, mow_ref, moi_ref):
  xn = _layernorm(x_ref[...], g_ref[...], b_ref[...])
  xnb = xn.astype(_bf16)
  q_ref[...] = jnp.dot(xnb, wq_ref[...], preferred_element_type=_f32).astype(_bf16)
  k_ref[...] = jnp.dot(xnb, wk_ref[...], preferred_element_type=_f32).astype(_bf16)
  sv = jnp.dot(xnb, wsv_ref[...], preferred_element_type=_f32)
  so = jnp.dot(xnb, wso_ref[...], preferred_element_type=_f32)
  vw, vi = _top1_sigmoid(sv)
  ow, oi = _top1_sigmoid(so)
  mow_ref[...] = ow
  moi_ref[...] = oi
  rexp = _head_expand_matrix()
  vw_b = vw.astype(_bf16).astype(_f32)
  vacc = jnp.zeros((x_ref.shape[0], _DIM), _f32)
  for e in range(_E):
    ve = jnp.dot(xnb, wv_ref[e], preferred_element_type=_f32)
    ve_b = ve.astype(_bf16).astype(_f32)
    m768 = jnp.dot(jnp.where(vi == e, vw_b, 0.0), rexp,
                   preferred_element_type=_f32)
    vacc += m768 * ve_b
  v_ref[...] = vacc.astype(_bf16)


def _attn_body(q_ref, k_ref, v_ref, o_ref):
  scale = 1.0 / jnp.sqrt(jnp.float32(_DH))
  for h in range(_H):
    sl = slice(h * _DH, (h + 1) * _DH)
    qh = q_ref[:, sl]
    kh = k_ref[:, sl]
    vh = v_ref[:, sl]
    s = jax.lax.dot_general(qh, kh, (((1,), (1,)), ((), ())),
                            preferred_element_type=_f32) * scale
    m = jnp.max(s, axis=-1, keepdims=True)
    p = jnp.exp(s - m)
    l = jnp.sum(p, axis=-1, keepdims=True)
    pn = (p * (1.0 / l)).astype(_bf16)
    o = jax.lax.dot_general(pn, vh, (((1,), (0,)), ((), ())),
                            preferred_element_type=_f32)
    o_ref[:, sl] = o.astype(_bf16)


def _post_body(x_ref, o_ref, mow_ref, moi_ref, wo_ref, g2_ref, b2_ref,
               wg_ref, x1_ref, xw_ref, wv_out_ref, eid_ref):
  rexp = _head_expand_matrix()
  of = o_ref[...].astype(_f32)
  ow_b = mow_ref[...].astype(_bf16).astype(_f32)
  oi = moi_ref[...]
  acc = jnp.zeros((x_ref.shape[0], _DIM), _f32)
  for e in range(_E):
    m768 = jnp.dot(jnp.where(oi == e, ow_b, 0.0), rexp,
                   preferred_element_type=_f32)
    oe = (of * m768).astype(_bf16)
    acc += jnp.dot(oe, wo_ref[e], preferred_element_type=_f32)
  x1 = x_ref[...] + acc
  xn2 = _layernorm(x1, g2_ref[...], b2_ref[...])
  xn2b = xn2.astype(_bf16)
  logits = jnp.dot(xn2b, wg_ref[...], preferred_element_type=_f32)
  lm = jnp.max(logits, axis=-1, keepdims=True)
  ex = jnp.exp(logits - lm)
  gw = 1.0 / jnp.sum(ex, axis=-1, keepdims=True)
  gb = jnp.full((x_ref.shape[0], 1), -jnp.inf, _f32)
  gi = jnp.zeros((x_ref.shape[0], 1), jnp.int32)
  for e in range(_E):
    ge = logits[:, e:e + 1]
    upd = ge > gb
    gb = jnp.where(upd, ge, gb)
    gi = jnp.where(upd, e, gi)
  xn2_b32 = xn2b.astype(_f32)
  gw_b = gw.astype(_bf16).astype(_f32)
  x1_ref[...] = x1
  xw_ref[...] = xn2_b32 * gw_b
  wv_out_ref[...] = gw_b
  eid_ref[...] = gi


def _const_spec(shape):
  nd = len(shape)
  return pl.BlockSpec(shape, lambda *_: (0,) * nd)



_BLK = 256
_PAD_S = _S + _E * _BLK
_NB = _PAD_S // _BLK
_NSC = 32


def _route_prep_body(eid_full_ref, eid_blk_ref, dest_ref, bexp_ref):
  i = pl.program_id(0)
  e_iota_full = jax.lax.broadcasted_iota(jnp.int32, (_S, _E), 1)
  oh_full = (eid_full_ref[...] == e_iota_full).astype(_f32)
  counts = jnp.sum(oh_full, axis=0, keepdims=True)
  pc = jnp.floor((counts + (_BLK - 1)) / _BLK) * _BLK
  row_iota = jax.lax.broadcasted_iota(jnp.int32, (_S, _E), 0)
  prior = jnp.sum(jnp.where(row_iota < i * _SB, oh_full, 0.0),
                  axis=0, keepdims=True)
  e_iota_blk = jax.lax.broadcasted_iota(jnp.int32, (_SB, _E), 1)
  oh_blk = (eid_blk_ref[...] == e_iota_blk).astype(_f32)
  lt_r = jax.lax.broadcasted_iota(jnp.int32, (_SB, _SB), 0)
  lt_c = jax.lax.broadcasted_iota(jnp.int32, (_SB, _SB), 1)
  lt = (lt_c <= lt_r).astype(_f32)
  rank = jnp.dot(lt, oh_blk, preferred_element_type=_f32,
                 precision=jax.lax.Precision.HIGHEST)
  dest = jnp.zeros((_SB, 1), _f32)
  poff_e = jnp.zeros((1, 1), _f32)
  ends = []
  for e in range(_E):
    seg = poff_e + prior[:, e:e + 1] + rank[:, e:e + 1] - 1.0
    dest += oh_blk[:, e:e + 1] * seg
    poff_e = poff_e + pc[:, e:e + 1]
    ends.append(poff_e)
  dest_ref[...] = dest.astype(jnp.int32)
  blk_iota = jax.lax.broadcasted_iota(jnp.int32, (1, 128), 1).astype(_f32) * _BLK
  nfull = jnp.zeros((1, 128), jnp.int32)
  for e in range(_E):
    nfull += (blk_iota >= ends[e]).astype(jnp.int32)
  bexp_ref[...] = jnp.minimum(nfull, _E - 1)


def _route_inv_body(dest_row_ref, w_row_ref, src_ref, ws_ref):
  j = pl.program_id(0)
  slot = jax.lax.broadcasted_iota(jnp.int32, (_BLK, _S), 0) + j * _BLK
  cmp = (dest_row_ref[...] == slot).astype(_f32)
  tok = jax.lax.broadcasted_iota(jnp.int32, (1, _S), 1).astype(_f32)
  one = jnp.ones((1, _S), _f32)
  tw = jnp.concatenate([tok, w_row_ref[...], one], axis=0)
  red = jax.lax.dot_general(cmp, tw, (((1,), (1,)), ((), ())),
                            preferred_element_type=_f32,
                            precision=jax.lax.Precision.HIGHEST)
  spread = (jax.lax.broadcasted_iota(jnp.int32, (_BLK, 1), 0)
            + j * _BLK) % _S
  src_ref[...] = jnp.where(red[:, 2:3] > 0.0, red[:, 0:1],
                           spread.astype(_f32)).astype(jnp.int32)
  ws_ref[...] = red[:, 1:2]


def _sc_gather_body(table_hbm, idx_hbm, out_hbm, idx_v, rows_v, sem):
  wid = lax.axis_index("s") * 2 + lax.axis_index("c")
  rows_per = out_hbm.shape[0] // _NSC
  base = wid * rows_per
  pltpu.sync_copy(idx_hbm.at[pl.ds(base, rows_per)], idx_v)
  pltpu.async_copy(table_hbm.at[idx_v], rows_v, sem).wait()
  pltpu.sync_copy(rows_v, out_hbm.at[pl.ds(base, rows_per)])


def _moe_mm_body(bexp_ref, xs_ref, ws_ref, wm_ref, bm_ref, ys_ref):
  ys = jnp.dot(xs_ref[...].astype(_bf16), wm_ref[0], preferred_element_type=_f32)
  ys_ref[...] = ys + ws_ref[...] * bm_ref[0].astype(_f32)


def _combine_body(x1_ref, y_ref, xout_ref):
  xout_ref[...] = x1_ref[...] + y_ref[...]


def _routed_ffn(x1, xw, wvec, eid, wm, bm):
  dest, bexp = pl.pallas_call(
      _route_prep_body,
      grid=(_S // _SB,),
      in_specs=[
          _const_spec((_S, 1)),
          pl.BlockSpec((_SB, 1), lambda i: (i, 0)),
      ],
      out_specs=[
          pl.BlockSpec((_SB, 1), lambda i: (i, 0)),
          _const_spec((1, 128)),
      ],
      out_shape=[
          jax.ShapeDtypeStruct((_S, 1), jnp.int32),
          jax.ShapeDtypeStruct((1, 128), jnp.int32),
      ],
      compiler_params=pltpu.CompilerParams(
          dimension_semantics=("arbitrary",)),
  )(eid, eid)

  srci, ws = pl.pallas_call(
      _route_inv_body,
      grid=(_NB,),
      in_specs=[
          _const_spec((1, _S)),
          _const_spec((1, _S)),
      ],
      out_specs=[
          pl.BlockSpec((_BLK, 1), lambda j: (j, 0)),
          pl.BlockSpec((_BLK, 1), lambda j: (j, 0)),
      ],
      out_shape=[
          jax.ShapeDtypeStruct((_PAD_S, 1), jnp.int32),
          jax.ShapeDtypeStruct((_PAD_S, 1), _f32),
      ],
      compiler_params=pltpu.CompilerParams(
          dimension_semantics=("arbitrary",)),
  )(dest.reshape(1, _S), wvec.reshape(1, _S))

  dest1 = dest.reshape(_S)
  mesh = plsc.VectorSubcoreMesh(core_axis_name="c", subcore_axis_name="s")
  xs = pl.kernel(
      _sc_gather_body,
      out_type=jax.ShapeDtypeStruct((_PAD_S, _DIM), _f32),
      mesh=mesh,
      scratch_types=[
          pltpu.VMEM((_PAD_S // _NSC,), jnp.int32),
          pltpu.VMEM((_PAD_S // _NSC, _DIM), _f32),
          pltpu.SemaphoreType.DMA,
      ],
  )(xw, srci.reshape(_PAD_S))

  ys = pl.pallas_call(
      _moe_mm_body,
      grid_spec=pltpu.PrefetchScalarGridSpec(
          num_scalar_prefetch=1,
          grid=(_NB,),
          in_specs=[
              pl.BlockSpec((_BLK, _DIM), lambda j, be: (j, 0)),
              pl.BlockSpec((_BLK, 1), lambda j, be: (j, 0)),
              pl.BlockSpec((1, _DIM, _DIM), lambda j, be: (be[j], 0, 0)),
              pl.BlockSpec((1, 1, _DIM), lambda j, be: (be[j], 0, 0)),
          ],
          out_specs=pl.BlockSpec((_BLK, _DIM), lambda j, be: (j, 0)),
      ),
      out_shape=jax.ShapeDtypeStruct((_PAD_S, _DIM), _f32),
      compiler_params=pltpu.CompilerParams(
          dimension_semantics=("arbitrary",)),
  )(bexp.reshape(128)[:_NB], xs, ws, wm, bm.reshape(_E, 1, _DIM))

  y = pl.kernel(
      _sc_gather_body,
      out_type=jax.ShapeDtypeStruct((_S, _DIM), _f32),
      mesh=mesh,
      scratch_types=[
          pltpu.VMEM((_S // _NSC,), jnp.int32),
          pltpu.VMEM((_S // _NSC, _DIM), _f32),
          pltpu.SemaphoreType.DMA,
      ],
  )(ys, dest1)

  return pl.pallas_call(
      _combine_body,
      grid=(_S // _SB,),
      in_specs=[
          pl.BlockSpec((_SB, _DIM), lambda i: (i, 0)),
          pl.BlockSpec((_SB, _DIM), lambda i: (i, 0)),
      ],
      out_specs=pl.BlockSpec((_SB, _DIM), lambda i: (i, 0)),
      out_shape=jax.ShapeDtypeStruct((_S, _DIM), _f32),
      compiler_params=pltpu.CompilerParams(
          dimension_semantics=("arbitrary",)),
  )(x1, y)


def _run_layer(xb, g1, b1, g2, b2, wq, wk, wsv, wso, wv, wo, wg, wm, bm):
  nblk = _S // _SB
  q, k, v, mow, moi = pl.pallas_call(
      _pre_body,
      grid=(nblk,),
      in_specs=[
          pl.BlockSpec((_SB, _DIM), lambda i: (i, 0)),
          _const_spec((1, _DIM)), _const_spec((1, _DIM)),
          _const_spec((_DIM, _DIM)), _const_spec((_DIM, _DIM)),
          _const_spec((_DIM, _E * _H)), _const_spec((_DIM, _E * _H)),
          _const_spec((_E, _DIM, _DIM)),
      ],
      out_specs=[
          pl.BlockSpec((_SB, _DIM), lambda i: (i, 0)),
          pl.BlockSpec((_SB, _DIM), lambda i: (i, 0)),
          pl.BlockSpec((_SB, _DIM), lambda i: (i, 0)),
          pl.BlockSpec((_SB, _H), lambda i: (i, 0)),
          pl.BlockSpec((_SB, _H), lambda i: (i, 0)),
      ],
      out_shape=[
          jax.ShapeDtypeStruct((_S, _DIM), _bf16),
          jax.ShapeDtypeStruct((_S, _DIM), _bf16),
          jax.ShapeDtypeStruct((_S, _DIM), _bf16),
          jax.ShapeDtypeStruct((_S, _H), _f32),
          jax.ShapeDtypeStruct((_S, _H), jnp.int32),
      ],
      compiler_params=pltpu.CompilerParams(
          dimension_semantics=("arbitrary",)),
  )(xb, g1, b1, wq, wk, wsv, wso, wv)

  o = pl.pallas_call(
      _attn_body,
      grid=(_S // _SQ,),
      in_specs=[
          pl.BlockSpec((_SQ, _DIM), lambda i: (i, 0)),
          _const_spec((_S, _DIM)),
          _const_spec((_S, _DIM)),
      ],
      out_specs=pl.BlockSpec((_SQ, _DIM), lambda i: (i, 0)),
      out_shape=jax.ShapeDtypeStruct((_S, _DIM), _bf16),
      compiler_params=pltpu.CompilerParams(
          dimension_semantics=("arbitrary",)),
  )(q, k, v)

  x1, xw, wvec, eid = pl.pallas_call(
      _post_body,
      grid=(nblk,),
      in_specs=[
          pl.BlockSpec((_SB, _DIM), lambda i: (i, 0)),
          pl.BlockSpec((_SB, _DIM), lambda i: (i, 0)),
          pl.BlockSpec((_SB, _H), lambda i: (i, 0)),
          pl.BlockSpec((_SB, _H), lambda i: (i, 0)),
          _const_spec((_E, _DIM, _DIM)),
          _const_spec((1, _DIM)), _const_spec((1, _DIM)),
          _const_spec((_DIM, _E)),
      ],
      out_specs=[
          pl.BlockSpec((_SB, _DIM), lambda i: (i, 0)),
          pl.BlockSpec((_SB, _DIM), lambda i: (i, 0)),
          pl.BlockSpec((_SB, 1), lambda i: (i, 0)),
          pl.BlockSpec((_SB, 1), lambda i: (i, 0)),
      ],
      out_shape=[
          jax.ShapeDtypeStruct((_S, _DIM), _f32),
          jax.ShapeDtypeStruct((_S, _DIM), _f32),
          jax.ShapeDtypeStruct((_S, 1), _f32),
          jax.ShapeDtypeStruct((_S, 1), jnp.int32),
      ],
      compiler_params=pltpu.CompilerParams(
          dimension_semantics=("arbitrary",)),
  )(xb, o, mow, moi, wo, g2, b2, wg)

  return _routed_ffn(x1, xw, wvec, eid, wm, bm)


def kernel(x, ln1_g, ln1_b, ln2_g, ln2_b, Wq, Wk, Wv, Wo, Wsv, Wso, Wg, Wm, bm):
  xb = x[0]
  for l in range(2):
    xb = _run_layer(
        xb,
        ln1_g[l][None, :], ln1_b[l][None, :],
        ln2_g[l][None, :], ln2_b[l][None, :],
        Wq[l].astype(_bf16), Wk[l].astype(_bf16),
        Wsv[l].transpose(0, 2, 1).reshape(_DIM, _E * _H).astype(_bf16),
        Wso[l].transpose(0, 2, 1).reshape(_DIM, _E * _H).astype(_bf16),
        Wv[l].reshape(_E, _DIM, _DIM).astype(_bf16),
        Wo[l].reshape(_E, _DIM, _DIM).astype(_bf16),
        Wg[l].astype(_bf16),
        Wm[l].astype(_bf16),
        bm[l].astype(_bf16),
    )
  return xb[None]

# --- scband reference (transcript-rebuilt; emitter-appended) ---
"""Pipeline reference for scband-encoder-1915555414701 (READ-ONLY COPY).

The authoritative reference and input builder live on the scoring server;
editing this copy changes nothing except your own understanding.
"""

import jax, jax.numpy as jnp
import numpy as np

DIM = 768
H = 12
DH = 64
DEPTH = 2
E = 6
B = 1
S = 2048

def setup_inputs(seed: int = 0):
    key = jax.random.key(seed)
    ks = jax.random.split(key, 12)
    def p(k, shape, scale=0.02):
        return jax.random.normal(k, shape, dtype=jnp.float32) * scale
    return {
        "x": jax.random.normal(ks[0], (B, S, DIM), dtype=jnp.float32),
        "ln1_g": jnp.ones((DEPTH, DIM), dtype=jnp.float32),
        "ln1_b": jnp.zeros((DEPTH, DIM), dtype=jnp.float32),
        "ln2_g": jnp.ones((DEPTH, DIM), dtype=jnp.float32),
        "ln2_b": jnp.zeros((DEPTH, DIM), dtype=jnp.float32),
        "Wq": p(ks[1], (DEPTH, DIM, H * DH)),
        "Wk": p(ks[2], (DEPTH, DIM, H * DH)),
        "Wv": p(ks[3], (DEPTH, E, DIM, H, DH)),
        "Wo": p(ks[4], (DEPTH, E, H, DH, DIM)),
        "Wsv": p(ks[5], (DEPTH, DIM, H, E)),
        "Wso": p(ks[6], (DEPTH, DIM, H, E)),
        "Wg": p(ks[7], (DEPTH, DIM, E)),
        "Wm": p(ks[8], (DEPTH, E, DIM, DIM)),
        "bm": jnp.zeros((DEPTH, E, DIM), dtype=jnp.float32),
    }

def _layernorm(x, g, b):
    m = jnp.mean(x, axis=-1, keepdims=True)
    v = jnp.var(x, axis=-1, keepdims=True)
    return (x - m) / jnp.sqrt(v + 1e-5) * g + b

def _top1_sigmoid_mask(scores):
    # SwitchHead-style per-head expert selection: sigmoid scores, top-1, weighted one-hot
    s = jax.nn.sigmoid(scores)
    w, i = jax.lax.top_k(s, 1)
    return jax.nn.one_hot(i[..., 0], s.shape[-1], dtype=s.dtype) * w

def _encoder(x, ln1_g, ln1_b, ln2_g, ln2_b, Wq, Wk, Wv, Wo, Wsv, Wso, Wg, Wm, bm):
    b, s, d = x.shape
    scale = 1.0 / jnp.sqrt(jnp.float32(DH))
    for l in range(DEPTH):
        # --- SwitchHeadAttention (num_experts=6, sel_experts=1) ---
        xn = _layernorm(x, ln1_g[l], ln1_b[l])
        q = (xn @ Wq[l]).reshape(b, s, H, DH)
        k = (xn @ Wk[l]).reshape(b, s, H, DH)
        mv = _top1_sigmoid_mask(jnp.einsum('bsd,dhe->bshe', xn, Wsv[l]))
        v_all = jnp.einsum('bsd,edhc->bsehc', xn, Wv[l])
        v = jnp.einsum('bsehc,bshe->bshc', v_all, mv)
        attn = jax.nn.softmax(jnp.einsum('bshc,bthc->bhst', q, k) * scale, axis=-1)
        o = jnp.einsum('bhst,bthc->bshc', attn, v)
        mo = _top1_sigmoid_mask(jnp.einsum('bsd,dhe->bshe', xn, Wso[l]))
        o_e = jnp.einsum('bshc,bshe->bsehc', o, mo)
        attn_out = jnp.einsum('bsehc,ehcd->bsd', o_e, Wo[l])
        x = x + attn_out
        # --- MoELayer (num_experts=6, sel_experts=1) ---
        xn2 = _layernorm(x, ln2_g[l], ln2_b[l])
        g = jax.nn.softmax(xn2 @ Wg[l], axis=-1)
        wg, ig = jax.lax.top_k(g, 1)
        mg = jax.nn.one_hot(ig[..., 0], E, dtype=g.dtype) * wg
        xg = jnp.einsum('bsd,bse->bsed', xn2, mg)
        moe_out = jnp.einsum('bsed,edf->bsf', xg, Wm[l]) + jnp.einsum('bse,ef->bsf', mg, bm[l])
        x = x + moe_out
    return x

def reference(x, ln1_g, ln1_b, ln2_g, ln2_b, Wq, Wk, Wv, Wo, Wsv, Wso, Wg, Wm, bm):
    return _encoder(x, ln1_g, ln1_b, ln2_g, ln2_b, Wq, Wk, Wv, Wo, Wsv, Wso, Wg, Wm, bm)

if __name__ == "__main__":
    import jax
    _d = setup_inputs()
    print(jax.jit(kernel)(*tuple(_d.values())))

</pallas_src>

<mosaic_0001>
#map = affine_map<(d0, d1) -> (0, 0)>
#map1 = affine_map<(d0, d1) -> (0)>
module attributes {stable_mosaic.version = 14 : i64} {
  func.func @_sc_gather_body(%arg0: i32, %arg1: i32, %arg2: memref<3584x768xf32, #tpu.memory_space<hbm>>, %arg3: memref<2048xi32, #tpu.memory_space<hbm>>, %arg4: memref<2048x768xf32, #tpu.memory_space<hbm>>, %arg5: memref<64xi32, #tpu.memory_space<vmem>>, %arg6: memref<64x768xf32, #tpu.memory_space<vmem>>, %arg7: memref<!tpu.dma_semaphore, #tpu.memory_space<semaphore_mem>>) attributes {dimension_semantics = [#tpu.dimension_semantics<core_parallel>, #tpu.dimension_semantics<subcore_parallel>], iteration_bounds = array<i64: 2, 16>, scalar_prefetch = 0 : i64, scratch_operands = 3 : i64, tpu.core_type = #tpu.core_type<sc_vector_subcore>, window_params = [{transform_indices = #map}, {transform_indices = #map1}, {transform_indices = #map}]} {
    %mul3A = arith.constant 2 : i32
    %mul3A_0 = arith.muli %arg1, %mul3A : i32
    %add3A = arith.addi %mul3A_0, %arg0 : i32
    %mul3A_1 = arith.constant 64 : i32
    %mul3A_2 = arith.muli %add3A, %mul3A_1 : i32
    "tpu.region"() ({
      %run_scoped3A = tpu.sem_alloc : memref<!tpu.dma_semaphore, #tpu.memory_space<semaphore_mem>>
      %dma_start3A_7 = tpu.memref_slice %arg3[%mul3A_2] : memref<2048xi32, #tpu.memory_space<hbm>> -> memref<64xi32, #tpu.memory_space<hbm>>
      %dma_start3A_8 = tpu.memref_slice %arg3[%mul3A_2] : memref<2048xi32, #tpu.memory_space<hbm>> -> memref<64xi32, #tpu.memory_space<hbm>>
      tpu.enqueue_dma source(%dma_start3A_8 : memref<64xi32, #tpu.memory_space<hbm>>) target(%arg5 : memref<64xi32, #tpu.memory_space<vmem>>) target_semaphore(%run_scoped3A : memref<!tpu.dma_semaphore, #tpu.memory_space<semaphore_mem>>)
      %dma_wait3A_9 = tpu.memref_slice %arg3[%mul3A_2] : memref<2048xi32, #tpu.memory_space<hbm>> -> memref<64xi32, #tpu.memory_space<hbm>>
      %dma_wait3A_10 = tpu.memref_slice %arg3[%mul3A_2] : memref<2048xi32, #tpu.memory_space<hbm>> -> memref<64xi32, #tpu.memory_space<hbm>>
      tpu.wait_dma2 semaphore(%run_scoped3A : memref<!tpu.dma_semaphore, #tpu.memory_space<semaphore_mem>>) src(%dma_wait3A_10 : memref<64xi32, #tpu.memory_space<hbm>>) dst(%arg5 : memref<64xi32, #tpu.memory_space<vmem>>)
      tpu.yield
    }) : () -> ()
    %dma_start3A = arith.constant 0 : i32
    %dma_start3A_3 = arith.constant 0 : i32
    %dma_start3A_4 = tpu.memref_slice %arg2[%dma_start3A, %dma_start3A_3] : memref<3584x768xf32, #tpu.memory_space<hbm>> -> memref<3584x768xf32, #tpu.memory_space<hbm>>
    tpu.enqueue_indirect_dma source(%dma_start3A_4 : memref<3584x768xf32, #tpu.memory_space<hbm>>) target(%arg6 : memref<64x768xf32, #tpu.memory_space<vmem>>) offsets(%arg5 : memref<64xi32, #tpu.memory_space<vmem>>) semaphore(%arg7 : memref<!tpu.dma_semaphore, #tpu.memory_space<semaphore_mem>>)
    %dma_wait3A = arith.constant 0 : i32
    %dma_wait3A_5 = arith.constant 0 : i32
    %dma_wait3A_6 = tpu.memref_slice %arg2[%dma_wait3A, %dma_wait3A_5] : memref<3584x768xf32, #tpu.memory_space<hbm>> -> memref<3584x768xf32, #tpu.memory_space<hbm>>
    tpu.wait_indirect_dma semaphore(%arg7 : memref<!tpu.dma_semaphore, #tpu.memory_space<semaphore_mem>>) src(%dma_wait3A_6 : memref<3584x768xf32, #tpu.memory_space<hbm>>) dst(%arg6 : memref<64x768xf32, #tpu.memory_space<vmem>>)
    "tpu.region"() ({
      %run_scoped3A = tpu.sem_alloc : memref<!tpu.dma_semaphore, #tpu.memory_space<semaphore_mem>>
      %dma_start3A_7 = arith.constant 0 : i32
      %dma_start3A_8 = tpu.memref_slice %arg4[%mul3A_2, %dma_start3A_7] : memref<2048x768xf32, #tpu.memory_space<hbm>> -> memref<64x768xf32, #tpu.memory_space<hbm>>
      %dma_start3A_9 = arith.constant 0 : i32
      %dma_start3A_10 = tpu.memref_slice %arg4[%mul3A_2, %dma_start3A_9] : memref<2048x768xf32, #tpu.memory_space<hbm>> -> memref<64x768xf32, #tpu.memory_space<hbm>>
      tpu.enqueue_dma source(%arg6 : memref<64x768xf32, #tpu.memory_space<vmem>>) target(%dma_start3A_10 : memref<64x768xf32, #tpu.memory_space<hbm>>) target_semaphore(%run_scoped3A : memref<!tpu.dma_semaphore, #tpu.memory_space<semaphore_mem>>)
      %dma_wait3A_11 = arith.constant 0 : i32
      %dma_wait3A_12 = tpu.memref_slice %arg4[%mul3A_2, %dma_wait3A_11] : memref<2048x768xf32, #tpu.memory_space<hbm>> -> memref<64x768xf32, #tpu.memory_space<hbm>>
      %dma_wait3A_13 = arith.constant 0 : i32
      %dma_wait3A_14 = tpu.memref_slice %arg4[%mul3A_2, %dma_wait3A_13] : memref<2048x768xf32, #tpu.memory_space<hbm>> -> memref<64x768xf32, #tpu.memory_space<hbm>>
      tpu.wait_dma2 semaphore(%run_scoped3A : memref<!tpu.dma_semaphore, #tpu.memory_space<semaphore_mem>>) src(%arg6 : memref<64x768xf32, #tpu.memory_space<vmem>>) dst(%dma_wait3A_14 : memref<64x768xf32, #tpu.memory_space<hbm>>)
      tpu.yield
    }) : () -> ()
    return
  }
}

#map = affine_map<(d0, d1) -> (0, 0)>
#map1 = affine_map<(d0, d1) -> (0)>
module attributes {stable_mosaic.version = 14 : i64} {
  func.func @_sc_gather_body(%arg0: i32, %arg1: i32, %arg2: memref<2048x768xf32, #tpu.memory_space<hbm>>, %arg3: memref<3584xi32, #tpu.memory_space<hbm>>, %arg4: memref<3584x768xf32, #tpu.memory_space<hbm>>, %arg5: memref<112xi32, #tpu.memory_space<vmem>>, %arg6: memref<112x768xf32, #tpu.memory_space<vmem>>, %arg7: memref<!tpu.dma_semaphore, #tpu.memory_space<semaphore_mem>>) attributes {dimension_semantics = [#tpu.dimension_semantics<core_parallel>, #tpu.dimension_semantics<subcore_parallel>], iteration_bounds = array<i64: 2, 16>, scalar_prefetch = 0 : i64, scratch_operands = 3 : i64, tpu.core_type = #tpu.core_type<sc_vector_subcore>, window_params = [{transform_indices = #map}, {transform_indices = #map1}, {transform_indices = #map}]} {
    %mul3A = arith.constant 2 : i32
    %mul3A_0 = arith.muli %arg1, %mul3A : i32
    %add3A = arith.addi %mul3A_0, %arg0 : i32
    %mul3A_1 = arith.constant 112 : i32
    %mul3A_2 = arith.muli %add3A, %mul3A_1 : i32
    "tpu.region"() ({
      %run_scoped3A = tpu.sem_alloc : memref<!tpu.dma_semaphore, #tpu.memory_space<semaphore_mem>>
      %dma_start3A_7 = tpu.memref_slice %arg3[%mul3A_2] : memref<3584xi32, #tpu.memory_space<hbm>> -> memref<112xi32, #tpu.memory_space<hbm>>
      %dma_start3A_8 = tpu.memref_slice %arg3[%mul3A_2] : memref<3584xi32, #tpu.memory_space<hbm>> -> memref<112xi32, #tpu.memory_space<hbm>>
      tpu.enqueue_dma source(%dma_start3A_8 : memref<112xi32, #tpu.memory_space<hbm>>) target(%arg5 : memref<112xi32, #tpu.memory_space<vmem>>) target_semaphore(%run_scoped3A : memref<!tpu.dma_semaphore, #tpu.memory_space<semaphore_mem>>)
      %dma_wait3A_9 = tpu.memref_slice %arg3[%mul3A_2] : memref<3584xi32, #tpu.memory_space<hbm>> -> memref<112xi32, #tpu.memory_space<hbm>>
      %dma_wait3A_10 = tpu.memref_slice %arg3[%mul3A_2] : memref<3584xi32, #tpu.memory_space<hbm>> -> memref<112xi32, #tpu.memory_space<hbm>>
      tpu.wait_dma2 semaphore(%run_scoped3A : memref<!tpu.dma_semaphore, #tpu.memory_space<semaphore_mem>>) src(%dma_wait3A_10 : memref<112xi32, #tpu.memory_space<hbm>>) dst(%arg5 : memref<112xi32, #tpu.memory_space<vmem>>)
      tpu.yield
    }) : () -> ()
    %dma_start3A = arith.constant 0 : i32
    %dma_start3A_3 = arith.constant 0 : i32
    %dma_start3A_4 = tpu.memref_slice %arg2[%dma_start3A, %dma_start3A_3] : memref<2048x768xf32, #tpu.memory_space<hbm>> -> memref<2048x768xf32, #tpu.memory_space<hbm>>
    tpu.enqueue_indirect_dma source(%dma_start3A_4 : memref<2048x768xf32, #tpu.memory_space<hbm>>) target(%arg6 : memref<112x768xf32, #tpu.memory_space<vmem>>) offsets(%arg5 : memref<112xi32, #tpu.memory_space<vmem>>) semaphore(%arg7 : memref<!tpu.dma_semaphore, #tpu.memory_space<semaphore_mem>>)
    %dma_wait3A = arith.constant 0 : i32
    %dma_wait3A_5 = arith.constant 0 : i32
    %dma_wait3A_6 = tpu.memref_slice %arg2[%dma_wait3A, %dma_wait3A_5] : memref<2048x768xf32, #tpu.memory_space<hbm>> -> memref<2048x768xf32, #tpu.memory_space<hbm>>
    tpu.wait_indirect_dma semaphore(%arg7 : memref<!tpu.dma_semaphore, #tpu.memory_space<semaphore_mem>>) src(%dma_wait3A_6 : memref<2048x768xf32, #tpu.memory_space<hbm>>) dst(%arg6 : memref<112x768xf32, #tpu.memory_space<vmem>>)
    "tpu.region"() ({
      %run_scoped3A = tpu.sem_alloc : memref<!tpu.dma_semaphore, #tpu.memory_space<semaphore_mem>>
      %dma_start3A_7 = arith.constant 0 : i32
      %dma_start3A_8 = tpu.memref_slice %arg4[%mul3A_2, %dma_start3A_7] : memref<3584x768xf32, #tpu.memory_space<hbm>> -> memref<112x768xf32, #tpu.memory_space<hbm>>
      %dma_start3A_9 = arith.constant 0 : i32
      %dma_start3A_10 = tpu.memref_slice %arg4[%mul3A_2, %dma_start3A_9] : memref<3584x768xf32, #tpu.memory_space<hbm>> -> memref<112x768xf32, #tpu.memory_space<hbm>>
      tpu.enqueue_dma source(%arg6 : memref<112x768xf32, #tpu.memory_space<vmem>>) target(%dma_start3A_10 : memref<112x768xf32, #tpu.memory_space<hbm>>) target_semaphore(%run_scoped3A : memref<!tpu.dma_semaphore, #tpu.memory_space<semaphore_mem>>)
      %dma_wait3A_11 = arith.constant 0 : i32
      %dma_wait3A_12 = tpu.memref_slice %arg4[%mul3A_2, %dma_wait3A_11] : memref<3584x768xf32, #tpu.memory_space<hbm>> -> memref<112x768xf32, #tpu.memory_space<hbm>>
      %dma_wait3A_13 = arith.constant 0 : i32
      %dma_wait3A_14 = tpu.memref_slice %arg4[%mul3A_2, %dma_wait3A_13] : memref<3584x768xf32, #tpu.memory_space<hbm>> -> memref<112x768xf32, #tpu.memory_space<hbm>>
      tpu.wait_dma2 semaphore(%run_scoped3A : memref<!tpu.dma_semaphore, #tpu.memory_space<semaphore_mem>>) src(%arg6 : memref<112x768xf32, #tpu.memory_space<vmem>>) dst(%dma_wait3A_14 : memref<112x768xf32, #tpu.memory_space<hbm>>)
      tpu.yield
    }) : () -> ()
    return
  }
}

#map = affine_map<(d0, d1) -> (0, 0)>
#map1 = affine_map<(d0, d1) -> (0)>
module attributes {stable_mosaic.version = 14 : i64} {
  func.func @_sc_gather_body(%arg0: i32, %arg1: i32, %arg2: memref<3584x768xf32, #tpu.memory_space<hbm>>, %arg3: memref<2048xi32, #tpu.memory_space<hbm>>, %arg4: memref<2048x768xf32, #tpu.memory_space<hbm>>, %arg5: memref<64xi32, #tpu.memory_space<vmem>>, %arg6: memref<64x768xf32, #tpu.memory_space<vmem>>, %arg7: memref<!tpu.dma_semaphore, #tpu.memory_space<semaphore_mem>>) attributes {dimension_semantics = [#tpu.dimension_semantics<core_parallel>, #tpu.dimension_semantics<subcore_parallel>], iteration_bounds = array<i64: 2, 16>, scalar_prefetch = 0 : i64, scratch_operands = 3 : i64, tpu.core_type = #tpu.core_type<sc_vector_subcore>, window_params = [{transform_indices = #map}, {transform_indices = #map1}, {transform_indices = #map}]} {
    %mul3A = arith.constant 2 : i32
    %mul3A_0 = arith.muli %arg1, %mul3A : i32
    %add3A = arith.addi %mul3A_0, %arg0 : i32
    %mul3A_1 = arith.constant 64 : i32
    %mul3A_2 = arith.muli %add3A, %mul3A_1 : i32
    "tpu.region"() ({
      %run_scoped3A = tpu.sem_alloc : memref<!tpu.dma_semaphore, #tpu.memory_space<semaphore_mem>>
      %dma_start3A_7 = tpu.memref_slice %arg3[%mul3A_2] : memref<2048xi32, #tpu.memory_space<hbm>> -> memref<64xi32, #tpu.memory_space<hbm>>
      %dma_start3A_8 = tpu.memref_slice %arg3[%mul3A_2] : memref<2048xi32, #tpu.memory_space<hbm>> -> memref<64xi32, #tpu.memory_space<hbm>>
      tpu.enqueue_dma source(%dma_start3A_8 : memref<64xi32, #tpu.memory_space<hbm>>) target(%arg5 : memref<64xi32, #tpu.memory_space<vmem>>) target_semaphore(%run_scoped3A : memref<!tpu.dma_semaphore, #tpu.memory_space<semaphore_mem>>)
      %dma_wait3A_9 = tpu.memref_slice %arg3[%mul3A_2] : memref<2048xi32, #tpu.memory_space<hbm>> -> memref<64xi32, #tpu.memory_space<hbm>>
      %dma_wait3A_10 = tpu.memref_slice %arg3[%mul3A_2] : memref<2048xi32, #tpu.memory_space<hbm>> -> memref<64xi32, #tpu.memory_space<hbm>>
      tpu.wait_dma2 semaphore(%run_scoped3A : memref<!tpu.dma_semaphore, #tpu.memory_space<semaphore_mem>>) src(%dma_wait3A_10 : memref<64xi32, #tpu.memory_space<hbm>>) dst(%arg5 : memref<64xi32, #tpu.memory_space<vmem>>)
      tpu.yield
    }) : () -> ()
    %dma_start3A = arith.constant 0 : i32
    %dma_start3A_3 = arith.constant 0 : i32
    %dma_start3A_4 = tpu.memref_slice %arg2[%dma_start3A, %dma_start3A_3] : memref<3584x768xf32, #tpu.memory_space<hbm>> -> memref<3584x768xf32, #tpu.memory_space<hbm>>
    tpu.enqueue_indirect_dma source(%dma_start3A_4 : memref<3584x768xf32, #tpu.memory_space<hbm>>) target(%arg6 : memref<64x768xf32, #tpu.memory_space<vmem>>) offsets(%arg5 : memref<64xi32, #tpu.memory_space<vmem>>) semaphore(%arg7 : memref<!tpu.dma_semaphore, #tpu.memory_space<semaphore_mem>>)
    %dma_wait3A = arith.constant 0 : i32
    %dma_wait3A_5 = arith.constant 0 : i32
    %dma_wait3A_6 = tpu.memref_slice %arg2[%dma_wait3A, %dma_wait3A_5] : memref<3584x768xf32, #tpu.memory_space<hbm>> -> memref<3584x768xf32, #tpu.memory_space<hbm>>
    tpu.wait_indirect_dma semaphore(%arg7 : memref<!tpu.dma_semaphore, #tpu.memory_space<semaphore_mem>>) src(%dma_wait3A_6 : memref<3584x768xf32, #tpu.memory_space<hbm>>) dst(%arg6 : memref<64x768xf32, #tpu.memory_space<vmem>>)
    "tpu.region"() ({
      %run_scoped3A = tpu.sem_alloc : memref<!tpu.dma_semaphore, #tpu.memory_space<semaphore_mem>>
      %dma_start3A_7 = arith.constant 0 : i32
      %dma_start3A_8 = tpu.memref_slice %arg4[%mul3A_2, %dma_start3A_7] : memref<2048x768xf32, #tpu.memory_space<hbm>> -> memref<64x768xf32, #tpu.memory_space<hbm>>
      %dma_start3A_9 = arith.constant 0 : i32
      %dma_start3A_10 = tpu.memref_slice %arg4[%mul3A_2, %dma_start3A_9] : memref<2048x768xf32, #tpu.memory_space<hbm>> -> memref<64x768xf32, #tpu.memory_space<hbm>>
      tpu.enqueue_dma source(%arg6 : memref<64x768xf32, #tpu.memory_space<vmem>>) target(%dma_start3A_10 : memref<64x768xf32, #tpu.memory_space<hbm>>) target_semaphore(%run_scoped3A : memref<!tpu.dma_semaphore, #tpu.memory_space<semaphore_mem>>)
      %dma_wait3A_11 = arith.constant 0 : i32
      %dma_wait3A_12 = tpu.memref_slice %arg4[%mul3A_2, %dma_wait3A_11] : memref<2048x768xf32, #tpu.memory_space<hbm>> -> memref<64x768xf32, #tpu.memory_space<hbm>>
      %dma_wait3A_13 = arith.constant 0 : i32
      %dma_wait3A_14 = tpu.memref_slice %arg4[%mul3A_2, %dma_wait3A_13] : memref<2048x768xf32, #tpu.memory_space<hbm>> -> memref<64x768xf32, #tpu.memory_space<hbm>>
      tpu.wait_dma2 semaphore(%run_scoped3A : memref<!tpu.dma_semaphore, #tpu.memory_space<semaphore_mem>>) src(%arg6 : memref<64x768xf32, #tpu.memory_space<vmem>>) dst(%dma_wait3A_14 : memref<64x768xf32, #tpu.memory_space<hbm>>)
      tpu.yield
    }) : () -> ()
    return
  }
}

#map = affine_map<(d0, d1) -> (0, 0)>
#map1 = affine_map<(d0, d1) -> (0)>
module attributes {stable_mosaic.version = 14 : i64} {
  func.func @_sc_gather_body(%arg0: i32, %arg1: i32, %arg2: memref<2048x768xf32, #tpu.memory_space<hbm>>, %arg3: memref<3584xi32, #tpu.memory_space<hbm>>, %arg4: memref<3584x768xf32, #tpu.memory_space<hbm>>, %arg5: memref<112xi32, #tpu.memory_space<vmem>>, %arg6: memref<112x768xf32, #tpu.memory_space<vmem>>, %arg7: memref<!tpu.dma_semaphore, #tpu.memory_space<semaphore_mem>>) attributes {dimension_semantics = [#tpu.dimension_semantics<core_parallel>, #tpu.dimension_semantics<subcore_parallel>], iteration_bounds = array<i64: 2, 16>, scalar_prefetch = 0 : i64, scratch_operands = 3 : i64, tpu.core_type = #tpu.core_type<sc_vector_subcore>, window_params = [{transform_indices = #map}, {transform_indices = #map1}, {transform_indices = #map}]} {
    %mul3A = arith.constant 2 : i32
    %mul3A_0 = arith.muli %arg1, %mul3A : i32
    %add3A = arith.addi %mul3A_0, %arg0 : i32
    %mul3A_1 = arith.constant 112 : i32
    %mul3A_2 = arith.muli %add3A, %mul3A_1 : i32
    "tpu.region"() ({
      %run_scoped3A = tpu.sem_alloc : memref<!tpu.dma_semaphore, #tpu.memory_space<semaphore_mem>>
      %dma_start3A_7 = tpu.memref_slice %arg3[%mul3A_2] : memref<3584xi32, #tpu.memory_space<hbm>> -> memref<112xi32, #tpu.memory_space<hbm>>
      %dma_start3A_8 = tpu.memref_slice %arg3[%mul3A_2] : memref<3584xi32, #tpu.memory_space<hbm>> -> memref<112xi32, #tpu.memory_space<hbm>>
      tpu.enqueue_dma source(%dma_start3A_8 : memref<112xi32, #tpu.memory_space<hbm>>) target(%arg5 : memref<112xi32, #tpu.memory_space<vmem>>) target_semaphore(%run_scoped3A : memref<!tpu.dma_semaphore, #tpu.memory_space<semaphore_mem>>)
      %dma_wait3A_9 = tpu.memref_slice %arg3[%mul3A_2] : memref<3584xi32, #tpu.memory_space<hbm>> -> memref<112xi32, #tpu.memory_space<hbm>>
      %dma_wait3A_10 = tpu.memref_slice %arg3[%mul3A_2] : memref<3584xi32, #tpu.memory_space<hbm>> -> memref<112xi32, #tpu.memory_space<hbm>>
      tpu.wait_dma2 semaphore(%run_scoped3A : memref<!tpu.dma_semaphore, #tpu.memory_space<semaphore_mem>>) src(%dma_wait3A_10 : memref<112xi32, #tpu.memory_space<hbm>>) dst(%arg5 : memref<112xi32, #tpu.memory_space<vmem>>)
      tpu.yield
    }) : () -> ()
    %dma_start3A = arith.constant 0 : i32
    %dma_start3A_3 = arith.constant 0 : i32
    %dma_start3A_4 = tpu.memref_slice %arg2[%dma_start3A, %dma_start3A_3] : memref<2048x768xf32, #tpu.memory_space<hbm>> -> memref<2048x768xf32, #tpu.memory_space<hbm>>
    tpu.enqueue_indirect_dma source(%dma_start3A_4 : memref<2048x768xf32, #tpu.memory_space<hbm>>) target(%arg6 : memref<112x768xf32, #tpu.memory_space<vmem>>) offsets(%arg5 : memref<112xi32, #tpu.memory_space<vmem>>) semaphore(%arg7 : memref<!tpu.dma_semaphore, #tpu.memory_space<semaphore_mem>>)
    %dma_wait3A = arith.constant 0 : i32
    %dma_wait3A_5 = arith.constant 0 : i32
    %dma_wait3A_6 = tpu.memref_slice %arg2[%dma_wait3A, %dma_wait3A_5] : memref<2048x768xf32, #tpu.memory_space<hbm>> -> memref<2048x768xf32, #tpu.memory_space<hbm>>
    tpu.wait_indirect_dma semaphore(%arg7 : memref<!tpu.dma_semaphore, #tpu.memory_space<semaphore_mem>>) src(%dma_wait3A_6 : memref<2048x768xf32, #tpu.memory_space<hbm>>) dst(%arg6 : memref<112x768xf32, #tpu.memory_space<vmem>>)
    "tpu.region"() ({
      %run_scoped3A = tpu.sem_alloc : memref<!tpu.dma_semaphore, #tpu.memory_space<semaphore_mem>>
      %dma_start3A_7 = arith.constant 0 : i32
      %dma_start3A_8 = tpu.memref_slice %arg4[%mul3A_2, %dma_start3A_7] : memref<3584x768xf32, #tpu.memory_space<hbm>> -> memref<112x768xf32, #tpu.memory_space<hbm>>
      %dma_start3A_9 = arith.constant 0 : i32
      %dma_start3A_10 = tpu.memref_slice %arg4[%mul3A_2, %dma_start3A_9] : memref<3584x768xf32, #tpu.memory_space<hbm>> -> memref<112x768xf32, #tpu.memory_space<hbm>>
      tpu.enqueue_dma source(%arg6 : memref<112x768xf32, #tpu.memory_space<vmem>>) target(%dma_start3A_10 : memref<112x768xf32, #tpu.memory_space<hbm>>) target_semaphore(%run_scoped3A : memref<!tpu.dma_semaphore, #tpu.memory_space<semaphore_mem>>)
      %dma_wait3A_11 = arith.constant 0 : i32
      %dma_wait3A_12 = tpu.memref_slice %arg4[%mul3A_2, %dma_wait3A_11] : memref<3584x768xf32, #tpu.memory_space<hbm>> -> memref<112x768xf32, #tpu.memory_space<hbm>>
      %dma_wait3A_13 = arith.constant 0 : i32
      %dma_wait3A_14 = tpu.memref_slice %arg4[%mul3A_2, %dma_wait3A_13] : memref<3584x768xf32, #tpu.memory_space<hbm>> -> memref<112x768xf32, #tpu.memory_space<hbm>>
      tpu.wait_dma2 semaphore(%run_scoped3A : memref<!tpu.dma_semaphore, #tpu.memory_space<semaphore_mem>>) src(%arg6 : memref<112x768xf32, #tpu.memory_space<vmem>>) dst(%dma_wait3A_14 : memref<112x768xf32, #tpu.memory_space<hbm>>)
      tpu.yield
    }) : () -> ()
    return
  }
}

module attributes {stable_mosaic.version = 14 : i64} {
  func.func @_pre_body(%arg0: i32, %arg1: memref<256x768xf32, #tpu.memory_space<vmem>>, %arg2: memref<1x768xf32, #tpu.memory_space<vmem>>, %arg3: memref<1x768xf32, #tpu.memory_space<vmem>>, %arg4: memref<768x768xbf16, #tpu.memory_space<vmem>>, %arg5: memref<768x768xbf16, #tpu.memory_space<vmem>>, %arg6: memref<768x72xbf16, #tpu.memory_space<vmem>>, %arg7: memref<768x72xbf16, #tpu.memory_space<vmem>>, %arg8: memref<6x768x768xbf16, #tpu.memory_space<vmem>>, %arg9: memref<256x768xbf16, #tpu.memory_space<vmem>>, %arg10: memref<256x768xbf16, #tpu.memory_space<vmem>>, %arg11: memref<256x768xbf16, #tpu.memory_space<vmem>>, %arg12: memref<256x12xf32, #tpu.memory_space<vmem>>, %arg13: memref<256x12xi32, #tpu.memory_space<vmem>>) attributes {dimension_semantics = [#tpu.dimension_semantics<arbitrary>], iteration_bounds = array<i64: 8>, scalar_prefetch = 0 : i64, scratch_operands = 0 : i64, tpu.core_type = #tpu.core_type<tc>, window_params = [{transform_indices = @transform_0, window_bounds = array<i64: 256, 768>}, {pipeline_mode = #tpu.pipeline_mode<synchronous>, transform_indices = @transform_1, window_bounds = array<i64: 1, 768>}, {pipeline_mode = #tpu.pipeline_mode<synchronous>, transform_indices = @transform_2, window_bounds = array<i64: 1, 768>}, {pipeline_mode = #tpu.pipeline_mode<synchronous>, transform_indices = @transform_3, window_bounds = array<i64: 768, 768>}, {pipeline_mode = #tpu.pipeline_mode<synchronous>, transform_indices = @transform_4, window_bounds = array<i64: 768, 768>}, {pipeline_mode = #tpu.pipeline_mode<synchronous>, transform_indices = @transform_5, window_bounds = array<i64: 768, 72>}, {pipeline_mode = #tpu.pipeline_mode<synchronous>, transform_indices = @transform_6, window_bounds = array<i64: 768, 72>}, {pipeline_mode = #tpu.pipeline_mode<synchronous>, transform_indices = @transform_7, window_bounds = array<i64: 6, 768, 768>}, {transform_indices = @transform_8, window_bounds = array<i64: 256, 768>}, {transform_indices = @transform_9, window_bounds = array<i64: 256, 768>}, {transform_indices = @transform_10, window_bounds = array<i64: 256, 768>}, {transform_indices = @transform_11, window_bounds = array<i64: 256, 12>}, {transform_indices = @transform_12, window_bounds = array<i64: 256, 12>}]} {
    %get3A = arith.constant 0 : index
    %get3A_0 = arith.constant 0 : index
    %get3A_1 = vector.load %arg1[%get3A, %get3A_0] : memref<256x768xf32, #tpu.memory_space<vmem>>, vector<256x768xf32>
    %get3A_2 = arith.constant 0 : index
    %get3A_3 = arith.constant 0 : index
    %get3A_4 = vector.load %arg2[%get3A_2, %get3A_3] : memref<1x768xf32, #tpu.memory_space<vmem>>, vector<1x768xf32>
    %get3A_5 = arith.constant 0 : index
    %get3A_6 = arith.constant 0 : index
    %get3A_7 = vector.load %arg3[%get3A_5, %get3A_6] : memref<1x768xf32, #tpu.memory_space<vmem>>, vector<1x768xf32>
    %reduce_sum3A = arith.constant dense<0.000000e+00> : vector<256xf32>
    %reduce_sum3A_8 = vector.multi_reduction <add>, %get3A_1, %reduce_sum3A [1] : vector<256x768xf32> to vector<256xf32>
    %broadcast_in_dim3A = vector.shape_cast %reduce_sum3A_8 : vector<256xf32> to vector<256x1xf32>
    %div3A = arith.constant 7.680000e+02 : f32
    %div3A_9 = vector.broadcast %div3A : f32 to vector<256x1xf32>
    %div3A_10 = arith.divf %broadcast_in_dim3A, %div3A_9 : vector<256x1xf32>
    %jit3A = arith.constant 0 : i32
    %reduce_sum3A_11 = arith.constant dense<0.000000e+00> : vector<256xf32>
    %reduce_sum3A_12 = vector.multi_reduction <add>, %get3A_1, %reduce_sum3A_11 [1] : vector<256x768xf32> to vector<256xf32>
    %broadcast_in_dim3A_13 = vector.shape_cast %reduce_sum3A_12 : vector<256xf32> to vector<256x1xf32>
    %div3A_14 = arith.constant 7.680000e+02 : f32
    %div3A_15 = vector.broadcast %div3A_14 : f32 to vector<256x1xf32>
    %div3A_16 = arith.divf %broadcast_in_dim3A_13, %div3A_15 : vector<256x1xf32>
    %sub3A = vector.broadcast %div3A_16 : vector<256x1xf32> to vector<256x768xf32>
    %sub3A_17 = arith.subf %get3A_1, %sub3A : vector<256x768xf32>
    %square3A = arith.mulf %sub3A_17, %sub3A_17 : vector<256x768xf32>
    %convert_element_type3A = arith.sitofp %jit3A : i32 to f32
    %sub3A_18 = arith.constant 7.680000e+02 : f32
    %sub3A_19 = arith.subf %sub3A_18, %convert_element_type3A : f32
    %reduce_sum3A_20 = arith.constant dense<0.000000e+00> : vector<256xf32>
    %reduce_sum3A_21 = vector.multi_reduction <add>, %square3A, %reduce_sum3A_20 [1] : vector<256x768xf32> to vector<256xf32>
    %broadcast_in_dim3A_22 = vector.shape_cast %reduce_sum3A_21 : vector<256xf32> to vector<256x1xf32>
    %div3A_23 = vector.broadcast %sub3A_19 : f32 to vector<256x1xf32>
    %div3A_24 = arith.divf %broadcast_in_dim3A_22, %div3A_23 : vector<256x1xf32>
    %gt3A = arith.constant 0.000000e+00 : f32
    %gt3A_25 = arith.cmpf ogt, %sub3A_19, %gt3A : f32
    %jit3A_26 = arith.constant 0x7FC00000 : f32
    %broadcast_in_dim3A_27 = vector.broadcast %jit3A_26 : f32 to vector<256x1xf32>
    %select_n3A = arith.select %gt3A_25, %div3A_24, %broadcast_in_dim3A_27 : vector<256x1xf32>
    %sub3A_28 = vector.broadcast %div3A_10 : vector<256x1xf32> to vector<256x768xf32>
    %sub3A_29 = arith.subf %get3A_1, %sub3A_28 : vector<256x768xf32>
    %add3A = arith.constant 9.99999974E-6 : f32
    %add3A_30 = vector.broadcast %add3A : f32 to vector<256x1xf32>
    %add3A_31 = arith.addf %select_n3A, %add3A_30 : vector<256x1xf32>
    %sqrt3A = math.sqrt %add3A_31 : vector<256x1xf32>
    %div3A_32 = vector.broadcast %sqrt3A : vector<256x1xf32> to vector<256x768xf32>
    %div3A_33 = arith.divf %sub3A_29, %div3A_32 : vector<256x768xf32>
    %mul3A = vector.broadcast %get3A_4 : vector<1x768xf32> to vector<256x768xf32>
    %mul3A_34 = arith.mulf %div3A_33, %mul3A : vector<256x768xf32>
    %add3A_35 = vector.broadcast %get3A_7 : vector<1x768xf32> to vector<256x768xf32>
    %add3A_36 = arith.addf %mul3A_34, %add3A_35 : vector<256x768xf32>
    %convert_element_type3A_37 = arith.truncf %add3A_36 : vector<256x768xf32> to vector<256x768xbf16>
    %get3A_38 = arith.constant 0 : index
    %get3A_39 = arith.constant 0 : index
    %get3A_40 = vector.load %arg4[%get3A_38, %get3A_39] : memref<768x768xbf16, #tpu.memory_space<vmem>>, vector<768x768xbf16>
    %dot_general3A = arith.constant dense<0.000000e+00> : vector<256x768xf32>
    %dot_general3A_41 = tpu.matmul %convert_element_type3A_37, %get3A_40, %dot_general3A {dimension_numbers = #tpu.dot_dimension_numbers<[1], [0], [0], [1], [0, 0, 1, 1], [], []>, transpose_lhs_hint = false} : vector<256x768xbf16>, vector<768x768xbf16>, vector<256x768xf32> -> vector<256x768xf32>
    %convert_element_type3A_42 = arith.truncf %dot_general3A_41 : vector<256x768xf32> to vector<256x768xbf16>
    %swap3A = arith.constant 0 : index
    %swap3A_43 = arith.constant 0 : index
    %swap3A_44 = vector.load %arg9[%swap3A, %swap3A_43] : memref<256x768xbf16, #tpu.memory_space<vmem>>, vector<256x768xbf16>
    tpu.vector_store %arg9[%swap3A, %swap3A_43], %convert_element_type3A_42 {strides = array<i32>} : memref<256x768xbf16, #tpu.memory_space<vmem>>, vector<256x768xbf16>,
    %get3A_45 = arith.constant 0 : index
    %get3A_46 = arith.constant 0 : index
    %get3A_47 = vector.load %arg5[%get3A_45, %get3A_46] : memref<768x768xbf16, #tpu.memory_space<vmem>>, vector<768x768xbf16>
    %dot_general3A_48 = arith.constant dense<0.000000e+00> : vector<256x768xf32>
    %dot_general3A_49 = tpu.matmul %convert_element_type3A_37, %get3A_47, %dot_general3A_48 {dimension_numbers = #tpu.dot_dimension_numbers<[1], [0], [0], [1], [0, 0, 1, 1], [], []>, transpose_lhs_hint = false} : vector<256x768xbf16>, vector<768x768xbf16>, vector<256x768xf32> -> vector<256x768xf32>
    %convert_element_type3A_50 = arith.truncf %dot_general3A_49 : vector<256x768xf32> to vector<256x768xbf16>
    %swap3A_51 = arith.constant 0 : index
    %swap3A_52 = arith.constant 0 : index
    %swap3A_53 = vector.load %arg10[%swap3A_51, %swap3A_52] : memref<256x768xbf16, #tpu.memory_space<vmem>>, vector<256x768xbf16>
    tpu.vector_store %arg10[%swap3A_51, %swap3A_52], %convert_element_type3A_50 {strides = array<i32>} : memref<256x768xbf16, #tpu.memory_space<vmem>>, vector<256x768xbf16>,
    %get3A_54 = arith.constant 0 : index
    %get3A_55 = arith.constant 0 : index
    %get3A_56 = vector.load %arg6[%get3A_54, %get3A_55] : memref<768x72xbf16, #tpu.memory_space<vmem>>, vector<768x72xbf16>
    %dot_general3A_57 = arith.constant dense<0.000000e+00> : vector<256x72xf32>
    %dot_general3A_58 = tpu.matmul %convert_element_type3A_37, %get3A_56, %dot_general3A_57 {dimension_numbers = #tpu.dot_dimension_numbers<[1], [0], [0], [1], [0, 0, 1, 1], [], []>, transpose_lhs_hint = false} : vector<256x768xbf16>, vector<768x72xbf16>, vector<256x72xf32> -> vector<256x72xf32>
    %get3A_59 = arith.constant 0 : index
    %get3A_60 = arith.constant 0 : index
    %get3A_61 = vector.load %arg7[%get3A_59, %get3A_60] : memref<768x72xbf16, #tpu.memory_space<vmem>>, vector<768x72xbf16>
    %dot_general3A_62 = arith.constant dense<0.000000e+00> : vector<256x72xf32>
    %dot_general3A_63 = tpu.matmul %convert_element_type3A_37, %get3A_61, %dot_general3A_62 {dimension_numbers = #tpu.dot_dimension_numbers<[1], [0], [0], [1], [0, 0, 1, 1], [], []>, transpose_lhs_hint = false} : vector<256x768xbf16>, vector<768x72xbf16>, vector<256x72xf32> -> vector<256x72xf32>
    %broadcast_in_dim3A_64 = arith.constant 0xFF800000 : f32
    %broadcast_in_dim3A_65 = vector.broadcast %broadcast_in_dim3A_64 : f32 to vector<256x12xf32>
    %broadcast_in_dim3A_66 = arith.constant 0 : i32
    %broadcast_in_dim3A_67 = vector.broadcast %broadcast_in_dim3A_66 : i32 to vector<256x12xi32>
    %slice3A = vector.extract_strided_slice %dot_general3A_58 {offsets = [0, 0], sizes = [256, 12], strides = [1, 1]} : vector<256x72xf32> to vector<256x12xf32>
    %gt3A_68 = arith.cmpf ogt, %slice3A, %broadcast_in_dim3A_65 : vector<256x12xf32>
    %select_n3A_69 = arith.select %gt3A_68, %slice3A, %broadcast_in_dim3A_65 : vector<256x12xi1>, vector<256x12xf32>
    %jit3A_70 = arith.constant 0 : i32
    %broadcast_in_dim3A_71 = vector.broadcast %jit3A_70 : i32 to vector<256x12xi32>
    %select_n3A_72 = arith.select %gt3A_68, %broadcast_in_dim3A_71, %broadcast_in_dim3A_67 : vector<256x12xi1>, vector<256x12xi32>
    %slice3A_73 = vector.extract_strided_slice %dot_general3A_58 {offsets = [0, 12], sizes = [256, 12], strides = [1, 1]} : vector<256x72xf32> to vector<256x12xf32>
    %gt3A_74 = arith.cmpf ogt, %slice3A_73, %select_n3A_69 : vector<256x12xf32>
    %select_n3A_75 = arith.select %gt3A_74, %slice3A_73, %select_n3A_69 : vector<256x12xi1>, vector<256x12xf32>
    %jit3A_76 = arith.constant 1 : i32
    %broadcast_in_dim3A_77 = vector.broadcast %jit3A_76 : i32 to vector<256x12xi32>
    %select_n3A_78 = arith.select %gt3A_74, %broadcast_in_dim3A_77, %select_n3A_72 : vector<256x12xi1>, vector<256x12xi32>
    %slice3A_79 = vector.extract_strided_slice %dot_general3A_58 {offsets = [0, 24], sizes = [256, 12], strides = [1, 1]} : vector<256x72xf32> to vector<256x12xf32>
    %gt3A_80 = arith.cmpf ogt, %slice3A_79, %select_n3A_75 : vector<256x12xf32>
    %select_n3A_81 = arith.select %gt3A_80, %slice3A_79, %select_n3A_75 : vector<256x12xi1>, vector<256x12xf32>
    %jit3A_82 = arith.constant 2 : i32
    %broadcast_in_dim3A_83 = vector.broadcast %jit3A_82 : i32 to vector<256x12xi32>
    %select_n3A_84 = arith.select %gt3A_80, %broadcast_in_dim3A_83, %select_n3A_78 : vector<256x12xi1>, vector<256x12xi32>
    %slice3A_85 = vector.extract_strided_slice %dot_general3A_58 {offsets = [0, 36], sizes = [256, 12], strides = [1, 1]} : vector<256x72xf32> to vector<256x12xf32>
    %gt3A_86 = arith.cmpf ogt, %slice3A_85, %select_n3A_81 : vector<256x12xf32>
    %select_n3A_87 = arith.select %gt3A_86, %slice3A_85, %select_n3A_81 : vector<256x12xi1>, vector<256x12xf32>
    %jit3A_88 = arith.constant 3 : i32
    %broadcast_in_dim3A_89 = vector.broadcast %jit3A_88 : i32 to vector<256x12xi32>
    %select_n3A_90 = arith.select %gt3A_86, %broadcast_in_dim3A_89, %select_n3A_84 : vector<256x12xi1>, vector<256x12xi32>
    %slice3A_91 = vector.extract_strided_slice %dot_general3A_58 {offsets = [0, 48], sizes = [256, 12], strides = [1, 1]} : vector<256x72xf32> to vector<256x12xf32>
    %gt3A_92 = arith.cmpf ogt, %slice3A_91, %select_n3A_87 : vector<256x12xf32>
    %select_n3A_93 = arith.select %gt3A_92, %slice3A_91, %select_n3A_87 : vector<256x12xi1>, vector<256x12xf32>
    %jit3A_94 = arith.constant 4 : i32
    %broadcast_in_dim3A_95 = vector.broadcast %jit3A_94 : i32 to vector<256x12xi32>
    %select_n3A_96 = arith.select %gt3A_92, %broadcast_in_dim3A_95, %select_n3A_90 : vector<256x12xi1>, vector<256x12xi32>
    %slice3A_97 = vector.extract_strided_slice %dot_general3A_58 {offsets = [0, 60], sizes = [256, 12], strides = [1, 1]} : vector<256x72xf32> to vector<256x12xf32>
    %gt3A_98 = arith.cmpf ogt, %slice3A_97, %select_n3A_93 : vector<256x12xf32>
    %select_n3A_99 = arith.select %gt3A_98, %slice3A_97, %select_n3A_93 : vector<256x12xi1>, vector<256x12xf32>
    %jit3A_100 = arith.constant 5 : i32
    %broadcast_in_dim3A_101 = vector.broadcast %jit3A_100 : i32 to vector<256x12xi32>
    %select_n3A_102 = arith.select %gt3A_98, %broadcast_in_dim3A_101, %select_n3A_96 : vector<256x12xi1>, vector<256x12xi32>
    %logistic3A = arith.negf %select_n3A_99 : vector<256x12xf32>
    %logistic3A_103 = math.exp %logistic3A : vector<256x12xf32>
    %logistic3A_104 = arith.constant 1.000000e+00 : f32
    %logistic3A_105 = vector.broadcast %logistic3A_104 : f32 to vector<256x12xf32>
    %logistic3A_106 = arith.addf %logistic3A_105, %logistic3A_103 : vector<256x12xf32>
    %logistic3A_107 = arith.divf %logistic3A_105, %logistic3A_106 : vector<256x12xf32>
    %broadcast_in_dim3A_108 = arith.constant 0xFF800000 : f32
    %broadcast_in_dim3A_109 = vector.broadcast %broadcast_in_dim3A_108 : f32 to vector<256x12xf32>
    %broadcast_in_dim3A_110 = arith.constant 0 : i32
    %broadcast_in_dim3A_111 = vector.broadcast %broadcast_in_dim3A_110 : i32 to vector<256x12xi32>
    %slice3A_112 = vector.extract_strided_slice %dot_general3A_63 {offsets = [0, 0], sizes = [256, 12], strides = [1, 1]} : vector<256x72xf32> to vector<256x12xf32>
    %gt3A_113 = arith.cmpf ogt, %slice3A_112, %broadcast_in_dim3A_109 : vector<256x12xf32>
    %select_n3A_114 = arith.select %gt3A_113, %slice3A_112, %broadcast_in_dim3A_109 : vector<256x12xi1>, vector<256x12xf32>
    %jit3A_115 = arith.constant 0 : i32
    %broadcast_in_dim3A_116 = vector.broadcast %jit3A_115 : i32 to vector<256x12xi32>
    %select_n3A_117 = arith.select %gt3A_113, %broadcast_in_dim3A_116, %broadcast_in_dim3A_111 : vector<256x12xi1>, vector<256x12xi32>
    %slice3A_118 = vector.extract_strided_slice %dot_general3A_63 {offsets = [0, 12], sizes = [256, 12], strides = [1, 1]} : vector<256x72xf32> to vector<256x12xf32>
    %gt3A_119 = arith.cmpf ogt, %slice3A_118, %select_n3A_114 : vector<256x12xf32>
    %select_n3A_120 = arith.select %gt3A_119, %slice3A_118, %select_n3A_114 : vector<256x12xi1>, vector<256x12xf32>
    %jit3A_121 = arith.constant 1 : i32
    %broadcast_in_dim3A_122 = vector.broadcast %jit3A_121 : i32 to vector<256x12xi32>
    %select_n3A_123 = arith.select %gt3A_119, %broadcast_in_dim3A_122, %select_n3A_117 : vector<256x12xi1>, vector<256x12xi32>
    %slice3A_124 = vector.extract_strided_slice %dot_general3A_63 {offsets = [0, 24], sizes = [256, 12], strides = [1, 1]} : vector<256x72xf32> to vector<256x12xf32>
    %gt3A_125 = arith.cmpf ogt, %slice3A_124, %select_n3A_120 : vector<256x12xf32>
    %select_n3A_126 = arith.select %gt3A_125, %slice3A_124, %select_n3A_120 : vector<256x12xi1>, vector<256x12xf32>
    %jit3A_127 = arith.constant 2 : i32
    %broadcast_in_dim3A_128 = vector.broadcast %jit3A_127 : i32 to vector<256x12xi32>
    %select_n3A_129 = arith.select %gt3A_125, %broadcast_in_dim3A_128, %select_n3A_123 : vector<256x12xi1>, vector<256x12xi32>
    %slice3A_130 = vector.extract_strided_slice %dot_general3A_63 {offsets = [0, 36], sizes = [256, 12], strides = [1, 1]} : vector<256x72xf32> to vector<256x12xf32>
    %gt3A_131 = arith.cmpf ogt, %slice3A_130, %select_n3A_126 : vector<256x12xf32>
    %select_n3A_132 = arith.select %gt3A_131, %slice3A_130, %select_n3A_126 : vector<256x12xi1>, vector<256x12xf32>
    %jit3A_133 = arith.constant 3 : i32
    %broadcast_in_dim3A_134 = vector.broadcast %jit3A_133 : i32 to vector<256x12xi32>
    %select_n3A_135 = arith.select %gt3A_131, %broadcast_in_dim3A_134, %select_n3A_129 : vector<256x12xi1>, vector<256x12xi32>
    %slice3A_136 = vector.extract_strided_slice %dot_general3A_63 {offsets = [0, 48], sizes = [256, 12], strides = [1, 1]} : vector<256x72xf32> to vector<256x12xf32>
    %gt3A_137 = arith.cmpf ogt, %slice3A_136, %select_n3A_132 : vector<256x12xf32>
    %select_n3A_138 = arith.select %gt3A_137, %slice3A_136, %select_n3A_132 : vector<256x12xi1>, vector<256x12xf32>
    %jit3A_139 = arith.constant 4 : i32
    %broadcast_in_dim3A_140 = vector.broadcast %jit3A_139 : i32 to vector<256x12xi32>
    %select_n3A_141 = arith.select %gt3A_137, %broadcast_in_dim3A_140, %select_n3A_135 : vector<256x12xi1>, vector<256x12xi32>
    %slice3A_142 = vector.extract_strided_slice %dot_general3A_63 {offsets = [0, 60], sizes = [256, 12], strides = [1, 1]} : vector<256x72xf32> to vector<256x12xf32>
    %gt3A_143 = arith.cmpf ogt, %slice3A_142, %select_n3A_138 : vector<256x12xf32>
    %select_n3A_144 = arith.select %gt3A_143, %slice3A_142, %select_n3A_138 : vector<256x12xi1>, vector<256x12xf32>
    %jit3A_145 = arith.constant 5 : i32
    %broadcast_in_dim3A_146 = vector.broadcast %jit3A_145 : i32 to vector<256x12xi32>
    %select_n3A_147 = arith.select %gt3A_143, %broadcast_in_dim3A_146, %select_n3A_141 : vector<256x12xi1>, vector<256x12xi32>
    %logistic3A_148 = arith.negf %select_n3A_144 : vector<256x12xf32>
    %logistic3A_149 = math.exp %logistic3A_148 : vector<256x12xf32>
    %logistic3A_150 = arith.constant 1.000000e+00 : f32
    %logistic3A_151 = vector.broadcast %logistic3A_150 : f32 to vector<256x12xf32>
    %logistic3A_152 = arith.addf %logistic3A_151, %logistic3A_149 : vector<256x12xf32>
    %logistic3A_153 = arith.divf %logistic3A_151, %logistic3A_152 : vector<256x12xf32>
    %swap3A_154 = arith.constant 0 : index
    %swap3A_155 = arith.constant 0 : index
    %swap3A_156 = vector.load %arg12[%swap3A_154, %swap3A_155] : memref<256x12xf32, #tpu.memory_space<vmem>>, vector<256x12xf32>
    tpu.vector_store %arg12[%swap3A_154, %swap3A_155], %logistic3A_153 {strides = array<i32>} : memref<256x12xf32, #tpu.memory_space<vmem>>, vector<256x12xf32>,
    %swap3A_157 = arith.constant 0 : index
    %swap3A_158 = arith.constant 0 : index
    %swap3A_159 = vector.load %arg13[%swap3A_157, %swap3A_158] : memref<256x12xi32, #tpu.memory_space<vmem>>, vector<256x12xi32>
    tpu.vector_store %arg13[%swap3A_157, %swap3A_158], %select_n3A_147 {strides = array<i32>} : memref<256x12xi32, #tpu.memory_space<vmem>>, vector<256x12xi32>,
    %iota3A = tpu.iota {dimensions = array<i32: 0>} : vector<12x768xi32>
    %iota3A_160 = tpu.iota {dimensions = array<i32: 1>} : vector<12x768xi32>
    %jit3A_161 = arith.constant 64 : i32
    %div3A_162 = vector.broadcast %jit3A_161 : i32 to vector<12x768xi32>
    %div3A_163 = arith.divsi %iota3A_160, %div3A_162 : vector<12x768xi32>
    %sign3A = arith.constant 0 : i32
    %sign3A_164 = vector.broadcast %sign3A : i32 to vector<12x768xi32>
    %sign3A_165 = arith.cmpi sgt, %iota3A_160, %sign3A_164 : vector<12x768xi32>
    %sign3A_166 = arith.extui %sign3A_165 : vector<12x768xi1> to vector<12x768xi32>
    %sign3A_167 = arith.constant 0 : i32
    %sign3A_168 = vector.broadcast %sign3A_167 : i32 to vector<12x768xi32>
    %sign3A_169 = arith.cmpi slt, %iota3A_160, %sign3A_168 : vector<12x768xi32>
    %sign3A_170 = arith.extui %sign3A_169 : vector<12x768xi1> to vector<12x768xi32>
    %sign3A_171 = arith.subi %sign3A_166, %sign3A_170 : vector<12x768xi32>
    %sign3A_172 = arith.constant 0 : i32
    %sign3A_173 = arith.cmpi sgt, %jit3A_161, %sign3A_172 : i32
    %sign3A_174 = arith.extui %sign3A_173 : i1 to i32
    %sign3A_175 = arith.constant 0 : i32
    %sign3A_176 = arith.cmpi slt, %jit3A_161, %sign3A_175 : i32
    %sign3A_177 = arith.extui %sign3A_176 : i1 to i32
    %sign3A_178 = arith.subi %sign3A_174, %sign3A_177 : i32
    %ne3A = vector.broadcast %sign3A_178 : i32 to vector<12x768xi32>
    %ne3A_179 = arith.cmpi ne, %sign3A_171, %ne3A : vector<12x768xi32>
    %rem3A = vector.broadcast %jit3A_161 : i32 to vector<12x768xi32>
    %rem3A_180 = arith.remsi %iota3A_160, %rem3A : vector<12x768xi32>
    %ne3A_181 = arith.constant 0 : i32
    %ne3A_182 = vector.broadcast %ne3A_181 : i32 to vector<12x768xi32>
    %ne3A_183 = arith.cmpi ne, %rem3A_180, %ne3A_182 : vector<12x768xi32>
    %and3A = arith.andi %ne3A_179, %ne3A_183 : vector<12x768xi1>
    %sub3A_184 = arith.constant 1 : i32
    %sub3A_185 = vector.broadcast %sub3A_184 : i32 to vector<12x768xi32>
    %sub3A_186 = arith.subi %div3A_163, %sub3A_185 : vector<12x768xi32>
    %select_n3A_187 = arith.select %and3A, %sub3A_186, %div3A_163 : vector<12x768xi1>, vector<12x768xi32>
    %eq3A = arith.cmpi eq, %select_n3A_187, %iota3A : vector<12x768xi32>
    %convert_element_type3A_188 = arith.extui %eq3A : vector<12x768xi1> to vector<12x768xi32>
    %convert_element_type3A_189 = arith.sitofp %convert_element_type3A_188 : vector<12x768xi32> to vector<12x768xf32>
    %convert_element_type3A_190 = arith.truncf %logistic3A_107 : vector<256x12xf32> to vector<256x12xbf16>
    %convert_element_type3A_191 = arith.extf %convert_element_type3A_190 : vector<256x12xbf16> to vector<256x12xf32>
    %broadcast_in_dim3A_192 = arith.constant 0.000000e+00 : f32
    %broadcast_in_dim3A_193 = vector.broadcast %broadcast_in_dim3A_192 : f32 to vector<256x768xf32>
    %get3A_194 = arith.constant 0 : index
    %get3A_195 = arith.constant 0 : index
    %get3A_196 = arith.constant 0 : index
    %get3A_197 = vector.load %arg8[%get3A_194, %get3A_195, %get3A_196] : memref<6x768x768xbf16, #tpu.memory_space<vmem>>, vector<1x768x768xbf16>
    %get3A_198 = vector.shape_cast %get3A_197 : vector<1x768x768xbf16> to vector<768x768xbf16>
    %dot_general3A_199 = arith.constant dense<0.000000e+00> : vector<256x768xf32>
    %dot_general3A_200 = tpu.matmul %convert_element_type3A_37, %get3A_198, %dot_general3A_199 {dimension_numbers = #tpu.dot_dimension_numbers<[1], [0], [0], [1], [0, 0, 1, 1], [], []>, transpose_lhs_hint = false} : vector<256x768xbf16>, vector<768x768xbf16>, vector<256x768xf32> -> vector<256x768xf32>
    %convert_element_type3A_201 = arith.truncf %dot_general3A_200 : vector<256x768xf32> to vector<256x768xbf16>
    %convert_element_type3A_202 = arith.extf %convert_element_type3A_201 : vector<256x768xbf16> to vector<256x768xf32>
    %eq3A_203 = arith.constant 0 : i32
    %eq3A_204 = vector.broadcast %eq3A_203 : i32 to vector<256x12xi32>
    %eq3A_205 = arith.cmpi eq, %select_n3A_102, %eq3A_204 : vector<256x12xi32>
    %jit3A_206 = arith.constant 0.000000e+00 : f32
    %broadcast_in_dim3A_207 = vector.broadcast %jit3A_206 : f32 to vector<256x12xf32>
    %select_n3A_208 = arith.select %eq3A_205, %convert_element_type3A_191, %broadcast_in_dim3A_207 : vector<256x12xi1>, vector<256x12xf32>
    %dot_general3A_209 = arith.constant dense<0.000000e+00> : vector<256x768xf32>
    %dot_general3A_210 = tpu.matmul %select_n3A_208, %convert_element_type3A_189, %dot_general3A_209 {dimension_numbers = #tpu.dot_dimension_numbers<[1], [0], [0], [1], [0, 0, 1, 1], [], []>, transpose_lhs_hint = false} : vector<256x12xf32>, vector<12x768xf32>, vector<256x768xf32> -> vector<256x768xf32>
    %mul3A_211 = arith.mulf %dot_general3A_210, %convert_element_type3A_202 : vector<256x768xf32>
    %add3A_212 = arith.addf %broadcast_in_dim3A_193, %mul3A_211 : vector<256x768xf32>
    %get3A_213 = arith.constant 1 : index
    %get3A_214 = arith.constant 0 : index
    %get3A_215 = arith.constant 0 : index
    %get3A_216 = vector.load %arg8[%get3A_213, %get3A_214, %get3A_215] : memref<6x768x768xbf16, #tpu.memory_space<vmem>>, vector<1x768x768xbf16>
    %get3A_217 = vector.shape_cast %get3A_216 : vector<1x768x768xbf16> to vector<768x768xbf16>
    %dot_general3A_218 = arith.constant dense<0.000000e+00> : vector<256x768xf32>
    %dot_general3A_219 = tpu.matmul %convert_element_type3A_37, %get3A_217, %dot_general3A_218 {dimension_numbers = #tpu.dot_dimension_numbers<[1], [0], [0], [1], [0, 0, 1, 1], [], []>, transpose_lhs_hint = false} : vector<256x768xbf16>, vector<768x768xbf16>, vector<256x768xf32> -> vector<256x768xf32>
    %convert_element_type3A_220 = arith.truncf %dot_general3A_219 : vector<256x768xf32> to vector<256x768xbf16>
    %convert_element_type3A_221 = arith.extf %convert_element_type3A_220 : vector<256x768xbf16> to vector<256x768xf32>
    %eq3A_222 = arith.constant 1 : i32
    %eq3A_223 = vector.broadcast %eq3A_222 : i32 to vector<256x12xi32>
    %eq3A_224 = arith.cmpi eq, %select_n3A_102, %eq3A_223 : vector<256x12xi32>
    %jit3A_225 = arith.constant 0.000000e+00 : f32
    %broadcast_in_dim3A_226 = vector.broadcast %jit3A_225 : f32 to vector<256x12xf32>
    %select_n3A_227 = arith.select %eq3A_224, %convert_element_type3A_191, %broadcast_in_dim3A_226 : vector<256x12xi1>, vector<256x12xf32>
    %dot_general3A_228 = arith.constant dense<0.000000e+00> : vector<256x768xf32>
    %dot_general3A_229 = tpu.matmul %select_n3A_227, %convert_element_type3A_189, %dot_general3A_228 {dimension_numbers = #tpu.dot_dimension_numbers<[1], [0], [0], [1], [0, 0, 1, 1], [], []>, transpose_lhs_hint = false} : vector<256x12xf32>, vector<12x768xf32>, vector<256x768xf32> -> vector<256x768xf32>
    %mul3A_230 = arith.mulf %dot_general3A_229, %convert_element_type3A_221 : vector<256x768xf32>
    %add3A_231 = arith.addf %add3A_212, %mul3A_230 : vector<256x768xf32>
    %get3A_232 = arith.constant 2 : index
    %get3A_233 = arith.constant 0 : index
    %get3A_234 = arith.constant 0 : index
    %get3A_235 = vector.load %arg8[%get3A_232, %get3A_233, %get3A_234] : memref<6x768x768xbf16, #tpu.memory_space<vmem>>, vector<1x768x768xbf16>
    %get3A_236 = vector.shape_cast %get3A_235 : vector<1x768x768xbf16> to vector<768x768xbf16>
    %dot_general3A_237 = arith.constant dense<0.000000e+00> : vector<256x768xf32>
    %dot_general3A_238 = tpu.matmul %convert_element_type3A_37, %get3A_236, %dot_general3A_237 {dimension_numbers = #tpu.dot_dimension_numbers<[1], [0], [0], [1], [0, 0, 1, 1], [], []>, transpose_lhs_hint = false} : vector<256x768xbf16>, vector<768x768xbf16>, vector<256x768xf32> -> vector<256x768xf32>
    %convert_element_type3A_239 = arith.truncf %dot_general3A_238 : vector<256x768xf32> to vector<256x768xbf16>
    %convert_element_type3A_240 = arith.extf %convert_element_type3A_239 : vector<256x768xbf16> to vector<256x768xf32>
    %eq3A_241 = arith.constant 2 : i32
    %eq3A_242 = vector.broadcast %eq3A_241 : i32 to vector<256x12xi32>
    %eq3A_243 = arith.cmpi eq, %select_n3A_102, %eq3A_242 : vector<256x12xi32>
    %jit3A_244 = arith.constant 0.000000e+00 : f32
    %broadcast_in_dim3A_245 = vector.broadcast %jit3A_244 : f32 to vector<256x12xf32>
    %select_n3A_246 = arith.select %eq3A_243, %convert_element_type3A_191, %broadcast_in_dim3A_245 : vector<256x12xi1>, vector<256x12xf32>
    %dot_general3A_247 = arith.constant dense<0.000000e+00> : vector<256x768xf32>
    %dot_general3A_248 = tpu.matmul %select_n3A_246, %convert_element_type3A_189, %dot_general3A_247 {dimension_numbers = #tpu.dot_dimension_numbers<[1], [0], [0], [1], [0, 0, 1, 1], [], []>, transpose_lhs_hint = false} : vector<256x12xf32>, vector<12x768xf32>, vector<256x768xf32> -> vector<256x768xf32>
    %mul3A_249 = arith.mulf %dot_general3A_248, %convert_element_type3A_240 : vector<256x768xf32>
    %add3A_250 = arith.addf %add3A_231, %mul3A_249 : vector<256x768xf32>
    %get3A_251 = arith.constant 3 : index
    %get3A_252 = arith.constant 0 : index
    %get3A_253 = arith.constant 0 : index
    %get3A_254 = vector.load %arg8[%get3A_251, %get3A_252, %get3A_253] : memref<6x768x768xbf16, #tpu.memory_space<vmem>>, vector<1x768x768xbf16>
    %get3A_255 = vector.shape_cast %get3A_254 : vector<1x768x768xbf16> to vector<768x768xbf16>
    %dot_general3A_256 = arith.constant dense<0.000000e+00> : vector<256x768xf32>
    %dot_general3A_257 = tpu.matmul %convert_element_type3A_37, %get3A_255, %dot_general3A_256 {dimension_numbers = #tpu.dot_dimension_numbers<[1], [0], [0], [1], [0, 0, 1, 1], [], []>, transpose_lhs_hint = false} : vector<256x768xbf16>, vector<768x768xbf16>, vector<256x768xf32> -> vector<256x768xf32>
    %convert_element_type3A_258 = arith.truncf %dot_general3A_257 : vector<256x768xf32> to vector<256x768xbf16>
    %convert_element_type3A_259 = arith.extf %convert_element_type3A_258 : vector<256x768xbf16> to vector<256x768xf32>
    %eq3A_260 = arith.constant 3 : i32
    %eq3A_261 = vector.broadcast %eq3A_260 : i32 to vector<256x12xi32>
    %eq3A_262 = arith.cmpi eq, %select_n3A_102, %eq3A_261 : vector<256x12xi32>
    %jit3A_263 = arith.constant 0.000000e+00 : f32
    %broadcast_in_dim3A_264 = vector.broadcast %jit3A_263 : f32 to vector<256x12xf32>
    %select_n3A_265 = arith.select %eq3A_262, %convert_element_type3A_191, %broadcast_in_dim3A_264 : vector<256x12xi1>, vector<256x12xf32>
    %dot_general3A_266 = arith.constant dense<0.000000e+00> : vector<256x768xf32>
    %dot_general3A_267 = tpu.matmul %select_n3A_265, %convert_element_type3A_189, %dot_general3A_266 {dimension_numbers = #tpu.dot_dimension_numbers<[1], [0], [0], [1], [0, 0, 1, 1], [], []>, transpose_lhs_hint = false} : vector<256x12xf32>, vector<12x768xf32>, vector<256x768xf32> -> vector<256x768xf32>
    %mul3A_268 = arith.mulf %dot_general3A_267, %convert_element_type3A_259 : vector<256x768xf32>
    %add3A_269 = arith.addf %add3A_250, %mul3A_268 : vector<256x768xf32>
    %get3A_270 = arith.constant 4 : index
    %get3A_271 = arith.constant 0 : index
    %get3A_272 = arith.constant 0 : index
    %get3A_273 = vector.load %arg8[%get3A_270, %get3A_271, %get3A_272] : memref<6x768x768xbf16, #tpu.memory_space<vmem>>, vector<1x768x768xbf16>
    %get3A_274 = vector.shape_cast %get3A_273 : vector<1x768x768xbf16> to vector<768x768xbf16>
    %dot_general3A_275 = arith.constant dense<0.000000e+00> : vector<256x768xf32>
    %dot_general3A_276 = tpu.matmul %convert_element_type3A_37, %get3A_274, %dot_general3A_275 {dimension_numbers = #tpu.dot_dimension_numbers<[1], [0], [0], [1], [0, 0, 1, 1], [], []>, transpose_lhs_hint = false} : vector<256x768xbf16>, vector<768x768xbf16>, vector<256x768xf32> -> vector<256x768xf32>
    %convert_element_type3A_277 = arith.truncf %dot_general3A_276 : vector<256x768xf32> to vector<256x768xbf16>
    %convert_element_type3A_278 = arith.extf %convert_element_type3A_277 : vector<256x768xbf16> to vector<256x768xf32>
    %eq3A_279 = arith.constant 4 : i32
    %eq3A_280 = vector.broadcast %eq3A_279 : i32 to vector<256x12xi32>
    %eq3A_281 = arith.cmpi eq, %select_n3A_102, %eq3A_280 : vector<256x12xi32>
    %jit3A_282 = arith.constant 0.000000e+00 : f32
    %broadcast_in_dim3A_283 = vector.broadcast %jit3A_282 : f32 to vector<256x12xf32>
    %select_n3A_284 = arith.select %eq3A_281, %convert_element_type3A_191, %broadcast_in_dim3A_283 : vector<256x12xi1>, vector<256x12xf32>
    %dot_general3A_285 = arith.constant dense<0.000000e+00> : vector<256x768xf32>
    %dot_general3A_286 = tpu.matmul %select_n3A_284, %convert_element_type3A_189, %dot_general3A_285 {dimension_numbers = #tpu.dot_dimension_numbers<[1], [0], [0], [1], [0, 0, 1, 1], [], []>, transpose_lhs_hint = false} : vector<256x12xf32>, vector<12x768xf32>, vector<256x768xf32> -> vector<256x768xf32>
    %mul3A_287 = arith.mulf %dot_general3A_286, %convert_element_type3A_278 : vector<256x768xf32>
    %add3A_288 = arith.addf %add3A_269, %mul3A_287 : vector<256x768xf32>
    %get3A_289 = arith.constant 5 : index
    %get3A_290 = arith.constant 0 : index
    %get3A_291 = arith.constant 0 : index
    %get3A_292 = vector.load %arg8[%get3A_289, %get3A_290, %get3A_291] : memref<6x768x768xbf16, #tpu.memory_space<vmem>>, vector<1x768x768xbf16>
    %get3A_293 = vector.shape_cast %get3A_292 : vector<1x768x768xbf16> to vector<768x768xbf16>
    %dot_general3A_294 = arith.constant dense<0.000000e+00> : vector<256x768xf32>
    %dot_general3A_295 = tpu.matmul %convert_element_type3A_37, %get3A_293, %dot_general3A_294 {dimension_numbers = #tpu.dot_dimension_numbers<[1], [0], [0], [1], [0, 0, 1, 1], [], []>, transpose_lhs_hint = false} : vector<256x768xbf16>, vector<768x768xbf16>, vector<256x768xf32> -> vector<256x768xf32>
    %convert_element_type3A_296 = arith.truncf %dot_general3A_295 : vector<256x768xf32> to vector<256x768xbf16>
    %convert_element_type3A_297 = arith.extf %convert_element_type3A_296 : vector<256x768xbf16> to vector<256x768xf32>
    %eq3A_298 = arith.constant 5 : i32
    %eq3A_299 = vector.broadcast %eq3A_298 : i32 to vector<256x12xi32>
    %eq3A_300 = arith.cmpi eq, %select_n3A_102, %eq3A_299 : vector<256x12xi32>
    %jit3A_301 = arith.constant 0.000000e+00 : f32
    %broadcast_in_dim3A_302 = vector.broadcast %jit3A_301 : f32 to vector<256x12xf32>
    %select_n3A_303 = arith.select %eq3A_300, %convert_element_type3A_191, %broadcast_in_dim3A_302 : vector<256x12xi1>, vector<256x12xf32>
    %dot_general3A_304 = arith.constant dense<0.000000e+00> : vector<256x768xf32>
    %dot_general3A_305 = tpu.matmul %select_n3A_303, %convert_element_type3A_189, %dot_general3A_304 {dimension_numbers = #tpu.dot_dimension_numbers<[1], [0], [0], [1], [0, 0, 1, 1], [], []>, transpose_lhs_hint = false} : vector<256x12xf32>, vector<12x768xf32>, vector<256x768xf32> -> vector<256x768xf32>
    %mul3A_306 = arith.mulf %dot_general3A_305, %convert_element_type3A_297 : vector<256x768xf32>
    %add3A_307 = arith.addf %add3A_288, %mul3A_306 : vector<256x768xf32>
    %convert_element_type3A_308 = arith.truncf %add3A_307 : vector<256x768xf32> to vector<256x768xbf16>
    %swap3A_309 = arith.constant 0 : index
    %swap3A_310 = arith.constant 0 : index
    %swap3A_311 = vector.load %arg11[%swap3A_309, %swap3A_310] : memref<256x768xbf16, #tpu.memory_space<vmem>>, vector<256x768xbf16>
    tpu.vector_store %arg11[%swap3A_309, %swap3A_310], %convert_element_type3A_308 {strides = array<i32>} : memref<256x768xbf16, #tpu.memory_space<vmem>>, vector<256x768xbf16>,
    return
  }
  func.func @transform_0(%arg0: i32) -> (i32, i32) {
    %c0_i32 = arith.constant 0 : i32
    %c0_i32_0 = arith.constant 0 : i32
    return %arg0, %c0_i32 : i32, i32
  }
  func.func @transform_1(%arg0: i32) -> (i32, i32) {
    %c0_i32 = arith.constant 0 : i32
    %c0_i32_0 = arith.constant 0 : i32
    %c0_i32_1 = arith.constant 0 : i32
    return %c0_i32, %c0_i32_0 : i32, i32
  }
  func.func @transform_2(%arg0: i32) -> (i32, i32) {
    %c0_i32 = arith.constant 0 : i32
    %c0_i32_0 = arith.constant 0 : i32
    %c0_i32_1 = arith.constant 0 : i32
    return %c0_i32, %c0_i32_0 : i32, i32
  }
  func.func @transform_3(%arg0: i32) -> (i32, i32) {
    %c0_i32 = arith.constant 0 : i32
    %c0_i32_0 = arith.constant 0 : i32
    %c0_i32_1 = arith.constant 0 : i32
    return %c0_i32, %c0_i32_0 : i32, i32
  }
  func.func @transform_4(%arg0: i32) -> (i32, i32) {
    %c0_i32 = arith.constant 0 : i32
    %c0_i32_0 = arith.constant 0 : i32
    %c0_i32_1 = arith.constant 0 : i32
    return %c0_i32, %c0_i32_0 : i32, i32
  }
  func.func @transform_5(%arg0: i32) -> (i32, i32) {
    %c0_i32 = arith.constant 0 : i32
    %c0_i32_0 = arith.constant 0 : i32
    %c0_i32_1 = arith.constant 0 : i32
    return %c0_i32, %c0_i32_0 : i32, i32
  }
  func.func @transform_6(%arg0: i32) -> (i32, i32) {
    %c0_i32 = arith.constant 0 : i32
    %c0_i32_0 = arith.constant 0 : i32
    %c0_i32_1 = arith.constant 0 : i32
    return %c0_i32, %c0_i32_0 : i32, i32
  }
  func.func @transform_7(%arg0: i32) -> (i32, i32, i32) {
    %c0_i32 = arith.constant 0 : i32
    %c0_i32_0 = arith.constant 0 : i32
    %c0_i32_1 = arith.constant 0 : i32
    %c0_i32_2 = arith.constant 0 : i32
    return %c0_i32, %c0_i32_0, %c0_i32_1 : i32, i32, i32
  }
  func.func @transform_8(%arg0: i32) -> (i32, i32) {
    %c0_i32 = arith.constant 0 : i32
    %c0_i32_0 = arith.constant 0 : i32
    return %arg0, %c0_i32 : i32, i32
  }
  func.func @transform_9(%arg0: i32) -> (i32, i32) {
    %c0_i32 = arith.constant 0 : i32
    %c0_i32_0 = arith.constant 0 : i32
    return %arg0, %c0_i32 : i32, i32
  }
  func.func @transform_10(%arg0: i32) -> (i32, i32) {
    %c0_i32 = arith.constant 0 : i32
    %c0_i32_0 = arith.constant 0 : i32
    return %arg0, %c0_i32 : i32, i32
  }
  func.func @transform_11(%arg0: i32) -> (i32, i32) {
    %c0_i32 = arith.constant 0 : i32
    %c0_i32_0 = arith.constant 0 : i32
    return %arg0, %c0_i32 : i32, i32
  }
  func.func @transform_12(%arg0: i32) -> (i32, i32) {
    %c0_i32 = arith.constant 0 : i32
    %c0_i32_0 = arith.constant 0 : i32
    return %arg0, %c0_i32 : i32, i32
  }
}

module attributes {stable_mosaic.version = 14 : i64} {
  func.func @_attn_body(%arg0: i32, %arg1: memref<512x768xbf16, #tpu.memory_space<vmem>>, %arg2: memref<2048x768xbf16, #tpu.memory_space<vmem>>, %arg3: memref<2048x768xbf16, #tpu.memory_space<vmem>>, %arg4: memref<512x768xbf16, #tpu.memory_space<vmem>>) attributes {dimension_semantics = [#tpu.dimension_semantics<arbitrary>], iteration_bounds = array<i64: 4>, scalar_prefetch = 0 : i64, scratch_operands = 0 : i64, tpu.core_type = #tpu.core_type<tc>, window_params = [{transform_indices = @transform_0, window_bounds = array<i64: 512, 768>}, {pipeline_mode = #tpu.pipeline_mode<synchronous>, transform_indices = @transform_1, window_bounds = array<i64: 2048, 768>}, {pipeline_mode = #tpu.pipeline_mode<synchronous>, transform_indices = @transform_2, window_bounds = array<i64: 2048, 768>}, {transform_indices = @transform_3, window_bounds = array<i64: 512, 768>}]} {
    %sqrt3A = arith.constant 6.400000e+01 : f32
    %sqrt3A_0 = math.sqrt %sqrt3A : f32
    %div3A = arith.constant 1.000000e+00 : f32
    %div3A_1 = arith.divf %div3A, %sqrt3A_0 : f32
    %get3A = arith.constant 0 : index
    %get3A_2 = arith.constant 0 : index
    %get3A_3 = vector.load %arg1[%get3A, %get3A_2] : memref<512x768xbf16, #tpu.memory_space<vmem>>, vector<512x64xbf16>
    %get3A_4 = arith.constant 0 : index
    %get3A_5 = arith.constant 0 : index
    %get3A_6 = vector.load %arg2[%get3A_4, %get3A_5] : memref<2048x768xbf16, #tpu.memory_space<vmem>>, vector<2048x64xbf16>
    %get3A_7 = arith.constant 0 : index
    %get3A_8 = arith.constant 0 : index
    %get3A_9 = vector.load %arg3[%get3A_7, %get3A_8] : memref<2048x768xbf16, #tpu.memory_space<vmem>>, vector<2048x64xbf16>
    %dot_general3A = arith.constant dense<0.000000e+00> : vector<512x2048xf32>
    %dot_general3A_10 = tpu.matmul %get3A_3, %get3A_6, %dot_general3A {dimension_numbers = #tpu.dot_dimension_numbers<[1], [1], [0], [0], [0, 0, 1, 0], [], []>, transpose_lhs_hint = false} : vector<512x64xbf16>, vector<2048x64xbf16>, vector<512x2048xf32> -> vector<512x2048xf32>
    %mul3A = vector.broadcast %div3A_1 : f32 to vector<512x2048xf32>
    %mul3A_11 = arith.mulf %dot_general3A_10, %mul3A : vector<512x2048xf32>
    %reduce_max3A = arith.constant dense<0xFF800000> : vector<512xf32>
    %reduce_max3A_12 = vector.multi_reduction <maximumf>, %mul3A_11, %reduce_max3A [1] : vector<512x2048xf32> to vector<512xf32>
    %broadcast_in_dim3A = vector.shape_cast %reduce_max3A_12 : vector<512xf32> to vector<512x1xf32>
    %sub3A = vector.broadcast %broadcast_in_dim3A : vector<512x1xf32> to vector<512x2048xf32>
    %sub3A_13 = arith.subf %mul3A_11, %sub3A : vector<512x2048xf32>
    %exp3A = math.exp %sub3A_13 : vector<512x2048xf32>
    %reduce_sum3A = arith.constant dense<0.000000e+00> : vector<512xf32>
    %reduce_sum3A_14 = vector.multi_reduction <add>, %exp3A, %reduce_sum3A [1] : vector<512x2048xf32> to vector<512xf32>
    %broadcast_in_dim3A_15 = vector.shape_cast %reduce_sum3A_14 : vector<512xf32> to vector<512x1xf32>
    %div3A_16 = arith.constant 1.000000e+00 : f32
    %div3A_17 = vector.broadcast %div3A_16 : f32 to vector<512x1xf32>
    %div3A_18 = arith.divf %div3A_17, %broadcast_in_dim3A_15 : vector<512x1xf32>
    %mul3A_19 = vector.broadcast %div3A_18 : vector<512x1xf32> to vector<512x2048xf32>
    %mul3A_20 = arith.mulf %exp3A, %mul3A_19 : vector<512x2048xf32>
    %convert_element_type3A = arith.truncf %mul3A_20 : vector<512x2048xf32> to vector<512x2048xbf16>
    %dot_general3A_21 = arith.constant dense<0.000000e+00> : vector<512x64xf32>
    %dot_general3A_22 = tpu.matmul %convert_element_type3A, %get3A_9, %dot_general3A_21 {dimension_numbers = #tpu.dot_dimension_numbers<[1], [0], [0], [1], [0, 0, 1, 1], [], []>, transpose_lhs_hint = false} : vector<512x2048xbf16>, vector<2048x64xbf16>, vector<512x64xf32> -> vector<512x64xf32>
    %convert_element_type3A_23 = arith.truncf %dot_general3A_22 : vector<512x64xf32> to vector<512x64xbf16>
    %swap3A = arith.constant 0 : index
    %swap3A_24 = arith.constant 0 : index
    %swap3A_25 = vector.load %arg4[%swap3A, %swap3A_24] : memref<512x768xbf16, #tpu.memory_space<vmem>>, vector<512x64xbf16>
    tpu.vector_store %arg4[%swap3A, %swap3A_24], %convert_element_type3A_23 {strides = array<i32>} : memref<512x768xbf16, #tpu.memory_space<vmem>>, vector<512x64xbf16>,
    %get3A_26 = arith.constant 0 : index
    %get3A_27 = arith.constant 64 : index
    %get3A_28 = vector.load %arg1[%get3A_26, %get3A_27] : memref<512x768xbf16, #tpu.memory_space<vmem>>, vector<512x64xbf16>
    %get3A_29 = arith.constant 0 : index
    %get3A_30 = arith.constant 64 : index
    %get3A_31 = vector.load %arg2[%get3A_29, %get3A_30] : memref<2048x768xbf16, #tpu.memory_space<vmem>>, vector<2048x64xbf16>
    %get3A_32 = arith.constant 0 : index
    %get3A_33 = arith.constant 64 : index
    %get3A_34 = vector.load %arg3[%get3A_32, %get3A_33] : memref<2048x768xbf16, #tpu.memory_space<vmem>>, vector<2048x64xbf16>
    %dot_general3A_35 = arith.constant dense<0.000000e+00> : vector<512x2048xf32>
    %dot_general3A_36 = tpu.matmul %get3A_28, %get3A_31, %dot_general3A_35 {dimension_numbers = #tpu.dot_dimension_numbers<[1], [1], [0], [0], [0, 0, 1, 0], [], []>, transpose_lhs_hint = false} : vector<512x64xbf16>, vector<2048x64xbf16>, vector<512x2048xf32> -> vector<512x2048xf32>
    %mul3A_37 = vector.broadcast %div3A_1 : f32 to vector<512x2048xf32>
    %mul3A_38 = arith.mulf %dot_general3A_36, %mul3A_37 : vector<512x2048xf32>
    %reduce_max3A_39 = arith.constant dense<0xFF800000> : vector<512xf32>
    %reduce_max3A_40 = vector.multi_reduction <maximumf>, %mul3A_38, %reduce_max3A_39 [1] : vector<512x2048xf32> to vector<512xf32>
    %broadcast_in_dim3A_41 = vector.shape_cast %reduce_max3A_40 : vector<512xf32> to vector<512x1xf32>
    %sub3A_42 = vector.broadcast %broadcast_in_dim3A_41 : vector<512x1xf32> to vector<512x2048xf32>
    %sub3A_43 = arith.subf %mul3A_38, %sub3A_42 : vector<512x2048xf32>
    %exp3A_44 = math.exp %sub3A_43 : vector<512x2048xf32>
    %reduce_sum3A_45 = arith.constant dense<0.000000e+00> : vector<512xf32>
    %reduce_sum3A_46 = vector.multi_reduction <add>, %exp3A_44, %reduce_sum3A_45 [1] : vector<512x2048xf32> to vector<512xf32>
    %broadcast_in_dim3A_47 = vector.shape_cast %reduce_sum3A_46 : vector<512xf32> to vector<512x1xf32>
    %div3A_48 = arith.constant 1.000000e+00 : f32
    %div3A_49 = vector.broadcast %div3A_48 : f32 to vector<512x1xf32>
    %div3A_50 = arith.divf %div3A_49, %broadcast_in_dim3A_47 : vector<512x1xf32>
    %mul3A_51 = vector.broadcast %div3A_50 : vector<512x1xf32> to vector<512x2048xf32>
    %mul3A_52 = arith.mulf %exp3A_44, %mul3A_51 : vector<512x2048xf32>
    %convert_element_type3A_53 = arith.truncf %mul3A_52 : vector<512x2048xf32> to vector<512x2048xbf16>
    %dot_general3A_54 = arith.constant dense<0.000000e+00> : vector<512x64xf32>
    %dot_general3A_55 = tpu.matmul %convert_element_type3A_53, %get3A_34, %dot_general3A_54 {dimension_numbers = #tpu.dot_dimension_numbers<[1], [0], [0], [1], [0, 0, 1, 1], [], []>, transpose_lhs_hint = false} : vector<512x2048xbf16>, vector<2048x64xbf16>, vector<512x64xf32> -> vector<512x64xf32>
    %convert_element_type3A_56 = arith.truncf %dot_general3A_55 : vector<512x64xf32> to vector<512x64xbf16>
    %swap3A_57 = arith.constant 0 : index
    %swap3A_58 = arith.constant 64 : index
    %swap3A_59 = vector.load %arg4[%swap3A_57, %swap3A_58] : memref<512x768xbf16, #tpu.memory_space<vmem>>, vector<512x64xbf16>
    tpu.vector_store %arg4[%swap3A_57, %swap3A_58], %convert_element_type3A_56 {strides = array<i32>} : memref<512x768xbf16, #tpu.memory_space<vmem>>, vector<512x64xbf16>,
    %get3A_60 = arith.constant 0 : index
    %get3A_61 = arith.constant 128 : index
    %get3A_62 = vector.load %arg1[%get3A_60, %get3A_61] : memref<512x768xbf16, #tpu.memory_space<vmem>>, vector<512x64xbf16>
    %get3A_63 = arith.constant 0 : index
    %get3A_64 = arith.constant 128 : index
    %get3A_65 = vector.load %arg2[%get3A_63, %get3A_64] : memref<2048x768xbf16, #tpu.memory_space<vmem>>, vector<2048x64xbf16>
    %get3A_66 = arith.constant 0 : index
    %get3A_67 = arith.constant 128 : index
    %get3A_68 = vector.load %arg3[%get3A_66, %get3A_67] : memref<2048x768xbf16, #tpu.memory_space<vmem>>, vector<2048x64xbf16>
    %dot_general3A_69 = arith.constant dense<0.000000e+00> : vector<512x2048xf32>
    %dot_general3A_70 = tpu.matmul %get3A_62, %get3A_65, %dot_general3A_69 {dimension_numbers = #tpu.dot_dimension_numbers<[1], [1], [0], [0], [0, 0, 1, 0], [], []>, transpose_lhs_hint = false} : vector<512x64xbf16>, vector<2048x64xbf16>, vector<512x2048xf32> -> vector<512x2048xf32>
    %mul3A_71 = vector.broadcast %div3A_1 : f32 to vector<512x2048xf32>
    %mul3A_72 = arith.mulf %dot_general3A_70, %mul3A_71 : vector<512x2048xf32>
    %reduce_max3A_73 = arith.constant dense<0xFF800000> : vector<512xf32>
    %reduce_max3A_74 = vector.multi_reduction <maximumf>, %mul3A_72, %reduce_max3A_73 [1] : vector<512x2048xf32> to vector<512xf32>
    %broadcast_in_dim3A_75 = vector.shape_cast %reduce_max3A_74 : vector<512xf32> to vector<512x1xf32>
    %sub3A_76 = vector.broadcast %broadcast_in_dim3A_75 : vector<512x1xf32> to vector<512x2048xf32>
    %sub3A_77 = arith.subf %mul3A_72, %sub3A_76 : vector<512x2048xf32>
    %exp3A_78 = math.exp %sub3A_77 : vector<512x2048xf32>
    %reduce_sum3A_79 = arith.constant dense<0.000000e+00> : vector<512xf32>
    %reduce_sum3A_80 = vector.multi_reduction <add>, %exp3A_78, %reduce_sum3A_79 [1] : vector<512x2048xf32> to vector<512xf32>
    %broadcast_in_dim3A_81 = vector.shape_cast %reduce_sum3A_80 : vector<512xf32> to vector<512x1xf32>
    %div3A_82 = arith.constant 1.000000e+00 : f32
    %div3A_83 = vector.broadcast %div3A_82 : f32 to vector<512x1xf32>
    %div3A_84 = arith.divf %div3A_83, %broadcast_in_dim3A_81 : vector<512x1xf32>
    %mul3A_85 = vector.broadcast %div3A_84 : vector<512x1xf32> to vector<512x2048xf32>
    %mul3A_86 = arith.mulf %exp3A_78, %mul3A_85 : vector<512x2048xf32>
    %convert_element_type3A_87 = arith.truncf %mul3A_86 : vector<512x2048xf32> to vector<512x2048xbf16>
    %dot_general3A_88 = arith.constant dense<0.000000e+00> : vector<512x64xf32>
    %dot_general3A_89 = tpu.matmul %convert_element_type3A_87, %get3A_68, %dot_general3A_88 {dimension_numbers = #tpu.dot_dimension_numbers<[1], [0], [0], [1], [0, 0, 1, 1], [], []>, transpose_lhs_hint = false} : vector<512x2048xbf16>, vector<2048x64xbf16>, vector<512x64xf32> -> vector<512x64xf32>
    %convert_element_type3A_90 = arith.truncf %dot_general3A_89 : vector<512x64xf32> to vector<512x64xbf16>
    %swap3A_91 = arith.constant 0 : index
    %swap3A_92 = arith.constant 128 : index
    %swap3A_93 = vector.load %arg4[%swap3A_91, %swap3A_92] : memref<512x768xbf16, #tpu.memory_space<vmem>>, vector<512x64xbf16>
    tpu.vector_store %arg4[%swap3A_91, %swap3A_92], %convert_element_type3A_90 {strides = array<i32>} : memref<512x768xbf16, #tpu.memory_space<vmem>>, vector<512x64xbf16>,
    %get3A_94 = arith.constant 0 : index
    %get3A_95 = arith.constant 192 : index
    %get3A_96 = vector.load %arg1[%get3A_94, %get3A_95] : memref<512x768xbf16, #tpu.memory_space<vmem>>, vector<512x64xbf16>
    %get3A_97 = arith.constant 0 : index
    %get3A_98 = arith.constant 192 : index
    %get3A_99 = vector.load %arg2[%get3A_97, %get3A_98] : memref<2048x768xbf16, #tpu.memory_space<vmem>>, vector<2048x64xbf16>
    %get3A_100 = arith.constant 0 : index
    %get3A_101 = arith.constant 192 : index
    %get3A_102 = vector.load %arg3[%get3A_100, %get3A_101] : memref<2048x768xbf16, #tpu.memory_space<vmem>>, vector<2048x64xbf16>
    %dot_general3A_103 = arith.constant dense<0.000000e+00> : vector<512x2048xf32>
    %dot_general3A_104 = tpu.matmul %get3A_96, %get3A_99, %dot_general3A_103 {dimension_numbers = #tpu.dot_dimension_numbers<[1], [1], [0], [0], [0, 0, 1, 0], [], []>, transpose_lhs_hint = false} : vector<512x64xbf16>, vector<2048x64xbf16>, vector<512x2048xf32> -> vector<512x2048xf32>
    %mul3A_105 = vector.broadcast %div3A_1 : f32 to vector<512x2048xf32>
    %mul3A_106 = arith.mulf %dot_general3A_104, %mul3A_105 : vector<512x2048xf32>
    %reduce_max3A_107 = arith.constant dense<0xFF800000> : vector<512xf32>
    %reduce_max3A_108 = vector.multi_reduction <maximumf>, %mul3A_106, %reduce_max3A_107 [1] : vector<512x2048xf32> to vector<512xf32>
    %broadcast_in_dim3A_109 = vector.shape_cast %reduce_max3A_108 : vector<512xf32> to vector<512x1xf32>
    %sub3A_110 = vector.broadcast %broadcast_in_dim3A_109 : vector<512x1xf32> to vector<512x2048xf32>
    %sub3A_111 = arith.subf %mul3A_106, %sub3A_110 : vector<512x2048xf32>
    %exp3A_112 = math.exp %sub3A_111 : vector<512x2048xf32>
    %reduce_sum3A_113 = arith.constant dense<0.000000e+00> : vector<512xf32>
    %reduce_sum3A_114 = vector.multi_reduction <add>, %exp3A_112, %reduce_sum3A_113 [1] : vector<512x2048xf32> to vector<512xf32>
    %broadcast_in_dim3A_115 = vector.shape_cast %reduce_sum3A_114 : vector<512xf32> to vector<512x1xf32>
    %div3A_116 = arith.constant 1.000000e+00 : f32
    %div3A_117 = vector.broadcast %div3A_116 : f32 to vector<512x1xf32>
    %div3A_118 = arith.divf %div3A_117, %broadcast_in_dim3A_115 : vector<512x1xf32>
    %mul3A_119 = vector.broadcast %div3A_118 : vector<512x1xf32> to vector<512x2048xf32>
    %mul3A_120 = arith.mulf %exp3A_112, %mul3A_119 : vector<512x2048xf32>
    %convert_element_type3A_121 = arith.truncf %mul3A_120 : vector<512x2048xf32> to vector<512x2048xbf16>
    %dot_general3A_122 = arith.constant dense<0.000000e+00> : vector<512x64xf32>
    %dot_general3A_123 = tpu.matmul %convert_element_type3A_121, %get3A_102, %dot_general3A_122 {dimension_numbers = #tpu.dot_dimension_numbers<[1], [0], [0], [1], [0, 0, 1, 1], [], []>, transpose_lhs_hint = false} : vector<512x2048xbf16>, vector<2048x64xbf16>, vector<512x64xf32> -> vector<512x64xf32>
    %convert_element_type3A_124 = arith.truncf %dot_general3A_123 : vector<512x64xf32> to vector<512x64xbf16>
    %swap3A_125 = arith.constant 0 : index
    %swap3A_126 = arith.constant 192 : index
    %swap3A_127 = vector.load %arg4[%swap3A_125, %swap3A_126] : memref<512x768xbf16, #tpu.memory_space<vmem>>, vector<512x64xbf16>
    tpu.vector_store %arg4[%swap3A_125, %swap3A_126], %convert_element_type3A_124 {strides = array<i32>} : memref<512x768xbf16, #tpu.memory_space<vmem>>, vector<512x64xbf16>,
    %get3A_128 = arith.constant 0 : index
    %get3A_129 = arith.constant 256 : index
    %get3A_130 = vector.load %arg1[%get3A_128, %get3A_129] : memref<512x768xbf16, #tpu.memory_space<vmem>>, vector<512x64xbf16>
    %get3A_131 = arith.constant 0 : index
    %get3A_132 = arith.constant 256 : index
    %get3A_133 = vector.load %arg2[%get3A_131, %get3A_132] : memref<2048x768xbf16, #tpu.memory_space<vmem>>, vector<2048x64xbf16>
    %get3A_134 = arith.constant 0 : index
    %get3A_135 = arith.constant 256 : index
    %get3A_136 = vector.load %arg3[%get3A_134, %get3A_135] : memref<2048x768xbf16, #tpu.memory_space<vmem>>, vector<2048x64xbf16>
    %dot_general3A_137 = arith.constant dense<0.000000e+00> : vector<512x2048xf32>
    %dot_general3A_138 = tpu.matmul %get3A_130, %get3A_133, %dot_general3A_137 {dimension_numbers = #tpu.dot_dimension_numbers<[1], [1], [0], [0], [0, 0, 1, 0], [], []>, transpose_lhs_hint = false} : vector<512x64xbf16>, vector<2048x64xbf16>, vector<512x2048xf32> -> vector<512x2048xf32>
    %mul3A_139 = vector.broadcast %div3A_1 : f32 to vector<512x2048xf32>
    %mul3A_140 = arith.mulf %dot_general3A_138, %mul3A_139 : vector<512x2048xf32>
    %reduce_max3A_141 = arith.constant dense<0xFF800000> : vector<512xf32>
    %reduce_max3A_142 = vector.multi_reduction <maximumf>, %mul3A_140, %reduce_max3A_141 [1] : vector<512x2048xf32> to vector<512xf32>
    %broadcast_in_dim3A_143 = vector.shape_cast %reduce_max3A_142 : vector<512xf32> to vector<512x1xf32>
    %sub3A_144 = vector.broadcast %broadcast_in_dim3A_143 : vector<512x1xf32> to vector<512x2048xf32>
    %sub3A_145 = arith.subf %mul3A_140, %sub3A_144 : vector<512x2048xf32>
    %exp3A_146 = math.exp %sub3A_145 : vector<512x2048xf32>
    %reduce_sum3A_147 = arith.constant dense<0.000000e+00> : vector<512xf32>
    %reduce_sum3A_148 = vector.multi_reduction <add>, %exp3A_146, %reduce_sum3A_147 [1] : vector<512x2048xf32> to vector<512xf32>
    %broadcast_in_dim3A_149 = vector.shape_cast %reduce_sum3A_148 : vector<512xf32> to vector<512x1xf32>
    %div3A_150 = arith.constant 1.000000e+00 : f32
    %div3A_151 = vector.broadcast %div3A_150 : f32 to vector<512x1xf32>
    %div3A_152 = arith.divf %div3A_151, %broadcast_in_dim3A_149 : vector<512x1xf32>
    %mul3A_153 = vector.broadcast %div3A_152 : vector<512x1xf32> to vector<512x2048xf32>
    %mul3A_154 = arith.mulf %exp3A_146, %mul3A_153 : vector<512x2048xf32>
    %convert_element_type3A_155 = arith.truncf %mul3A_154 : vector<512x2048xf32> to vector<512x2048xbf16>
    %dot_general3A_156 = arith.constant dense<0.000000e+00> : vector<512x64xf32>
    %dot_general3A_157 = tpu.matmul %convert_element_type3A_155, %get3A_136, %dot_general3A_156 {dimension_numbers = #tpu.dot_dimension_numbers<[1], [0], [0], [1], [0, 0, 1, 1], [], []>, transpose_lhs_hint = false} : vector<512x2048xbf16>, vector<2048x64xbf16>, vector<512x64xf32> -> vector<512x64xf32>
    %convert_element_type3A_158 = arith.truncf %dot_general3A_157 : vector<512x64xf32> to vector<512x64xbf16>
    %swap3A_159 = arith.constant 0 : index
    %swap3A_160 = arith.constant 256 : index
    %swap3A_161 = vector.load %arg4[%swap3A_159, %swap3A_160] : memref<512x768xbf16, #tpu.memory_space<vmem>>, vector<512x64xbf16>
    tpu.vector_store %arg4[%swap3A_159, %swap3A_160], %convert_element_type3A_158 {strides = array<i32>} : memref<512x768xbf16, #tpu.memory_space<vmem>>, vector<512x64xbf16>,
    %get3A_162 = arith.constant 0 : index
    %get3A_163 = arith.constant 320 : index
    %get3A_164 = vector.load %arg1[%get3A_162, %get3A_163] : memref<512x768xbf16, #tpu.memory_space<vmem>>, vector<512x64xbf16>
    %get3A_165 = arith.constant 0 : index
    %get3A_166 = arith.constant 320 : index
    %get3A_167 = vector.load %arg2[%get3A_165, %get3A_166] : memref<2048x768xbf16, #tpu.memory_space<vmem>>, vector<2048x64xbf16>
    %get3A_168 = arith.constant 0 : index
    %get3A_169 = arith.constant 320 : index
    %get3A_170 = vector.load %arg3[%get3A_168, %get3A_169] : memref<2048x768xbf16, #tpu.memory_space<vmem>>, vector<2048x64xbf16>
    %dot_general3A_171 = arith.constant dense<0.000000e+00> : vector<512x2048xf32>
    %dot_general3A_172 = tpu.matmul %get3A_164, %get3A_167, %dot_general3A_171 {dimension_numbers = #tpu.dot_dimension_numbers<[1], [1], [0], [0], [0, 0, 1, 0], [], []>, transpose_lhs_hint = false} : vector<512x64xbf16>, vector<2048x64xbf16>, vector<512x2048xf32> -> vector<512x2048xf32>
    %mul3A_173 = vector.broadcast %div3A_1 : f32 to vector<512x2048xf32>
    %mul3A_174 = arith.mulf %dot_general3A_172, %mul3A_173 : vector<512x2048xf32>
    %reduce_max3A_175 = arith.constant dense<0xFF800000> : vector<512xf32>
    %reduce_max3A_176 = vector.multi_reduction <maximumf>, %mul3A_174, %reduce_max3A_175 [1] : vector<512x2048xf32> to vector<512xf32>
    %broadcast_in_dim3A_177 = vector.shape_cast %reduce_max3A_176 : vector<512xf32> to vector<512x1xf32>
    %sub3A_178 = vector.broadcast %broadcast_in_dim3A_177 : vector<512x1xf32> to vector<512x2048xf32>
    %sub3A_179 = arith.subf %mul3A_174, %sub3A_178 : vector<512x2048xf32>
    %exp3A_180 = math.exp %sub3A_179 : vector<512x2048xf32>
    %reduce_sum3A_181 = arith.constant dense<0.000000e+00> : vector<512xf32>
    %reduce_sum3A_182 = vector.multi_reduction <add>, %exp3A_180, %reduce_sum3A_181 [1] : vector<512x2048xf32> to vector<512xf32>
    %broadcast_in_dim3A_183 = vector.shape_cast %reduce_sum3A_182 : vector<512xf32> to vector<512x1xf32>
    %div3A_184 = arith.constant 1.000000e+00 : f32
    %div3A_185 = vector.broadcast %div3A_184 : f32 to vector<512x1xf32>
    %div3A_186 = arith.divf %div3A_185, %broadcast_in_dim3A_183 : vector<512x1xf32>
    %mul3A_187 = vector.broadcast %div3A_186 : vector<512x1xf32> to vector<512x2048xf32>
    %mul3A_188 = arith.mulf %exp3A_180, %mul3A_187 : vector<512x2048xf32>
    %convert_element_type3A_189 = arith.truncf %mul3A_188 : vector<512x2048xf32> to vector<512x2048xbf16>
    %dot_general3A_190 = arith.constant dense<0.000000e+00> : vector<512x64xf32>
    %dot_general3A_191 = tpu.matmul %convert_element_type3A_189, %get3A_170, %dot_general3A_190 {dimension_numbers = #tpu.dot_dimension_numbers<[1], [0], [0], [1], [0, 0, 1, 1], [], []>, transpose_lhs_hint = false} : vector<512x2048xbf16>, vector<2048x64xbf16>, vector<512x64xf32> -> vector<512x64xf32>
    %convert_element_type3A_192 = arith.truncf %dot_general3A_191 : vector<512x64xf32> to vector<512x64xbf16>
    %swap3A_193 = arith.constant 0 : index
    %swap3A_194 = arith.constant 320 : index
    %swap3A_195 = vector.load %arg4[%swap3A_193, %swap3A_194] : memref<512x768xbf16, #tpu.memory_space<vmem>>, vector<512x64xbf16>
    tpu.vector_store %arg4[%swap3A_193, %swap3A_194], %convert_element_type3A_192 {strides = array<i32>} : memref<512x768xbf16, #tpu.memory_space<vmem>>, vector<512x64xbf16>,
    %get3A_196 = arith.constant 0 : index
    %get3A_197 = arith.constant 384 : index
    %get3A_198 = vector.load %arg1[%get3A_196, %get3A_197] : memref<512x768xbf16, #tpu.memory_space<vmem>>, vector<512x64xbf16>
    %get3A_199 = arith.constant 0 : index
    %get3A_200 = arith.constant 384 : index
    %get3A_201 = vector.load %arg2[%get3A_199, %get3A_200] : memref<2048x768xbf16, #tpu.memory_space<vmem>>, vector<2048x64xbf16>
    %get3A_202 = arith.constant 0 : index
    %get3A_203 = arith.constant 384 : index
    %get3A_204 = vector.load %arg3[%get3A_202, %get3A_203] : memref<2048x768xbf16, #tpu.memory_space<vmem>>, vector<2048x64xbf16>
    %dot_general3A_205 = arith.constant dense<0.000000e+00> : vector<512x2048xf32>
    %dot_general3A_206 = tpu.matmul %get3A_198, %get3A_201, %dot_general3A_205 {dimension_numbers = #tpu.dot_dimension_numbers<[1], [1], [0], [0], [0, 0, 1, 0], [], []>, transpose_lhs_hint = false} : vector<512x64xbf16>, vector<2048x64xbf16>, vector<512x2048xf32> -> vector<512x2048xf32>
    %mul3A_207 = vector.broadcast %div3A_1 : f32 to vector<512x2048xf32>
    %mul3A_208 = arith.mulf %dot_general3A_206, %mul3A_207 : vector<512x2048xf32>
    %reduce_max3A_209 = arith.constant dense<0xFF800000> : vector<512xf32>
    %reduce_max3A_210 = vector.multi_reduction <maximumf>, %mul3A_208, %reduce_max3A_209 [1] : vector<512x2048xf32> to vector<512xf32>
    %broadcast_in_dim3A_211 = vector.shape_cast %reduce_max3A_210 : vector<512xf32> to vector<512x1xf32>
    %sub3A_212 = vector.broadcast %broadcast_in_dim3A_211 : vector<512x1xf32> to vector<512x2048xf32>
    %sub3A_213 = arith.subf %mul3A_208, %sub3A_212 : vector<512x2048xf32>
    %exp3A_214 = math.exp %sub3A_213 : vector<512x2048xf32>
    %reduce_sum3A_215 = arith.constant dense<0.000000e+00> : vector<512xf32>
    %reduce_sum3A_216 = vector.multi_reduction <add>, %exp3A_214, %reduce_sum3A_215 [1] : vector<512x2048xf32> to vector<512xf32>
    %broadcast_in_dim3A_217 = vector.shape_cast %reduce_sum3A_216 : vector<512xf32> to vector<512x1xf32>
    %div3A_218 = arith.constant 1.000000e+00 : f32
    %div3A_219 = vector.broadcast %div3A_218 : f32 to vector<512x1xf32>
    %div3A_220 = arith.divf %div3A_219, %broadcast_in_dim3A_217 : vector<512x1xf32>
    %mul3A_221 = vector.broadcast %div3A_220 : vector<512x1xf32> to vector<512x2048xf32>
    %mul3A_222 = arith.mulf %exp3A_214, %mul3A_221 : vector<512x2048xf32>
    %convert_element_type3A_223 = arith.truncf %mul3A_222 : vector<512x2048xf32> to vector<512x2048xbf16>
    %dot_general3A_224 = arith.constant dense<0.000000e+00> : vector<512x64xf32>
    %dot_general3A_225 = tpu.matmul %convert_element_type3A_223, %get3A_204, %dot_general3A_224 {dimension_numbers = #tpu.dot_dimension_numbers<[1], [0], [0], [1], [0, 0, 1, 1], [], []>, transpose_lhs_hint = false} : vector<512x2048xbf16>, vector<2048x64xbf16>, vector<512x64xf32> -> vector<512x64xf32>
    %convert_element_type3A_226 = arith.truncf %dot_general3A_225 : vector<512x64xf32> to vector<512x64xbf16>
    %swap3A_227 = arith.constant 0 : index
    %swap3A_228 = arith.constant 384 : index
    %swap3A_229 = vector.load %arg4[%swap3A_227, %swap3A_228] : memref<512x768xbf16, #tpu.memory_space<vmem>>, vector<512x64xbf16>
    tpu.vector_store %arg4[%swap3A_227, %swap3A_228], %convert_element_type3A_226 {strides = array<i32>} : memref<512x768xbf16, #tpu.memory_space<vmem>>, vector<512x64xbf16>,
    %get3A_230 = arith.constant 0 : index
    %get3A_231 = arith.constant 448 : index
    %get3A_232 = vector.load %arg1[%get3A_230, %get3A_231] : memref<512x768xbf16, #tpu.memory_space<vmem>>, vector<512x64xbf16>
    %get3A_233 = arith.constant 0 : index
    %get3A_234 = arith.constant 448 : index
    %get3A_235 = vector.load %arg2[%get3A_233, %get3A_234] : memref<2048x768xbf16, #tpu.memory_space<vmem>>, vector<2048x64xbf16>
    %get3A_236 = arith.constant 0 : index
    %get3A_237 = arith.constant 448 : index
    %get3A_238 = vector.load %arg3[%get3A_236, %get3A_237] : memref<2048x768xbf16, #tpu.memory_space<vmem>>, vector<2048x64xbf16>
    %dot_general3A_239 = arith.constant dense<0.000000e+00> : vector<512x2048xf32>
    %dot_general3A_240 = tpu.matmul %get3A_232, %get3A_235, %dot_general3A_239 {dimension_numbers = #tpu.dot_dimension_numbers<[1], [1], [0], [0], [0, 0, 1, 0], [], []>, transpose_lhs_hint = false} : vector<512x64xbf16>, vector<2048x64xbf16>, vector<512x2048xf32> -> vector<512x2048xf32>
    %mul3A_241 = vector.broadcast %div3A_1 : f32 to vector<512x2048xf32>
    %mul3A_242 = arith.mulf %dot_general3A_240, %mul3A_241 : vector<512x2048xf32>
    %reduce_max3A_243 = arith.constant dense<0xFF800000> : vector<512xf32>
    %reduce_max3A_244 = vector.multi_reduction <maximumf>, %mul3A_242, %reduce_max3A_243 [1] : vector<512x2048xf32> to vector<512xf32>
    %broadcast_in_dim3A_245 = vector.shape_cast %reduce_max3A_244 : vector<512xf32> to vector<512x1xf32>
    %sub3A_246 = vector.broadcast %broadcast_in_dim3A_245 : vector<512x1xf32> to vector<512x2048xf32>
    %sub3A_247 = arith.subf %mul3A_242, %sub3A_246 : vector<512x2048xf32>
    %exp3A_248 = math.exp %sub3A_247 : vector<512x2048xf32>
    %reduce_sum3A_249 = arith.constant dense<0.000000e+00> : vector<512xf32>
    %reduce_sum3A_250 = vector.multi_reduction <add>, %exp3A_248, %reduce_sum3A_249 [1] : vector<512x2048xf32> to vector<512xf32>
    %broadcast_in_dim3A_251 = vector.shape_cast %reduce_sum3A_250 : vector<512xf32> to vector<512x1xf32>
    %div3A_252 = arith.constant 1.000000e+00 : f32
    %div3A_253 = vector.broadcast %div3A_252 : f32 to vector<512x1xf32>
    %div3A_254 = arith.divf %div3A_253, %broadcast_in_dim3A_251 : vector<512x1xf32>
    %mul3A_255 = vector.broadcast %div3A_254 : vector<512x1xf32> to vector<512x2048xf32>
    %mul3A_256 = arith.mulf %exp3A_248, %mul3A_255 : vector<512x2048xf32>
    %convert_element_type3A_257 = arith.truncf %mul3A_256 : vector<512x2048xf32> to vector<512x2048xbf16>
    %dot_general3A_258 = arith.constant dense<0.000000e+00> : vector<512x64xf32>
    %dot_general3A_259 = tpu.matmul %convert_element_type3A_257, %get3A_238, %dot_general3A_258 {dimension_numbers = #tpu.dot_dimension_numbers<[1], [0], [0], [1], [0, 0, 1, 1], [], []>, transpose_lhs_hint = false} : vector<512x2048xbf16>, vector<2048x64xbf16>, vector<512x64xf32> -> vector<512x64xf32>
    %convert_element_type3A_260 = arith.truncf %dot_general3A_259 : vector<512x64xf32> to vector<512x64xbf16>
    %swap3A_261 = arith.constant 0 : index
    %swap3A_262 = arith.constant 448 : index
    %swap3A_263 = vector.load %arg4[%swap3A_261, %swap3A_262] : memref<512x768xbf16, #tpu.memory_space<vmem>>, vector<512x64xbf16>
    tpu.vector_store %arg4[%swap3A_261, %swap3A_262], %convert_element_type3A_260 {strides = array<i32>} : memref<512x768xbf16, #tpu.memory_space<vmem>>, vector<512x64xbf16>,
    %get3A_264 = arith.constant 0 : index
    %get3A_265 = arith.constant 512 : index
    %get3A_266 = vector.load %arg1[%get3A_264, %get3A_265] : memref<512x768xbf16, #tpu.memory_space<vmem>>, vector<512x64xbf16>
    %get3A_267 = arith.constant 0 : index
    %get3A_268 = arith.constant 512 : index
    %get3A_269 = vector.load %arg2[%get3A_267, %get3A_268] : memref<2048x768xbf16, #tpu.memory_space<vmem>>, vector<2048x64xbf16>
    %get3A_270 = arith.constant 0 : index
    %get3A_271 = arith.constant 512 : index
    %get3A_272 = vector.load %arg3[%get3A_270, %get3A_271] : memref<2048x768xbf16, #tpu.memory_space<vmem>>, vector<2048x64xbf16>
    %dot_general3A_273 = arith.constant dense<0.000000e+00> : vector<512x2048xf32>
    %dot_general3A_274 = tpu.matmul %get3A_266, %get3A_269, %dot_general3A_273 {dimension_numbers = #tpu.dot_dimension_numbers<[1], [1], [0], [0], [0, 0, 1, 0], [], []>, transpose_lhs_hint = false} : vector<512x64xbf16>, vector<2048x64xbf16>, vector<512x2048xf32> -> vector<512x2048xf32>
    %mul3A_275 = vector.broadcast %div3A_1 : f32 to vector<512x2048xf32>
    %mul3A_276 = arith.mulf %dot_general3A_274, %mul3A_275 : vector<512x2048xf32>
    %reduce_max3A_277 = arith.constant dense<0xFF800000> : vector<512xf32>
    %reduce_max3A_278 = vector.multi_reduction <maximumf>, %mul3A_276, %reduce_max3A_277 [1] : vector<512x2048xf32> to vector<512xf32>
    %broadcast_in_dim3A_279 = vector.shape_cast %reduce_max3A_278 : vector<512xf32> to vector<512x1xf32>
    %sub3A_280 = vector.broadcast %broadcast_in_dim3A_279 : vector<512x1xf32> to vector<512x2048xf32>
    %sub3A_281 = arith.subf %mul3A_276, %sub3A_280 : vector<512x2048xf32>
    %exp3A_282 = math.exp %sub3A_281 : vector<512x2048xf32>
    %reduce_sum3A_283 = arith.constant dense<0.000000e+00> : vector<512xf32>
    %reduce_sum3A_284 = vector.multi_reduction <add>, %exp3A_282, %reduce_sum3A_283 [1] : vector<512x2048xf32> to vector<512xf32>
    %broadcast_in_dim3A_285 = vector.shape_cast %reduce_sum3A_284 : vector<512xf32> to vector<512x1xf32>
    %div3A_286 = arith.constant 1.000000e+00 : f32
    %div3A_287 = vector.broadcast %div3A_286 : f32 to vector<512x1xf32>
    %div3A_288 = arith.divf %div3A_287, %broadcast_in_dim3A_285 : vector<512x1xf32>
    %mul3A_289 = vector.broadcast %div3A_288 : vector<512x1xf32> to vector<512x2048xf32>
    %mul3A_290 = arith.mulf %exp3A_282, %mul3A_289 : vector<512x2048xf32>
    %convert_element_type3A_291 = arith.truncf %mul3A_290 : vector<512x2048xf32> to vector<512x2048xbf16>
    %dot_general3A_292 = arith.constant dense<0.000000e+00> : vector<512x64xf32>
    %dot_general3A_293 = tpu.matmul %convert_element_type3A_291, %get3A_272, %dot_general3A_292 {dimension_numbers = #tpu.dot_dimension_numbers<[1], [0], [0], [1], [0, 0, 1, 1], [], []>, transpose_lhs_hint = false} : vector<512x2048xbf16>, vector<2048x64xbf16>, vector<512x64xf32> -> vector<512x64xf32>
    %convert_element_type3A_294 = arith.truncf %dot_general3A_293 : vector<512x64xf32> to vector<512x64xbf16>
    %swap3A_295 = arith.constant 0 : index
    %swap3A_296 = arith.constant 512 : index
    %swap3A_297 = vector.load %arg4[%swap3A_295, %swap3A_296] : memref<512x768xbf16, #tpu.memory_space<vmem>>, vector<512x64xbf16>
    tpu.vector_store %arg4[%swap3A_295, %swap3A_296], %convert_element_type3A_294 {strides = array<i32>} : memref<512x768xbf16, #tpu.memory_space<vmem>>, vector<512x64xbf16>,
    %get3A_298 = arith.constant 0 : index
    %get3A_299 = arith.constant 576 : index
    %get3A_300 = vector.load %arg1[%get3A_298, %get3A_299] : memref<512x768xbf16, #tpu.memory_space<vmem>>, vector<512x64xbf16>
    %get3A_301 = arith.constant 0 : index
    %get3A_302 = arith.constant 576 : index
    %get3A_303 = vector.load %arg2[%get3A_301, %get3A_302] : memref<2048x768xbf16, #tpu.memory_space<vmem>>, vector<2048x64xbf16>
    %get3A_304 = arith.constant 0 : index
    %get3A_305 = arith.constant 576 : index
    %get3A_306 = vector.load %arg3[%get3A_304, %get3A_305] : memref<2048x768xbf16, #tpu.memory_space<vmem>>, vector<2048x64xbf16>
    %dot_general3A_307 = arith.constant dense<0.000000e+00> : vector<512x2048xf32>
    %dot_general3A_308 = tpu.matmul %get3A_300, %get3A_303, %dot_general3A_307 {dimension_numbers = #tpu.dot_dimension_numbers<[1], [1], [0], [0], [0, 0, 1, 0], [], []>, transpose_lhs_hint = false} : vector<512x64xbf16>, vector<2048x64xbf16>, vector<512x2048xf32> -> vector<512x2048xf32>
    %mul3A_309 = vector.broadcast %div3A_1 : f32 to vector<512x2048xf32>
    %mul3A_310 = arith.mulf %dot_general3A_308, %mul3A_309 : vector<512x2048xf32>
    %reduce_max3A_311 = arith.constant dense<0xFF800000> : vector<512xf32>
    %reduce_max3A_312 = vector.multi_reduction <maximumf>, %mul3A_310, %reduce_max3A_311 [1] : vector<512x2048xf32> to vector<512xf32>
    %broadcast_in_dim3A_313 = vector.shape_cast %reduce_max3A_312 : vector<512xf32> to vector<512x1xf32>
    %sub3A_314 = vector.broadcast %broadcast_in_dim3A_313 : vector<512x1xf32> to vector<512x2048xf32>
    %sub3A_315 = arith.subf %mul3A_310, %sub3A_314 : vector<512x2048xf32>
    %exp3A_316 = math.exp %sub3A_315 : vector<512x2048xf32>
    %reduce_sum3A_317 = arith.constant dense<0.000000e+00> : vector<512xf32>
    %reduce_sum3A_318 = vector.multi_reduction <add>, %exp3A_316, %reduce_sum3A_317 [1] : vector<512x2048xf32> to vector<512xf32>
    %broadcast_in_dim3A_319 = vector.shape_cast %reduce_sum3A_318 : vector<512xf32> to vector<512x1xf32>
    %div3A_320 = arith.constant 1.000000e+00 : f32
    %div3A_321 = vector.broadcast %div3A_320 : f32 to vector<512x1xf32>
    %div3A_322 = arith.divf %div3A_321, %broadcast_in_dim3A_319 : vector<512x1xf32>
    %mul3A_323 = vector.broadcast %div3A_322 : vector<512x1xf32> to vector<512x2048xf32>
    %mul3A_324 = arith.mulf %exp3A_316, %mul3A_323 : vector<512x2048xf32>
    %convert_element_type3A_325 = arith.truncf %mul3A_324 : vector<512x2048xf32> to vector<512x2048xbf16>
    %dot_general3A_326 = arith.constant dense<0.000000e+00> : vector<512x64xf32>
    %dot_general3A_327 = tpu.matmul %convert_element_type3A_325, %get3A_306, %dot_general3A_326 {dimension_numbers = #tpu.dot_dimension_numbers<[1], [0], [0], [1], [0, 0, 1, 1], [], []>, transpose_lhs_hint = false} : vector<512x2048xbf16>, vector<2048x64xbf16>, vector<512x64xf32> -> vector<512x64xf32>
    %convert_element_type3A_328 = arith.truncf %dot_general3A_327 : vector<512x64xf32> to vector<512x64xbf16>
    %swap3A_329 = arith.constant 0 : index
    %swap3A_330 = arith.constant 576 : index
    %swap3A_331 = vector.load %arg4[%swap3A_329, %swap3A_330] : memref<512x768xbf16, #tpu.memory_space<vmem>>, vector<512x64xbf16>
    tpu.vector_store %arg4[%swap3A_329, %swap3A_330], %convert_element_type3A_328 {strides = array<i32>} : memref<512x768xbf16, #tpu.memory_space<vmem>>, vector<512x64xbf16>,
    %get3A_332 = arith.constant 0 : index
    %get3A_333 = arith.constant 640 : index
    %get3A_334 = vector.load %arg1[%get3A_332, %get3A_333] : memref<512x768xbf16, #tpu.memory_space<vmem>>, vector<512x64xbf16>
    %get3A_335 = arith.constant 0 : index
    %get3A_336 = arith.constant 640 : index
    %get3A_337 = vector.load %arg2[%get3A_335, %get3A_336] : memref<2048x768xbf16, #tpu.memory_space<vmem>>, vector<2048x64xbf16>
    %get3A_338 = arith.constant 0 : index
    %get3A_339 = arith.constant 640 : index
    %get3A_340 = vector.load %arg3[%get3A_338, %get3A_339] : memref<2048x768xbf16, #tpu.memory_space<vmem>>, vector<2048x64xbf16>
    %dot_general3A_341 = arith.constant dense<0.000000e+00> : vector<512x2048xf32>
    %dot_general3A_342 = tpu.matmul %get3A_334, %get3A_337, %dot_general3A_341 {dimension_numbers = #tpu.dot_dimension_numbers<[1], [1], [0], [0], [0, 0, 1, 0], [], []>, transpose_lhs_hint = false} : vector<512x64xbf16>, vector<2048x64xbf16>, vector<512x2048xf32> -> vector<512x2048xf32>
    %mul3A_343 = vector.broadcast %div3A_1 : f32 to vector<512x2048xf32>
    %mul3A_344 = arith.mulf %dot_general3A_342, %mul3A_343 : vector<512x2048xf32>
    %reduce_max3A_345 = arith.constant dense<0xFF800000> : vector<512xf32>
    %reduce_max3A_346 = vector.multi_reduction <maximumf>, %mul3A_344, %reduce_max3A_345 [1] : vector<512x2048xf32> to vector<512xf32>
    %broadcast_in_dim3A_347 = vector.shape_cast %reduce_max3A_346 : vector<512xf32> to vector<512x1xf32>
    %sub3A_348 = vector.broadcast %broadcast_in_dim3A_347 : vector<512x1xf32> to vector<512x2048xf32>
    %sub3A_349 = arith.subf %mul3A_344, %sub3A_348 : vector<512x2048xf32>
    %exp3A_350 = math.exp %sub3A_349 : vector<512x2048xf32>
    %reduce_sum3A_351 = arith.constant dense<0.000000e+00> : vector<512xf32>
    %reduce_sum3A_352 = vector.multi_reduction <add>, %exp3A_350, %reduce_sum3A_351 [1] : vector<512x2048xf32> to vector<512xf32>
    %broadcast_in_dim3A_353 = vector.shape_cast %reduce_sum3A_352 : vector<512xf32> to vector<512x1xf32>
    %div3A_354 = arith.constant 1.000000e+00 : f32
    %div3A_355 = vector.broadcast %div3A_354 : f32 to vector<512x1xf32>
    %div3A_356 = arith.divf %div3A_355, %broadcast_in_dim3A_353 : vector<512x1xf32>
    %mul3A_357 = vector.broadcast %div3A_356 : vector<512x1xf32> to vector<512x2048xf32>
    %mul3A_358 = arith.mulf %exp3A_350, %mul3A_357 : vector<512x2048xf32>
    %convert_element_type3A_359 = arith.truncf %mul3A_358 : vector<512x2048xf32> to vector<512x2048xbf16>
    %dot_general3A_360 = arith.constant dense<0.000000e+00> : vector<512x64xf32>
    %dot_general3A_361 = tpu.matmul %convert_element_type3A_359, %get3A_340, %dot_general3A_360 {dimension_numbers = #tpu.dot_dimension_numbers<[1], [0], [0], [1], [0, 0, 1, 1], [], []>, transpose_lhs_hint = false} : vector<512x2048xbf16>, vector<2048x64xbf16>, vector<512x64xf32> -> vector<512x64xf32>
    %convert_element_type3A_362 = arith.truncf %dot_general3A_361 : vector<512x64xf32> to vector<512x64xbf16>
    %swap3A_363 = arith.constant 0 : index
    %swap3A_364 = arith.constant 640 : index
    %swap3A_365 = vector.load %arg4[%swap3A_363, %swap3A_364] : memref<512x768xbf16, #tpu.memory_space<vmem>>, vector<512x64xbf16>
    tpu.vector_store %arg4[%swap3A_363, %swap3A_364], %convert_element_type3A_362 {strides = array<i32>} : memref<512x768xbf16, #tpu.memory_space<vmem>>, vector<512x64xbf16>,
    %get3A_366 = arith.constant 0 : index
    %get3A_367 = arith.constant 704 : index
    %get3A_368 = vector.load %arg1[%get3A_366, %get3A_367] : memref<512x768xbf16, #tpu.memory_space<vmem>>, vector<512x64xbf16>
    %get3A_369 = arith.constant 0 : index
    %get3A_370 = arith.constant 704 : index
    %get3A_371 = vector.load %arg2[%get3A_369, %get3A_370] : memref<2048x768xbf16, #tpu.memory_space<vmem>>, vector<2048x64xbf16>
    %get3A_372 = arith.constant 0 : index
    %get3A_373 = arith.constant 704 : index
    %get3A_374 = vector.load %arg3[%get3A_372, %get3A_373] : memref<2048x768xbf16, #tpu.memory_space<vmem>>, vector<2048x64xbf16>
    %dot_general3A_375 = arith.constant dense<0.000000e+00> : vector<512x2048xf32>
    %dot_general3A_376 = tpu.matmul %get3A_368, %get3A_371, %dot_general3A_375 {dimension_numbers = #tpu.dot_dimension_numbers<[1], [1], [0], [0], [0, 0, 1, 0], [], []>, transpose_lhs_hint = false} : vector<512x64xbf16>, vector<2048x64xbf16>, vector<512x2048xf32> -> vector<512x2048xf32>
    %mul3A_377 = vector.broadcast %div3A_1 : f32 to vector<512x2048xf32>
    %mul3A_378 = arith.mulf %dot_general3A_376, %mul3A_377 : vector<512x2048xf32>
    %reduce_max3A_379 = arith.constant dense<0xFF800000> : vector<512xf32>
    %reduce_max3A_380 = vector.multi_reduction <maximumf>, %mul3A_378, %reduce_max3A_379 [1] : vector<512x2048xf32> to vector<512xf32>
    %broadcast_in_dim3A_381 = vector.shape_cast %reduce_max3A_380 : vector<512xf32> to vector<512x1xf32>
    %sub3A_382 = vector.broadcast %broadcast_in_dim3A_381 : vector<512x1xf32> to vector<512x2048xf32>
    %sub3A_383 = arith.subf %mul3A_378, %sub3A_382 : vector<512x2048xf32>
    %exp3A_384 = math.exp %sub3A_383 : vector<512x2048xf32>
    %reduce_sum3A_385 = arith.constant dense<0.000000e+00> : vector<512xf32>
    %reduce_sum3A_386 = vector.multi_reduction <add>, %exp3A_384, %reduce_sum3A_385 [1] : vector<512x2048xf32> to vector<512xf32>
    %broadcast_in_dim3A_387 = vector.shape_cast %reduce_sum3A_386 : vector<512xf32> to vector<512x1xf32>
    %div3A_388 = arith.constant 1.000000e+00 : f32
    %div3A_389 = vector.broadcast %div3A_388 : f32 to vector<512x1xf32>
    %div3A_390 = arith.divf %div3A_389, %broadcast_in_dim3A_387 : vector<512x1xf32>
    %mul3A_391 = vector.broadcast %div3A_390 : vector<512x1xf32> to vector<512x2048xf32>
    %mul3A_392 = arith.mulf %exp3A_384, %mul3A_391 : vector<512x2048xf32>
    %convert_element_type3A_393 = arith.truncf %mul3A_392 : vector<512x2048xf32> to vector<512x2048xbf16>
    %dot_general3A_394 = arith.constant dense<0.000000e+00> : vector<512x64xf32>
    %dot_general3A_395 = tpu.matmul %convert_element_type3A_393, %get3A_374, %dot_general3A_394 {dimension_numbers = #tpu.dot_dimension_numbers<[1], [0], [0], [1], [0, 0, 1, 1], [], []>, transpose_lhs_hint = false} : vector<512x2048xbf16>, vector<2048x64xbf16>, vector<512x64xf32> -> vector<512x64xf32>
    %convert_element_type3A_396 = arith.truncf %dot_general3A_395 : vector<512x64xf32> to vector<512x64xbf16>
    %swap3A_397 = arith.constant 0 : index
    %swap3A_398 = arith.constant 704 : index
    %swap3A_399 = vector.load %arg4[%swap3A_397, %swap3A_398] : memref<512x768xbf16, #tpu.memory_space<vmem>>, vector<512x64xbf16>
    tpu.vector_store %arg4[%swap3A_397, %swap3A_398], %convert_element_type3A_396 {strides = array<i32>} : memref<512x768xbf16, #tpu.memory_space<vmem>>, vector<512x64xbf16>,
    return
  }
  func.func @transform_0(%arg0: i32) -> (i32, i32) {
    %c0_i32 = arith.constant 0 : i32
    %c0_i32_0 = arith.constant 0 : i32
    return %arg0, %c0_i32 : i32, i32
  }
  func.func @transform_1(%arg0: i32) -> (i32, i32) {
    %c0_i32 = arith.constant 0 : i32
    %c0_i32_0 = arith.constant 0 : i32
    %c0_i32_1 = arith.constant 0 : i32
    return %c0_i32, %c0_i32_0 : i32, i32
  }
  func.func @transform_2(%arg0: i32) -> (i32, i32) {
    %c0_i32 = arith.constant 0 : i32
    %c0_i32_0 = arith.constant 0 : i32
    %c0_i32_1 = arith.constant 0 : i32
    return %c0_i32, %c0_i32_0 : i32, i32
  }
  func.func @transform_3(%arg0: i32) -> (i32, i32) {
    %c0_i32 = arith.constant 0 : i32
    %c0_i32_0 = arith.constant 0 : i32
    return %arg0, %c0_i32 : i32, i32
  }
}

module attributes {stable_mosaic.version = 14 : i64} {
  func.func @_post_body(%arg0: i32, %arg1: memref<256x768xf32, #tpu.memory_space<vmem>>, %arg2: memref<256x768xbf16, #tpu.memory_space<vmem>>, %arg3: memref<256x12xf32, #tpu.memory_space<vmem>>, %arg4: memref<256x12xi32, #tpu.memory_space<vmem>>, %arg5: memref<6x768x768xbf16, #tpu.memory_space<vmem>>, %arg6: memref<1x768xf32, #tpu.memory_space<vmem>>, %arg7: memref<1x768xf32, #tpu.memory_space<vmem>>, %arg8: memref<768x6xbf16, #tpu.memory_space<vmem>>, %arg9: memref<256x768xf32, #tpu.memory_space<vmem>>, %arg10: memref<256x768xf32, #tpu.memory_space<vmem>>, %arg11: memref<256x1xf32, #tpu.memory_space<vmem>>, %arg12: memref<256x1xi32, #tpu.memory_space<vmem>>) attributes {dimension_semantics = [#tpu.dimension_semantics<arbitrary>], iteration_bounds = array<i64: 8>, scalar_prefetch = 0 : i64, scratch_operands = 0 : i64, tpu.core_type = #tpu.core_type<tc>, window_params = [{transform_indices = @transform_0, window_bounds = array<i64: 256, 768>}, {transform_indices = @transform_1, window_bounds = array<i64: 256, 768>}, {transform_indices = @transform_2, window_bounds = array<i64: 256, 12>}, {transform_indices = @transform_3, window_bounds = array<i64: 256, 12>}, {pipeline_mode = #tpu.pipeline_mode<synchronous>, transform_indices = @transform_4, window_bounds = array<i64: 6, 768, 768>}, {pipeline_mode = #tpu.pipeline_mode<synchronous>, transform_indices = @transform_5, window_bounds = array<i64: 1, 768>}, {pipeline_mode = #tpu.pipeline_mode<synchronous>, transform_indices = @transform_6, window_bounds = array<i64: 1, 768>}, {pipeline_mode = #tpu.pipeline_mode<synchronous>, transform_indices = @transform_7, window_bounds = array<i64: 768, 6>}, {transform_indices = @transform_8, window_bounds = array<i64: 256, 768>}, {transform_indices = @transform_9, window_bounds = array<i64: 256, 768>}, {transform_indices = @transform_10, window_bounds = array<i64: 256, 1>}, {transform_indices = @transform_11, window_bounds = array<i64: 256, 1>}]} {
    %iota3A = tpu.iota {dimensions = array<i32: 0>} : vector<12x768xi32>
    %iota3A_0 = tpu.iota {dimensions = array<i32: 1>} : vector<12x768xi32>
    %jit3A = arith.constant 64 : i32
    %div3A = vector.broadcast %jit3A : i32 to vector<12x768xi32>
    %div3A_1 = arith.divsi %iota3A_0, %div3A : vector<12x768xi32>
    %sign3A = arith.constant 0 : i32
    %sign3A_2 = vector.broadcast %sign3A : i32 to vector<12x768xi32>
    %sign3A_3 = arith.cmpi sgt, %iota3A_0, %sign3A_2 : vector<12x768xi32>
    %sign3A_4 = arith.extui %sign3A_3 : vector<12x768xi1> to vector<12x768xi32>
    %sign3A_5 = arith.constant 0 : i32
    %sign3A_6 = vector.broadcast %sign3A_5 : i32 to vector<12x768xi32>
    %sign3A_7 = arith.cmpi slt, %iota3A_0, %sign3A_6 : vector<12x768xi32>
    %sign3A_8 = arith.extui %sign3A_7 : vector<12x768xi1> to vector<12x768xi32>
    %sign3A_9 = arith.subi %sign3A_4, %sign3A_8 : vector<12x768xi32>
    %sign3A_10 = arith.constant 0 : i32
    %sign3A_11 = arith.cmpi sgt, %jit3A, %sign3A_10 : i32
    %sign3A_12 = arith.extui %sign3A_11 : i1 to i32
    %sign3A_13 = arith.constant 0 : i32
    %sign3A_14 = arith.cmpi slt, %jit3A, %sign3A_13 : i32
    %sign3A_15 = arith.extui %sign3A_14 : i1 to i32
    %sign3A_16 = arith.subi %sign3A_12, %sign3A_15 : i32
    %ne3A = vector.broadcast %sign3A_16 : i32 to vector<12x768xi32>
    %ne3A_17 = arith.cmpi ne, %sign3A_9, %ne3A : vector<12x768xi32>
    %rem3A = vector.broadcast %jit3A : i32 to vector<12x768xi32>
    %rem3A_18 = arith.remsi %iota3A_0, %rem3A : vector<12x768xi32>
    %ne3A_19 = arith.constant 0 : i32
    %ne3A_20 = vector.broadcast %ne3A_19 : i32 to vector<12x768xi32>
    %ne3A_21 = arith.cmpi ne, %rem3A_18, %ne3A_20 : vector<12x768xi32>
    %and3A = arith.andi %ne3A_17, %ne3A_21 : vector<12x768xi1>
    %sub3A = arith.constant 1 : i32
    %sub3A_22 = vector.broadcast %sub3A : i32 to vector<12x768xi32>
    %sub3A_23 = arith.subi %div3A_1, %sub3A_22 : vector<12x768xi32>
    %select_n3A = arith.select %and3A, %sub3A_23, %div3A_1 : vector<12x768xi1>, vector<12x768xi32>
    %eq3A = arith.cmpi eq, %select_n3A, %iota3A : vector<12x768xi32>
    %convert_element_type3A = arith.extui %eq3A : vector<12x768xi1> to vector<12x768xi32>
    %convert_element_type3A_24 = arith.sitofp %convert_element_type3A : vector<12x768xi32> to vector<12x768xf32>
    %get3A = arith.constant 0 : index
    %get3A_25 = arith.constant 0 : index
    %get3A_26 = vector.load %arg2[%get3A, %get3A_25] : memref<256x768xbf16, #tpu.memory_space<vmem>>, vector<256x768xbf16>
    %convert_element_type3A_27 = arith.extf %get3A_26 : vector<256x768xbf16> to vector<256x768xf32>
    %get3A_28 = arith.constant 0 : index
    %get3A_29 = arith.constant 0 : index
    %get3A_30 = vector.load %arg3[%get3A_28, %get3A_29] : memref<256x12xf32, #tpu.memory_space<vmem>>, vector<256x12xf32>
    %convert_element_type3A_31 = arith.truncf %get3A_30 : vector<256x12xf32> to vector<256x12xbf16>
    %convert_element_type3A_32 = arith.extf %convert_element_type3A_31 : vector<256x12xbf16> to vector<256x12xf32>
    %get3A_33 = arith.constant 0 : index
    %get3A_34 = arith.constant 0 : index
    %get3A_35 = vector.load %arg4[%get3A_33, %get3A_34] : memref<256x12xi32, #tpu.memory_space<vmem>>, vector<256x12xi32>
    %broadcast_in_dim3A = arith.constant 0.000000e+00 : f32
    %broadcast_in_dim3A_36 = vector.broadcast %broadcast_in_dim3A : f32 to vector<256x768xf32>
    %eq3A_37 = arith.constant 0 : i32
    %eq3A_38 = vector.broadcast %eq3A_37 : i32 to vector<256x12xi32>
    %eq3A_39 = arith.cmpi eq, %get3A_35, %eq3A_38 : vector<256x12xi32>
    %jit3A_40 = arith.constant 0.000000e+00 : f32
    %broadcast_in_dim3A_41 = vector.broadcast %jit3A_40 : f32 to vector<256x12xf32>
    %select_n3A_42 = arith.select %eq3A_39, %convert_element_type3A_32, %broadcast_in_dim3A_41 : vector<256x12xi1>, vector<256x12xf32>
    %dot_general3A = arith.constant dense<0.000000e+00> : vector<256x768xf32>
    %dot_general3A_43 = tpu.matmul %select_n3A_42, %convert_element_type3A_24, %dot_general3A {dimension_numbers = #tpu.dot_dimension_numbers<[1], [0], [0], [1], [0, 0, 1, 1], [], []>, transpose_lhs_hint = false} : vector<256x12xf32>, vector<12x768xf32>, vector<256x768xf32> -> vector<256x768xf32>
    %mul3A = arith.mulf %convert_element_type3A_27, %dot_general3A_43 : vector<256x768xf32>
    %convert_element_type3A_44 = arith.truncf %mul3A : vector<256x768xf32> to vector<256x768xbf16>
    %get3A_45 = arith.constant 0 : index
    %get3A_46 = arith.constant 0 : index
    %get3A_47 = arith.constant 0 : index
    %get3A_48 = vector.load %arg5[%get3A_45, %get3A_46, %get3A_47] : memref<6x768x768xbf16, #tpu.memory_space<vmem>>, vector<1x768x768xbf16>
    %get3A_49 = vector.shape_cast %get3A_48 : vector<1x768x768xbf16> to vector<768x768xbf16>
    %dot_general3A_50 = arith.constant dense<0.000000e+00> : vector<256x768xf32>
    %dot_general3A_51 = tpu.matmul %convert_element_type3A_44, %get3A_49, %dot_general3A_50 {dimension_numbers = #tpu.dot_dimension_numbers<[1], [0], [0], [1], [0, 0, 1, 1], [], []>, transpose_lhs_hint = false} : vector<256x768xbf16>, vector<768x768xbf16>, vector<256x768xf32> -> vector<256x768xf32>
    %add3A = arith.addf %broadcast_in_dim3A_36, %dot_general3A_51 : vector<256x768xf32>
    %eq3A_52 = arith.constant 1 : i32
    %eq3A_53 = vector.broadcast %eq3A_52 : i32 to vector<256x12xi32>
    %eq3A_54 = arith.cmpi eq, %get3A_35, %eq3A_53 : vector<256x12xi32>
    %jit3A_55 = arith.constant 0.000000e+00 : f32
    %broadcast_in_dim3A_56 = vector.broadcast %jit3A_55 : f32 to vector<256x12xf32>
    %select_n3A_57 = arith.select %eq3A_54, %convert_element_type3A_32, %broadcast_in_dim3A_56 : vector<256x12xi1>, vector<256x12xf32>
    %dot_general3A_58 = arith.constant dense<0.000000e+00> : vector<256x768xf32>
    %dot_general3A_59 = tpu.matmul %select_n3A_57, %convert_element_type3A_24, %dot_general3A_58 {dimension_numbers = #tpu.dot_dimension_numbers<[1], [0], [0], [1], [0, 0, 1, 1], [], []>, transpose_lhs_hint = false} : vector<256x12xf32>, vector<12x768xf32>, vector<256x768xf32> -> vector<256x768xf32>
    %mul3A_60 = arith.mulf %convert_element_type3A_27, %dot_general3A_59 : vector<256x768xf32>
    %convert_element_type3A_61 = arith.truncf %mul3A_60 : vector<256x768xf32> to vector<256x768xbf16>
    %get3A_62 = arith.constant 1 : index
    %get3A_63 = arith.constant 0 : index
    %get3A_64 = arith.constant 0 : index
    %get3A_65 = vector.load %arg5[%get3A_62, %get3A_63, %get3A_64] : memref<6x768x768xbf16, #tpu.memory_space<vmem>>, vector<1x768x768xbf16>
    %get3A_66 = vector.shape_cast %get3A_65 : vector<1x768x768xbf16> to vector<768x768xbf16>
    %dot_general3A_67 = arith.constant dense<0.000000e+00> : vector<256x768xf32>
    %dot_general3A_68 = tpu.matmul %convert_element_type3A_61, %get3A_66, %dot_general3A_67 {dimension_numbers = #tpu.dot_dimension_numbers<[1], [0], [0], [1], [0, 0, 1, 1], [], []>, transpose_lhs_hint = false} : vector<256x768xbf16>, vector<768x768xbf16>, vector<256x768xf32> -> vector<256x768xf32>
    %add3A_69 = arith.addf %add3A, %dot_general3A_68 : vector<256x768xf32>
    %eq3A_70 = arith.constant 2 : i32
    %eq3A_71 = vector.broadcast %eq3A_70 : i32 to vector<256x12xi32>
    %eq3A_72 = arith.cmpi eq, %get3A_35, %eq3A_71 : vector<256x12xi32>
    %jit3A_73 = arith.constant 0.000000e+00 : f32
    %broadcast_in_dim3A_74 = vector.broadcast %jit3A_73 : f32 to vector<256x12xf32>
    %select_n3A_75 = arith.select %eq3A_72, %convert_element_type3A_32, %broadcast_in_dim3A_74 : vector<256x12xi1>, vector<256x12xf32>
    %dot_general3A_76 = arith.constant dense<0.000000e+00> : vector<256x768xf32>
    %dot_general3A_77 = tpu.matmul %select_n3A_75, %convert_element_type3A_24, %dot_general3A_76 {dimension_numbers = #tpu.dot_dimension_numbers<[1], [0], [0], [1], [0, 0, 1, 1], [], []>, transpose_lhs_hint = false} : vector<256x12xf32>, vector<12x768xf32>, vector<256x768xf32> -> vector<256x768xf32>
    %mul3A_78 = arith.mulf %convert_element_type3A_27, %dot_general3A_77 : vector<256x768xf32>
    %convert_element_type3A_79 = arith.truncf %mul3A_78 : vector<256x768xf32> to vector<256x768xbf16>
    %get3A_80 = arith.constant 2 : index
    %get3A_81 = arith.constant 0 : index
    %get3A_82 = arith.constant 0 : index
    %get3A_83 = vector.load %arg5[%get3A_80, %get3A_81, %get3A_82] : memref<6x768x768xbf16, #tpu.memory_space<vmem>>, vector<1x768x768xbf16>
    %get3A_84 = vector.shape_cast %get3A_83 : vector<1x768x768xbf16> to vector<768x768xbf16>
    %dot_general3A_85 = arith.constant dense<0.000000e+00> : vector<256x768xf32>
    %dot_general3A_86 = tpu.matmul %convert_element_type3A_79, %get3A_84, %dot_general3A_85 {dimension_numbers = #tpu.dot_dimension_numbers<[1], [0], [0], [1], [0, 0, 1, 1], [], []>, transpose_lhs_hint = false} : vector<256x768xbf16>, vector<768x768xbf16>, vector<256x768xf32> -> vector<256x768xf32>
    %add3A_87 = arith.addf %add3A_69, %dot_general3A_86 : vector<256x768xf32>
    %eq3A_88 = arith.constant 3 : i32
    %eq3A_89 = vector.broadcast %eq3A_88 : i32 to vector<256x12xi32>
    %eq3A_90 = arith.cmpi eq, %get3A_35, %eq3A_89 : vector<256x12xi32>
    %jit3A_91 = arith.constant 0.000000e+00 : f32
    %broadcast_in_dim3A_92 = vector.broadcast %jit3A_91 : f32 to vector<256x12xf32>
    %select_n3A_93 = arith.select %eq3A_90, %convert_element_type3A_32, %broadcast_in_dim3A_92 : vector<256x12xi1>, vector<256x12xf32>
    %dot_general3A_94 = arith.constant dense<0.000000e+00> : vector<256x768xf32>
    %dot_general3A_95 = tpu.matmul %select_n3A_93, %convert_element_type3A_24, %dot_general3A_94 {dimension_numbers = #tpu.dot_dimension_numbers<[1], [0], [0], [1], [0, 0, 1, 1], [], []>, transpose_lhs_hint = false} : vector<256x12xf32>, vector<12x768xf32>, vector<256x768xf32> -> vector<256x768xf32>
    %mul3A_96 = arith.mulf %convert_element_type3A_27, %dot_general3A_95 : vector<256x768xf32>
    %convert_element_type3A_97 = arith.truncf %mul3A_96 : vector<256x768xf32> to vector<256x768xbf16>
    %get3A_98 = arith.constant 3 : index
    %get3A_99 = arith.constant 0 : index
    %get3A_100 = arith.constant 0 : index
    %get3A_101 = vector.load %arg5[%get3A_98, %get3A_99, %get3A_100] : memref<6x768x768xbf16, #tpu.memory_space<vmem>>, vector<1x768x768xbf16>
    %get3A_102 = vector.shape_cast %get3A_101 : vector<1x768x768xbf16> to vector<768x768xbf16>
    %dot_general3A_103 = arith.constant dense<0.000000e+00> : vector<256x768xf32>
    %dot_general3A_104 = tpu.matmul %convert_element_type3A_97, %get3A_102, %dot_general3A_103 {dimension_numbers = #tpu.dot_dimension_numbers<[1], [0], [0], [1], [0, 0, 1, 1], [], []>, transpose_lhs_hint = false} : vector<256x768xbf16>, vector<768x768xbf16>, vector<256x768xf32> -> vector<256x768xf32>
    %add3A_105 = arith.addf %add3A_87, %dot_general3A_104 : vector<256x768xf32>
    %eq3A_106 = arith.constant 4 : i32
    %eq3A_107 = vector.broadcast %eq3A_106 : i32 to vector<256x12xi32>
    %eq3A_108 = arith.cmpi eq, %get3A_35, %eq3A_107 : vector<256x12xi32>
    %jit3A_109 = arith.constant 0.000000e+00 : f32
    %broadcast_in_dim3A_110 = vector.broadcast %jit3A_109 : f32 to vector<256x12xf32>
    %select_n3A_111 = arith.select %eq3A_108, %convert_element_type3A_32, %broadcast_in_dim3A_110 : vector<256x12xi1>, vector<256x12xf32>
    %dot_general3A_112 = arith.constant dense<0.000000e+00> : vector<256x768xf32>
    %dot_general3A_113 = tpu.matmul %select_n3A_111, %convert_element_type3A_24, %dot_general3A_112 {dimension_numbers = #tpu.dot_dimension_numbers<[1], [0], [0], [1], [0, 0, 1, 1], [], []>, transpose_lhs_hint = false} : vector<256x12xf32>, vector<12x768xf32>, vector<256x768xf32> -> vector<256x768xf32>
    %mul3A_114 = arith.mulf %convert_element_type3A_27, %dot_general3A_113 : vector<256x768xf32>
    %convert_element_type3A_115 = arith.truncf %mul3A_114 : vector<256x768xf32> to vector<256x768xbf16>
    %get3A_116 = arith.constant 4 : index
    %get3A_117 = arith.constant 0 : index
    %get3A_118 = arith.constant 0 : index
    %get3A_119 = vector.load %arg5[%get3A_116, %get3A_117, %get3A_118] : memref<6x768x768xbf16, #tpu.memory_space<vmem>>, vector<1x768x768xbf16>
    %get3A_120 = vector.shape_cast %get3A_119 : vector<1x768x768xbf16> to vector<768x768xbf16>
    %dot_general3A_121 = arith.constant dense<0.000000e+00> : vector<256x768xf32>
    %dot_general3A_122 = tpu.matmul %convert_element_type3A_115, %get3A_120, %dot_general3A_121 {dimension_numbers = #tpu.dot_dimension_numbers<[1], [0], [0], [1], [0, 0, 1, 1], [], []>, transpose_lhs_hint = false} : vector<256x768xbf16>, vector<768x768xbf16>, vector<256x768xf32> -> vector<256x768xf32>
    %add3A_123 = arith.addf %add3A_105, %dot_general3A_122 : vector<256x768xf32>
    %eq3A_124 = arith.constant 5 : i32
    %eq3A_125 = vector.broadcast %eq3A_124 : i32 to vector<256x12xi32>
    %eq3A_126 = arith.cmpi eq, %get3A_35, %eq3A_125 : vector<256x12xi32>
    %jit3A_127 = arith.constant 0.000000e+00 : f32
    %broadcast_in_dim3A_128 = vector.broadcast %jit3A_127 : f32 to vector<256x12xf32>
    %select_n3A_129 = arith.select %eq3A_126, %convert_element_type3A_32, %broadcast_in_dim3A_128 : vector<256x12xi1>, vector<256x12xf32>
    %dot_general3A_130 = arith.constant dense<0.000000e+00> : vector<256x768xf32>
    %dot_general3A_131 = tpu.matmul %select_n3A_129, %convert_element_type3A_24, %dot_general3A_130 {dimension_numbers = #tpu.dot_dimension_numbers<[1], [0], [0], [1], [0, 0, 1, 1], [], []>, transpose_lhs_hint = false} : vector<256x12xf32>, vector<12x768xf32>, vector<256x768xf32> -> vector<256x768xf32>
    %mul3A_132 = arith.mulf %convert_element_type3A_27, %dot_general3A_131 : vector<256x768xf32>
    %convert_element_type3A_133 = arith.truncf %mul3A_132 : vector<256x768xf32> to vector<256x768xbf16>
    %get3A_134 = arith.constant 5 : index
    %get3A_135 = arith.constant 0 : index
    %get3A_136 = arith.constant 0 : index
    %get3A_137 = vector.load %arg5[%get3A_134, %get3A_135, %get3A_136] : memref<6x768x768xbf16, #tpu.memory_space<vmem>>, vector<1x768x768xbf16>
    %get3A_138 = vector.shape_cast %get3A_137 : vector<1x768x768xbf16> to vector<768x768xbf16>
    %dot_general3A_139 = arith.constant dense<0.000000e+00> : vector<256x768xf32>
    %dot_general3A_140 = tpu.matmul %convert_element_type3A_133, %get3A_138, %dot_general3A_139 {dimension_numbers = #tpu.dot_dimension_numbers<[1], [0], [0], [1], [0, 0, 1, 1], [], []>, transpose_lhs_hint = false} : vector<256x768xbf16>, vector<768x768xbf16>, vector<256x768xf32> -> vector<256x768xf32>
    %add3A_141 = arith.addf %add3A_123, %dot_general3A_140 : vector<256x768xf32>
    %get3A_142 = arith.constant 0 : index
    %get3A_143 = arith.constant 0 : index
    %get3A_144 = vector.load %arg1[%get3A_142, %get3A_143] : memref<256x768xf32, #tpu.memory_space<vmem>>, vector<256x768xf32>
    %add3A_145 = arith.addf %get3A_144, %add3A_141 : vector<256x768xf32>
    %get3A_146 = arith.constant 0 : index
    %get3A_147 = arith.constant 0 : index
    %get3A_148 = vector.load %arg6[%get3A_146, %get3A_147] : memref<1x768xf32, #tpu.memory_space<vmem>>, vector<1x768xf32>
    %get3A_149 = arith.constant 0 : index
    %get3A_150 = arith.constant 0 : index
    %get3A_151 = vector.load %arg7[%get3A_149, %get3A_150] : memref<1x768xf32, #tpu.memory_space<vmem>>, vector<1x768xf32>
    %reduce_sum3A = arith.constant dense<0.000000e+00> : vector<256xf32>
    %reduce_sum3A_152 = vector.multi_reduction <add>, %add3A_145, %reduce_sum3A [1] : vector<256x768xf32> to vector<256xf32>
    %broadcast_in_dim3A_153 = vector.shape_cast %reduce_sum3A_152 : vector<256xf32> to vector<256x1xf32>
    %div3A_154 = arith.constant 7.680000e+02 : f32
    %div3A_155 = vector.broadcast %div3A_154 : f32 to vector<256x1xf32>
    %div3A_156 = arith.divf %broadcast_in_dim3A_153, %div3A_155 : vector<256x1xf32>
    %jit3A_157 = arith.constant 0 : i32
    %reduce_sum3A_158 = arith.constant dense<0.000000e+00> : vector<256xf32>
    %reduce_sum3A_159 = vector.multi_reduction <add>, %add3A_145, %reduce_sum3A_158 [1] : vector<256x768xf32> to vector<256xf32>
    %broadcast_in_dim3A_160 = vector.shape_cast %reduce_sum3A_159 : vector<256xf32> to vector<256x1xf32>
    %div3A_161 = arith.constant 7.680000e+02 : f32
    %div3A_162 = vector.broadcast %div3A_161 : f32 to vector<256x1xf32>
    %div3A_163 = arith.divf %broadcast_in_dim3A_160, %div3A_162 : vector<256x1xf32>
    %sub3A_164 = vector.broadcast %div3A_163 : vector<256x1xf32> to vector<256x768xf32>
    %sub3A_165 = arith.subf %add3A_145, %sub3A_164 : vector<256x768xf32>
    %square3A = arith.mulf %sub3A_165, %sub3A_165 : vector<256x768xf32>
    %convert_element_type3A_166 = arith.sitofp %jit3A_157 : i32 to f32
    %sub3A_167 = arith.constant 7.680000e+02 : f32
    %sub3A_168 = arith.subf %sub3A_167, %convert_element_type3A_166 : f32
    %reduce_sum3A_169 = arith.constant dense<0.000000e+00> : vector<256xf32>
    %reduce_sum3A_170 = vector.multi_reduction <add>, %square3A, %reduce_sum3A_169 [1] : vector<256x768xf32> to vector<256xf32>
    %broadcast_in_dim3A_171 = vector.shape_cast %reduce_sum3A_170 : vector<256xf32> to vector<256x1xf32>
    %div3A_172 = vector.broadcast %sub3A_168 : f32 to vector<256x1xf32>
    %div3A_173 = arith.divf %broadcast_in_dim3A_171, %div3A_172 : vector<256x1xf32>
    %gt3A = arith.constant 0.000000e+00 : f32
    %gt3A_174 = arith.cmpf ogt, %sub3A_168, %gt3A : f32
    %jit3A_175 = arith.constant 0x7FC00000 : f32
    %broadcast_in_dim3A_176 = vector.broadcast %jit3A_175 : f32 to vector<256x1xf32>
    %select_n3A_177 = arith.select %gt3A_174, %div3A_173, %broadcast_in_dim3A_176 : vector<256x1xf32>
    %sub3A_178 = vector.broadcast %div3A_156 : vector<256x1xf32> to vector<256x768xf32>
    %sub3A_179 = arith.subf %add3A_145, %sub3A_178 : vector<256x768xf32>
    %add3A_180 = arith.constant 9.99999974E-6 : f32
    %add3A_181 = vector.broadcast %add3A_180 : f32 to vector<256x1xf32>
    %add3A_182 = arith.addf %select_n3A_177, %add3A_181 : vector<256x1xf32>
    %sqrt3A = math.sqrt %add3A_182 : vector<256x1xf32>
    %div3A_183 = vector.broadcast %sqrt3A : vector<256x1xf32> to vector<256x768xf32>
    %div3A_184 = arith.divf %sub3A_179, %div3A_183 : vector<256x768xf32>
    %mul3A_185 = vector.broadcast %get3A_148 : vector<1x768xf32> to vector<256x768xf32>
    %mul3A_186 = arith.mulf %div3A_184, %mul3A_185 : vector<256x768xf32>
    %add3A_187 = vector.broadcast %get3A_151 : vector<1x768xf32> to vector<256x768xf32>
    %add3A_188 = arith.addf %mul3A_186, %add3A_187 : vector<256x768xf32>
    %convert_element_type3A_189 = arith.truncf %add3A_188 : vector<256x768xf32> to vector<256x768xbf16>
    %get3A_190 = arith.constant 0 : index
    %get3A_191 = arith.constant 0 : index
    %get3A_192 = vector.load %arg8[%get3A_190, %get3A_191] : memref<768x6xbf16, #tpu.memory_space<vmem>>, vector<768x6xbf16>
    %dot_general3A_193 = arith.constant dense<0.000000e+00> : vector<256x6xf32>
    %dot_general3A_194 = tpu.matmul %convert_element_type3A_189, %get3A_192, %dot_general3A_193 {dimension_numbers = #tpu.dot_dimension_numbers<[1], [0], [0], [1], [0, 0, 1, 1], [], []>, transpose_lhs_hint = false} : vector<256x768xbf16>, vector<768x6xbf16>, vector<256x6xf32> -> vector<256x6xf32>
    %reduce_max3A = arith.constant dense<0xFF800000> : vector<256xf32>
    %reduce_max3A_195 = vector.multi_reduction <maximumf>, %dot_general3A_194, %reduce_max3A [1] : vector<256x6xf32> to vector<256xf32>
    %broadcast_in_dim3A_196 = vector.shape_cast %reduce_max3A_195 : vector<256xf32> to vector<256x1xf32>
    %sub3A_197 = vector.broadcast %broadcast_in_dim3A_196 : vector<256x1xf32> to vector<256x6xf32>
    %sub3A_198 = arith.subf %dot_general3A_194, %sub3A_197 : vector<256x6xf32>
    %exp3A = math.exp %sub3A_198 : vector<256x6xf32>
    %reduce_sum3A_199 = arith.constant dense<0.000000e+00> : vector<256xf32>
    %reduce_sum3A_200 = vector.multi_reduction <add>, %exp3A, %reduce_sum3A_199 [1] : vector<256x6xf32> to vector<256xf32>
    %broadcast_in_dim3A_201 = vector.shape_cast %reduce_sum3A_200 : vector<256xf32> to vector<256x1xf32>
    %div3A_202 = arith.constant 1.000000e+00 : f32
    %div3A_203 = vector.broadcast %div3A_202 : f32 to vector<256x1xf32>
    %div3A_204 = arith.divf %div3A_203, %broadcast_in_dim3A_201 : vector<256x1xf32>
    %broadcast_in_dim3A_205 = arith.constant 0xFF800000 : f32
    %broadcast_in_dim3A_206 = vector.broadcast %broadcast_in_dim3A_205 : f32 to vector<256x1xf32>
    %broadcast_in_dim3A_207 = arith.constant 0 : i32
    %broadcast_in_dim3A_208 = vector.broadcast %broadcast_in_dim3A_207 : i32 to vector<256x1xi32>
    %slice3A = vector.extract_strided_slice %dot_general3A_194 {offsets = [0, 0], sizes = [256, 1], strides = [1, 1]} : vector<256x6xf32> to vector<256x1xf32>
    %gt3A_209 = arith.cmpf ogt, %slice3A, %broadcast_in_dim3A_206 : vector<256x1xf32>
    %select_n3A_210 = arith.select %gt3A_209, %slice3A, %broadcast_in_dim3A_206 : vector<256x1xi1>, vector<256x1xf32>
    %jit3A_211 = arith.constant 0 : i32
    %broadcast_in_dim3A_212 = vector.broadcast %jit3A_211 : i32 to vector<256x1xi32>
    %select_n3A_213 = arith.select %gt3A_209, %broadcast_in_dim3A_212, %broadcast_in_dim3A_208 : vector<256x1xi1>, vector<256x1xi32>
    %slice3A_214 = vector.extract_strided_slice %dot_general3A_194 {offsets = [0, 1], sizes = [256, 1], strides = [1, 1]} : vector<256x6xf32> to vector<256x1xf32>
    %gt3A_215 = arith.cmpf ogt, %slice3A_214, %select_n3A_210 : vector<256x1xf32>
    %select_n3A_216 = arith.select %gt3A_215, %slice3A_214, %select_n3A_210 : vector<256x1xi1>, vector<256x1xf32>
    %jit3A_217 = arith.constant 1 : i32
    %broadcast_in_dim3A_218 = vector.broadcast %jit3A_217 : i32 to vector<256x1xi32>
    %select_n3A_219 = arith.select %gt3A_215, %broadcast_in_dim3A_218, %select_n3A_213 : vector<256x1xi1>, vector<256x1xi32>
    %slice3A_220 = vector.extract_strided_slice %dot_general3A_194 {offsets = [0, 2], sizes = [256, 1], strides = [1, 1]} : vector<256x6xf32> to vector<256x1xf32>
    %gt3A_221 = arith.cmpf ogt, %slice3A_220, %select_n3A_216 : vector<256x1xf32>
    %select_n3A_222 = arith.select %gt3A_221, %slice3A_220, %select_n3A_216 : vector<256x1xi1>, vector<256x1xf32>
    %jit3A_223 = arith.constant 2 : i32
    %broadcast_in_dim3A_224 = vector.broadcast %jit3A_223 : i32 to vector<256x1xi32>
    %select_n3A_225 = arith.select %gt3A_221, %broadcast_in_dim3A_224, %select_n3A_219 : vector<256x1xi1>, vector<256x1xi32>
    %slice3A_226 = vector.extract_strided_slice %dot_general3A_194 {offsets = [0, 3], sizes = [256, 1], strides = [1, 1]} : vector<256x6xf32> to vector<256x1xf32>
    %gt3A_227 = arith.cmpf ogt, %slice3A_226, %select_n3A_222 : vector<256x1xf32>
    %select_n3A_228 = arith.select %gt3A_227, %slice3A_226, %select_n3A_222 : vector<256x1xi1>, vector<256x1xf32>
    %jit3A_229 = arith.constant 3 : i32
    %broadcast_in_dim3A_230 = vector.broadcast %jit3A_229 : i32 to vector<256x1xi32>
    %select_n3A_231 = arith.select %gt3A_227, %broadcast_in_dim3A_230, %select_n3A_225 : vector<256x1xi1>, vector<256x1xi32>
    %slice3A_232 = vector.extract_strided_slice %dot_general3A_194 {offsets = [0, 4], sizes = [256, 1], strides = [1, 1]} : vector<256x6xf32> to vector<256x1xf32>
    %gt3A_233 = arith.cmpf ogt, %slice3A_232, %select_n3A_228 : vector<256x1xf32>
    %select_n3A_234 = arith.select %gt3A_233, %slice3A_232, %select_n3A_228 : vector<256x1xi1>, vector<256x1xf32>
    %jit3A_235 = arith.constant 4 : i32
    %broadcast_in_dim3A_236 = vector.broadcast %jit3A_235 : i32 to vector<256x1xi32>
    %select_n3A_237 = arith.select %gt3A_233, %broadcast_in_dim3A_236, %select_n3A_231 : vector<256x1xi1>, vector<256x1xi32>
    %slice3A_238 = vector.extract_strided_slice %dot_general3A_194 {offsets = [0, 5], sizes = [256, 1], strides = [1, 1]} : vector<256x6xf32> to vector<256x1xf32>
    %gt3A_239 = arith.cmpf ogt, %slice3A_238, %select_n3A_234 : vector<256x1xf32>
    %jit3A_240 = arith.constant 5 : i32
    %broadcast_in_dim3A_241 = vector.broadcast %jit3A_240 : i32 to vector<256x1xi32>
    %select_n3A_242 = arith.select %gt3A_239, %broadcast_in_dim3A_241, %select_n3A_237 : vector<256x1xi1>, vector<256x1xi32>
    %convert_element_type3A_243 = arith.extf %convert_element_type3A_189 : vector<256x768xbf16> to vector<256x768xf32>
    %convert_element_type3A_244 = arith.truncf %div3A_204 : vector<256x1xf32> to vector<256x1xbf16>
    %convert_element_type3A_245 = arith.extf %convert_element_type3A_244 : vector<256x1xbf16> to vector<256x1xf32>
    %swap3A = arith.constant 0 : index
    %swap3A_246 = arith.constant 0 : index
    %swap3A_247 = vector.load %arg9[%swap3A, %swap3A_246] : memref<256x768xf32, #tpu.memory_space<vmem>>, vector<256x768xf32>
    tpu.vector_store %arg9[%swap3A, %swap3A_246], %add3A_145 {strides = array<i32>} : memref<256x768xf32, #tpu.memory_space<vmem>>, vector<256x768xf32>,
    %mul3A_248 = vector.broadcast %convert_element_type3A_245 : vector<256x1xf32> to vector<256x768xf32>
    %mul3A_249 = arith.mulf %convert_element_type3A_243, %mul3A_248 : vector<256x768xf32>
    %swap3A_250 = arith.constant 0 : index
    %swap3A_251 = arith.constant 0 : index
    %swap3A_252 = vector.load %arg10[%swap3A_250, %swap3A_251] : memref<256x768xf32, #tpu.memory_space<vmem>>, vector<256x768xf32>
    tpu.vector_store %arg10[%swap3A_250, %swap3A_251], %mul3A_249 {strides = array<i32>} : memref<256x768xf32, #tpu.memory_space<vmem>>, vector<256x768xf32>,
    %swap3A_253 = arith.constant 0 : index
    %swap3A_254 = arith.constant 0 : index
    %swap3A_255 = vector.load %arg11[%swap3A_253, %swap3A_254] : memref<256x1xf32, #tpu.memory_space<vmem>>, vector<256x1xf32>
    tpu.vector_store %arg11[%swap3A_253, %swap3A_254], %convert_element_type3A_245 {strides = array<i32>} : memref<256x1xf32, #tpu.memory_space<vmem>>, vector<256x1xf32>,
    %swap3A_256 = arith.constant 0 : index
    %swap3A_257 = arith.constant 0 : index
    %swap3A_258 = vector.load %arg12[%swap3A_256, %swap3A_257] : memref<256x1xi32, #tpu.memory_space<vmem>>, vector<256x1xi32>
    tpu.vector_store %arg12[%swap3A_256, %swap3A_257], %select_n3A_242 {strides = array<i32>} : memref<256x1xi32, #tpu.memory_space<vmem>>, vector<256x1xi32>,
    return
  }
  func.func @transform_0(%arg0: i32) -> (i32, i32) {
    %c0_i32 = arith.constant 0 : i32
    %c0_i32_0 = arith.constant 0 : i32
    return %arg0, %c0_i32 : i32, i32
  }
  func.func @transform_1(%arg0: i32) -> (i32, i32) {
    %c0_i32 = arith.constant 0 : i32
    %c0_i32_0 = arith.constant 0 : i32
    return %arg0, %c0_i32 : i32, i32
  }
  func.func @transform_2(%arg0: i32) -> (i32, i32) {
    %c0_i32 = arith.constant 0 : i32
    %c0_i32_0 = arith.constant 0 : i32
    return %arg0, %c0_i32 : i32, i32
  }
  func.func @transform_3(%arg0: i32) -> (i32, i32) {
    %c0_i32 = arith.constant 0 : i32
    %c0_i32_0 = arith.constant 0 : i32
    return %arg0, %c0_i32 : i32, i32
  }
  func.func @transform_4(%arg0: i32) -> (i32, i32, i32) {
    %c0_i32 = arith.constant 0 : i32
    %c0_i32_0 = arith.constant 0 : i32
    %c0_i32_1 = arith.constant 0 : i32
    %c0_i32_2 = arith.constant 0 : i32
    return %c0_i32, %c0_i32_0, %c0_i32_1 : i32, i32, i32
  }
  func.func @transform_5(%arg0: i32) -> (i32, i32) {
    %c0_i32 = arith.constant 0 : i32
    %c0_i32_0 = arith.constant 0 : i32
    %c0_i32_1 = arith.constant 0 : i32
    return %c0_i32, %c0_i32_0 : i32, i32
  }
  func.func @transform_6(%arg0: i32) -> (i32, i32) {
    %c0_i32 = arith.constant 0 : i32
    %c0_i32_0 = arith.constant 0 : i32
    %c0_i32_1 = arith.constant 0 : i32
    return %c0_i32, %c0_i32_0 : i32, i32
  }
  func.func @transform_7(%arg0: i32) -> (i32, i32) {
    %c0_i32 = arith.constant 0 : i32
    %c0_i32_0 = arith.constant 0 : i32
    %c0_i32_1 = arith.constant 0 : i32
    return %c0_i32, %c0_i32_0 : i32, i32
  }
  func.func @transform_8(%arg0: i32) -> (i32, i32) {
    %c0_i32 = arith.constant 0 : i32
    %c0_i32_0 = arith.constant 0 : i32
    return %arg0, %c0_i32 : i32, i32
  }
  func.func @transform_9(%arg0: i32) -> (i32, i32) {
    %c0_i32 = arith.constant 0 : i32
    %c0_i32_0 = arith.constant 0 : i32
    return %arg0, %c0_i32 : i32, i32
  }
  func.func @transform_10(%arg0: i32) -> (i32, i32) {
    %c0_i32 = arith.constant 0 : i32
    %c0_i32_0 = arith.constant 0 : i32
    return %arg0, %c0_i32 : i32, i32
  }
  func.func @transform_11(%arg0: i32) -> (i32, i32) {
    %c0_i32 = arith.constant 0 : i32
    %c0_i32_0 = arith.constant 0 : i32
    return %arg0, %c0_i32 : i32, i32
  }
}

module attributes {stable_mosaic.version = 14 : i64} {
  func.func @_route_prep_body(%arg0: i32, %arg1: memref<2048x1xi32, #tpu.memory_space<vmem>>, %arg2: memref<256x1xi32, #tpu.memory_space<vmem>>, %arg3: memref<256x1xi32, #tpu.memory_space<vmem>>, %arg4: memref<1x128xi32, #tpu.memory_space<vmem>>) attributes {dimension_semantics = [#tpu.dimension_semantics<arbitrary>], iteration_bounds = array<i64: 8>, scalar_prefetch = 0 : i64, scratch_operands = 0 : i64, tpu.core_type = #tpu.core_type<tc>, window_params = [{pipeline_mode = #tpu.pipeline_mode<synchronous>, transform_indices = @transform_0, window_bounds = array<i64: 2048, 1>}, {transform_indices = @transform_1, window_bounds = array<i64: 256, 1>}, {transform_indices = @transform_2, window_bounds = array<i64: 256, 1>}, {pipeline_mode = #tpu.pipeline_mode<synchronous>, transform_indices = @transform_3, window_bounds = array<i64: 1, 128>}]} {
    %iota3A = tpu.iota {dimensions = array<i32: 1>} : vector<2048x6xi32>
    %get3A = arith.constant 0 : index
    %get3A_0 = arith.constant 0 : index
    %get3A_1 = vector.load %arg1[%get3A, %get3A_0] : memref<2048x1xi32, #tpu.memory_space<vmem>>, vector<2048x1xi32>
    %eq3A = vector.broadcast %get3A_1 : vector<2048x1xi32> to vector<2048x6xi32>
    %eq3A_2 = arith.cmpi eq, %eq3A, %iota3A : vector<2048x6xi32>
    %convert_element_type3A = arith.extui %eq3A_2 : vector<2048x6xi1> to vector<2048x6xi32>
    %convert_element_type3A_3 = arith.sitofp %convert_element_type3A : vector<2048x6xi32> to vector<2048x6xf32>
    %reduce_sum3A = arith.constant dense<0.000000e+00> : vector<6xf32>
    %reduce_sum3A_4 = vector.multi_reduction <add>, %convert_element_type3A_3, %reduce_sum3A [0] : vector<2048x6xf32> to vector<6xf32>
    %broadcast_in_dim3A = vector.shape_cast %reduce_sum3A_4 : vector<6xf32> to vector<1x6xf32>
    %add3A = arith.constant 2.550000e+02 : f32
    %add3A_5 = vector.broadcast %add3A : f32 to vector<1x6xf32>
    %add3A_6 = arith.addf %broadcast_in_dim3A, %add3A_5 : vector<1x6xf32>
    %div3A = arith.constant 2.560000e+02 : f32
    %div3A_7 = vector.broadcast %div3A : f32 to vector<1x6xf32>
    %div3A_8 = arith.divf %add3A_6, %div3A_7 : vector<1x6xf32>
    %floor3A = math.floor %div3A_8 : vector<1x6xf32>
    %mul3A = arith.constant 2.560000e+02 : f32
    %mul3A_9 = vector.broadcast %mul3A : f32 to vector<1x6xf32>
    %mul3A_10 = arith.mulf %floor3A, %mul3A_9 : vector<1x6xf32>
    %iota3A_11 = tpu.iota {dimensions = array<i32: 0>} : vector<2048x6xi32>
    %mul3A_12 = arith.constant 256 : i32
    %mul3A_13 = arith.muli %arg0, %mul3A_12 : i32
    %lt3A = vector.broadcast %mul3A_13 : i32 to vector<2048x6xi32>
    %lt3A_14 = arith.cmpi slt, %iota3A_11, %lt3A : vector<2048x6xi32>
    %jit3A = arith.constant 0.000000e+00 : f32
    %broadcast_in_dim3A_15 = vector.broadcast %jit3A : f32 to vector<2048x6xf32>
    %select_n3A = arith.select %lt3A_14, %convert_element_type3A_3, %broadcast_in_dim3A_15 : vector<2048x6xi1>, vector<2048x6xf32>
    %reduce_sum3A_16 = arith.constant dense<0.000000e+00> : vector<6xf32>
    %reduce_sum3A_17 = vector.multi_reduction <add>, %select_n3A, %reduce_sum3A_16 [0] : vector<2048x6xf32> to vector<6xf32>
    %broadcast_in_dim3A_18 = vector.shape_cast %reduce_sum3A_17 : vector<6xf32> to vector<1x6xf32>
    %iota3A_19 = tpu.iota {dimensions = array<i32: 1>} : vector<256x6xi32>
    %get3A_20 = arith.constant 0 : index
    %get3A_21 = arith.constant 0 : index
    %get3A_22 = vector.load %arg2[%get3A_20, %get3A_21] : memref<256x1xi32, #tpu.memory_space<vmem>>, vector<256x1xi32>
    %eq3A_23 = vector.broadcast %get3A_22 : vector<256x1xi32> to vector<256x6xi32>
    %eq3A_24 = arith.cmpi eq, %eq3A_23, %iota3A_19 : vector<256x6xi32>
    %convert_element_type3A_25 = arith.extui %eq3A_24 : vector<256x6xi1> to vector<256x6xi32>
    %convert_element_type3A_26 = arith.sitofp %convert_element_type3A_25 : vector<256x6xi32> to vector<256x6xf32>
    %iota3A_27 = tpu.iota {dimensions = array<i32: 0>} : vector<256x256xi32>
    %iota3A_28 = tpu.iota {dimensions = array<i32: 1>} : vector<256x256xi32>
    %le3A = arith.cmpi sle, %iota3A_28, %iota3A_27 : vector<256x256xi32>
    %convert_element_type3A_29 = arith.extui %le3A : vector<256x256xi1> to vector<256x256xi32>
    %convert_element_type3A_30 = arith.sitofp %convert_element_type3A_29 : vector<256x256xi32> to vector<256x256xf32>
    %dot_general3A = arith.constant dense<0.000000e+00> : vector<256x6xf32>
    %dot_general3A_31 = tpu.matmul %convert_element_type3A_30, %convert_element_type3A_26, %dot_general3A {dimension_numbers = #tpu.dot_dimension_numbers<[1], [0], [0], [1], [0, 0, 1, 1], [], []>, precision = #tpu.contract_precision<fp32>, transpose_lhs_hint = false} : vector<256x256xf32>, vector<256x6xf32>, vector<256x6xf32> -> vector<256x6xf32>
    %broadcast_in_dim3A_32 = arith.constant 0.000000e+00 : f32
    %broadcast_in_dim3A_33 = vector.broadcast %broadcast_in_dim3A_32 : f32 to vector<256x1xf32>
    %broadcast_in_dim3A_34 = arith.constant 0.000000e+00 : f32
    %broadcast_in_dim3A_35 = vector.broadcast %broadcast_in_dim3A_34 : f32 to vector<1x1xf32>
    %slice3A = vector.extract_strided_slice %broadcast_in_dim3A_18 {offsets = [0, 0], sizes = [1, 1], strides = [1, 1]} : vector<1x6xf32> to vector<1x1xf32>
    %add3A_36 = arith.addf %broadcast_in_dim3A_35, %slice3A : vector<1x1xf32>
    %slice3A_37 = vector.extract_strided_slice %dot_general3A_31 {offsets = [0, 0], sizes = [256, 1], strides = [1, 1]} : vector<256x6xf32> to vector<256x1xf32>
    %add3A_38 = vector.broadcast %add3A_36 : vector<1x1xf32> to vector<256x1xf32>
    %add3A_39 = arith.addf %add3A_38, %slice3A_37 : vector<256x1xf32>
    %sub3A = arith.constant 1.000000e+00 : f32
    %sub3A_40 = vector.broadcast %sub3A : f32 to vector<256x1xf32>
    %sub3A_41 = arith.subf %add3A_39, %sub3A_40 : vector<256x1xf32>
    %slice3A_42 = vector.extract_strided_slice %convert_element_type3A_26 {offsets = [0, 0], sizes = [256, 1], strides = [1, 1]} : vector<256x6xf32> to vector<256x1xf32>
    %mul3A_43 = arith.mulf %slice3A_42, %sub3A_41 : vector<256x1xf32>
    %add3A_44 = arith.addf %broadcast_in_dim3A_33, %mul3A_43 : vector<256x1xf32>
    %slice3A_45 = vector.extract_strided_slice %mul3A_10 {offsets = [0, 0], sizes = [1, 1], strides = [1, 1]} : vector<1x6xf32> to vector<1x1xf32>
    %add3A_46 = arith.addf %broadcast_in_dim3A_35, %slice3A_45 : vector<1x1xf32>
    %slice3A_47 = vector.extract_strided_slice %broadcast_in_dim3A_18 {offsets = [0, 1], sizes = [1, 1], strides = [1, 1]} : vector<1x6xf32> to vector<1x1xf32>
    %add3A_48 = arith.addf %add3A_46, %slice3A_47 : vector<1x1xf32>
    %slice3A_49 = vector.extract_strided_slice %dot_general3A_31 {offsets = [0, 1], sizes = [256, 1], strides = [1, 1]} : vector<256x6xf32> to vector<256x1xf32>
    %add3A_50 = vector.broadcast %add3A_48 : vector<1x1xf32> to vector<256x1xf32>
    %add3A_51 = arith.addf %add3A_50, %slice3A_49 : vector<256x1xf32>
    %sub3A_52 = arith.constant 1.000000e+00 : f32
    %sub3A_53 = vector.broadcast %sub3A_52 : f32 to vector<256x1xf32>
    %sub3A_54 = arith.subf %add3A_51, %sub3A_53 : vector<256x1xf32>
    %slice3A_55 = vector.extract_strided_slice %convert_element_type3A_26 {offsets = [0, 1], sizes = [256, 1], strides = [1, 1]} : vector<256x6xf32> to vector<256x1xf32>
    %mul3A_56 = arith.mulf %slice3A_55, %sub3A_54 : vector<256x1xf32>
    %add3A_57 = arith.addf %add3A_44, %mul3A_56 : vector<256x1xf32>
    %slice3A_58 = vector.extract_strided_slice %mul3A_10 {offsets = [0, 1], sizes = [1, 1], strides = [1, 1]} : vector<1x6xf32> to vector<1x1xf32>
    %add3A_59 = arith.addf %add3A_46, %slice3A_58 : vector<1x1xf32>
    %slice3A_60 = vector.extract_strided_slice %broadcast_in_dim3A_18 {offsets = [0, 2], sizes = [1, 1], strides = [1, 1]} : vector<1x6xf32> to vector<1x1xf32>
    %add3A_61 = arith.addf %add3A_59, %slice3A_60 : vector<1x1xf32>
    %slice3A_62 = vector.extract_strided_slice %dot_general3A_31 {offsets = [0, 2], sizes = [256, 1], strides = [1, 1]} : vector<256x6xf32> to vector<256x1xf32>
    %add3A_63 = vector.broadcast %add3A_61 : vector<1x1xf32> to vector<256x1xf32>
    %add3A_64 = arith.addf %add3A_63, %slice3A_62 : vector<256x1xf32>
    %sub3A_65 = arith.constant 1.000000e+00 : f32
    %sub3A_66 = vector.broadcast %sub3A_65 : f32 to vector<256x1xf32>
    %sub3A_67 = arith.subf %add3A_64, %sub3A_66 : vector<256x1xf32>
    %slice3A_68 = vector.extract_strided_slice %convert_element_type3A_26 {offsets = [0, 2], sizes = [256, 1], strides = [1, 1]} : vector<256x6xf32> to vector<256x1xf32>
    %mul3A_69 = arith.mulf %slice3A_68, %sub3A_67 : vector<256x1xf32>
    %add3A_70 = arith.addf %add3A_57, %mul3A_69 : vector<256x1xf32>
    %slice3A_71 = vector.extract_strided_slice %mul3A_10 {offsets = [0, 2], sizes = [1, 1], strides = [1, 1]} : vector<1x6xf32> to vector<1x1xf32>
    %add3A_72 = arith.addf %add3A_59, %slice3A_71 : vector<1x1xf32>
    %slice3A_73 = vector.extract_strided_slice %broadcast_in_dim3A_18 {offsets = [0, 3], sizes = [1, 1], strides = [1, 1]} : vector<1x6xf32> to vector<1x1xf32>
    %add3A_74 = arith.addf %add3A_72, %slice3A_73 : vector<1x1xf32>
    %slice3A_75 = vector.extract_strided_slice %dot_general3A_31 {offsets = [0, 3], sizes = [256, 1], strides = [1, 1]} : vector<256x6xf32> to vector<256x1xf32>
    %add3A_76 = vector.broadcast %add3A_74 : vector<1x1xf32> to vector<256x1xf32>
    %add3A_77 = arith.addf %add3A_76, %slice3A_75 : vector<256x1xf32>
    %sub3A_78 = arith.constant 1.000000e+00 : f32
    %sub3A_79 = vector.broadcast %sub3A_78 : f32 to vector<256x1xf32>
    %sub3A_80 = arith.subf %add3A_77, %sub3A_79 : vector<256x1xf32>
    %slice3A_81 = vector.extract_strided_slice %convert_element_type3A_26 {offsets = [0, 3], sizes = [256, 1], strides = [1, 1]} : vector<256x6xf32> to vector<256x1xf32>
    %mul3A_82 = arith.mulf %slice3A_81, %sub3A_80 : vector<256x1xf32>
    %add3A_83 = arith.addf %add3A_70, %mul3A_82 : vector<256x1xf32>
    %slice3A_84 = vector.extract_strided_slice %mul3A_10 {offsets = [0, 3], sizes = [1, 1], strides = [1, 1]} : vector<1x6xf32> to vector<1x1xf32>
    %add3A_85 = arith.addf %add3A_72, %slice3A_84 : vector<1x1xf32>
    %slice3A_86 = vector.extract_strided_slice %broadcast_in_dim3A_18 {offsets = [0, 4], sizes = [1, 1], strides = [1, 1]} : vector<1x6xf32> to vector<1x1xf32>
    %add3A_87 = arith.addf %add3A_85, %slice3A_86 : vector<1x1xf32>
    %slice3A_88 = vector.extract_strided_slice %dot_general3A_31 {offsets = [0, 4], sizes = [256, 1], strides = [1, 1]} : vector<256x6xf32> to vector<256x1xf32>
    %add3A_89 = vector.broadcast %add3A_87 : vector<1x1xf32> to vector<256x1xf32>
    %add3A_90 = arith.addf %add3A_89, %slice3A_88 : vector<256x1xf32>
    %sub3A_91 = arith.constant 1.000000e+00 : f32
    %sub3A_92 = vector.broadcast %sub3A_91 : f32 to vector<256x1xf32>
    %sub3A_93 = arith.subf %add3A_90, %sub3A_92 : vector<256x1xf32>
    %slice3A_94 = vector.extract_strided_slice %convert_element_type3A_26 {offsets = [0, 4], sizes = [256, 1], strides = [1, 1]} : vector<256x6xf32> to vector<256x1xf32>
    %mul3A_95 = arith.mulf %slice3A_94, %sub3A_93 : vector<256x1xf32>
    %add3A_96 = arith.addf %add3A_83, %mul3A_95 : vector<256x1xf32>
    %slice3A_97 = vector.extract_strided_slice %mul3A_10 {offsets = [0, 4], sizes = [1, 1], strides = [1, 1]} : vector<1x6xf32> to vector<1x1xf32>
    %add3A_98 = arith.addf %add3A_85, %slice3A_97 : vector<1x1xf32>
    %slice3A_99 = vector.extract_strided_slice %broadcast_in_dim3A_18 {offsets = [0, 5], sizes = [1, 1], strides = [1, 1]} : vector<1x6xf32> to vector<1x1xf32>
    %add3A_100 = arith.addf %add3A_98, %slice3A_99 : vector<1x1xf32>
    %slice3A_101 = vector.extract_strided_slice %dot_general3A_31 {offsets = [0, 5], sizes = [256, 1], strides = [1, 1]} : vector<256x6xf32> to vector<256x1xf32>
    %add3A_102 = vector.broadcast %add3A_100 : vector<1x1xf32> to vector<256x1xf32>
    %add3A_103 = arith.addf %add3A_102, %slice3A_101 : vector<256x1xf32>
    %sub3A_104 = arith.constant 1.000000e+00 : f32
    %sub3A_105 = vector.broadcast %sub3A_104 : f32 to vector<256x1xf32>
    %sub3A_106 = arith.subf %add3A_103, %sub3A_105 : vector<256x1xf32>
    %slice3A_107 = vector.extract_strided_slice %convert_element_type3A_26 {offsets = [0, 5], sizes = [256, 1], strides = [1, 1]} : vector<256x6xf32> to vector<256x1xf32>
    %mul3A_108 = arith.mulf %slice3A_107, %sub3A_106 : vector<256x1xf32>
    %add3A_109 = arith.addf %add3A_96, %mul3A_108 : vector<256x1xf32>
    %slice3A_110 = vector.extract_strided_slice %mul3A_10 {offsets = [0, 5], sizes = [1, 1], strides = [1, 1]} : vector<1x6xf32> to vector<1x1xf32>
    %add3A_111 = arith.addf %add3A_98, %slice3A_110 : vector<1x1xf32>
    %convert_element_type3A_112 = arith.fptosi %add3A_109 : vector<256x1xf32> to vector<256x1xi32>
    %swap3A = arith.constant 0 : index
    %swap3A_113 = arith.constant 0 : index
    %swap3A_114 = vector.load %arg3[%swap3A, %swap3A_113] : memref<256x1xi32, #tpu.memory_space<vmem>>, vector<256x1xi32>
    tpu.vector_store %arg3[%swap3A, %swap3A_113], %convert_element_type3A_112 {strides = array<i32>} : memref<256x1xi32, #tpu.memory_space<vmem>>, vector<256x1xi32>,
    %iota3A_115 = tpu.iota {dimensions = array<i32: 1>} : vector<1x128xi32>
    %convert_element_type3A_116 = arith.sitofp %iota3A_115 : vector<1x128xi32> to vector<1x128xf32>
    %mul3A_117 = arith.constant 2.560000e+02 : f32
    %mul3A_118 = vector.broadcast %mul3A_117 : f32 to vector<1x128xf32>
    %mul3A_119 = arith.mulf %convert_element_type3A_116, %mul3A_118 : vector<1x128xf32>
    %broadcast_in_dim3A_120 = arith.constant 0 : i32
    %broadcast_in_dim3A_121 = vector.broadcast %broadcast_in_dim3A_120 : i32 to vector<1x128xi32>
    %ge3A = vector.broadcast %add3A_46 : vector<1x1xf32> to vector<1x128xf32>
    %ge3A_122 = arith.cmpf oge, %mul3A_119, %ge3A : vector<1x128xf32>
    %convert_element_type3A_123 = arith.extui %ge3A_122 : vector<1x128xi1> to vector<1x128xi32>
    %add3A_124 = arith.addi %broadcast_in_dim3A_121, %convert_element_type3A_123 : vector<1x128xi32>
    %ge3A_125 = vector.broadcast %add3A_59 : vector<1x1xf32> to vector<1x128xf32>
    %ge3A_126 = arith.cmpf oge, %mul3A_119, %ge3A_125 : vector<1x128xf32>
    %convert_element_type3A_127 = arith.extui %ge3A_126 : vector<1x128xi1> to vector<1x128xi32>
    %add3A_128 = arith.addi %add3A_124, %convert_element_type3A_127 : vector<1x128xi32>
    %ge3A_129 = vector.broadcast %add3A_72 : vector<1x1xf32> to vector<1x128xf32>
    %ge3A_130 = arith.cmpf oge, %mul3A_119, %ge3A_129 : vector<1x128xf32>
    %convert_element_type3A_131 = arith.extui %ge3A_130 : vector<1x128xi1> to vector<1x128xi32>
    %add3A_132 = arith.addi %add3A_128, %convert_element_type3A_131 : vector<1x128xi32>
    %ge3A_133 = vector.broadcast %add3A_85 : vector<1x1xf32> to vector<1x128xf32>
    %ge3A_134 = arith.cmpf oge, %mul3A_119, %ge3A_133 : vector<1x128xf32>
    %convert_element_type3A_135 = arith.extui %ge3A_134 : vector<1x128xi1> to vector<1x128xi32>
    %add3A_136 = arith.addi %add3A_132, %convert_element_type3A_135 : vector<1x128xi32>
    %ge3A_137 = vector.broadcast %add3A_98 : vector<1x1xf32> to vector<1x128xf32>
    %ge3A_138 = arith.cmpf oge, %mul3A_119, %ge3A_137 : vector<1x128xf32>
    %convert_element_type3A_139 = arith.extui %ge3A_138 : vector<1x128xi1> to vector<1x128xi32>
    %add3A_140 = arith.addi %add3A_136, %convert_element_type3A_139 : vector<1x128xi32>
    %ge3A_141 = vector.broadcast %add3A_111 : vector<1x1xf32> to vector<1x128xf32>
    %ge3A_142 = arith.cmpf oge, %mul3A_119, %ge3A_141 : vector<1x128xf32>
    %convert_element_type3A_143 = arith.extui %ge3A_142 : vector<1x128xi1> to vector<1x128xi32>
    %add3A_144 = arith.addi %add3A_140, %convert_element_type3A_143 : vector<1x128xi32>
    %min3A = arith.constant 5 : i32
    %min3A_145 = vector.broadcast %min3A : i32 to vector<1x128xi32>
    %min3A_146 = arith.minsi %add3A_144, %min3A_145 : vector<1x128xi32>
    %swap3A_147 = arith.constant 0 : index
    %swap3A_148 = arith.constant 0 : index
    %swap3A_149 = vector.load %arg4[%swap3A_147, %swap3A_148] : memref<1x128xi32, #tpu.memory_space<vmem>>, vector<1x128xi32>
    tpu.vector_store %arg4[%swap3A_147, %swap3A_148], %min3A_146 {strides = array<i32>} : memref<1x128xi32, #tpu.memory_space<vmem>>, vector<1x128xi32>,
    return
  }
  func.func @transform_0(%arg0: i32) -> (i32, i32) {
    %c0_i32 = arith.constant 0 : i32
    %c0_i32_0 = arith.constant 0 : i32
    %c0_i32_1 = arith.constant 0 : i32
    return %c0_i32, %c0_i32_0 : i32, i32
  }
  func.func @transform_1(%arg0: i32) -> (i32, i32) {
    %c0_i32 = arith.constant 0 : i32
    %c0_i32_0 = arith.constant 0 : i32
    return %arg0, %c0_i32 : i32, i32
  }
  func.func @transform_2(%arg0: i32) -> (i32, i32) {
    %c0_i32 = arith.constant 0 : i32
    %c0_i32_0 = arith.constant 0 : i32
    return %arg0, %c0_i32 : i32, i32
  }
  func.func @transform_3(%arg0: i32) -> (i32, i32) {
    %c0_i32 = arith.constant 0 : i32
    %c0_i32_0 = arith.constant 0 : i32
    %c0_i32_1 = arith.constant 0 : i32
    return %c0_i32, %c0_i32_0 : i32, i32
  }
}

module attributes {stable_mosaic.version = 14 : i64} {
  func.func @_route_inv_body(%arg0: i32, %arg1: memref<1x2048xi32, #tpu.memory_space<vmem>>, %arg2: memref<1x2048xf32, #tpu.memory_space<vmem>>, %arg3: memref<256x1xi32, #tpu.memory_space<vmem>>, %arg4: memref<256x1xf32, #tpu.memory_space<vmem>>) attributes {dimension_semantics = [#tpu.dimension_semantics<arbitrary>], iteration_bounds = array<i64: 14>, scalar_prefetch = 0 : i64, scratch_operands = 0 : i64, tpu.core_type = #tpu.core_type<tc>, window_params = [{pipeline_mode = #tpu.pipeline_mode<synchronous>, transform_indices = @transform_0, window_bounds = array<i64: 1, 2048>}, {pipeline_mode = #tpu.pipeline_mode<synchronous>, transform_indices = @transform_1, window_bounds = array<i64: 1, 2048>}, {transform_indices = @transform_2, window_bounds = array<i64: 256, 1>}, {transform_indices = @transform_3, window_bounds = array<i64: 256, 1>}]} {
    %iota3A = tpu.iota {dimensions = array<i32: 0>} : vector<256x2048xi32>
    %mul3A = arith.constant 256 : i32
    %mul3A_0 = arith.muli %arg0, %mul3A : i32
    %add3A = vector.broadcast %mul3A_0 : i32 to vector<256x2048xi32>
    %add3A_1 = arith.addi %iota3A, %add3A : vector<256x2048xi32>
    %get3A = arith.constant 0 : index
    %get3A_2 = arith.constant 0 : index
    %get3A_3 = vector.load %arg1[%get3A, %get3A_2] : memref<1x2048xi32, #tpu.memory_space<vmem>>, vector<1x2048xi32>
    %eq3A = vector.broadcast %get3A_3 : vector<1x2048xi32> to vector<256x2048xi32>
    %eq3A_4 = arith.cmpi eq, %eq3A, %add3A_1 : vector<256x2048xi32>
    %convert_element_type3A = arith.extui %eq3A_4 : vector<256x2048xi1> to vector<256x2048xi32>
    %convert_element_type3A_5 = arith.sitofp %convert_element_type3A : vector<256x2048xi32> to vector<256x2048xf32>
    %iota3A_6 = tpu.iota {dimensions = array<i32: 1>} : vector<1x2048xi32>
    %convert_element_type3A_7 = arith.sitofp %iota3A_6 : vector<1x2048xi32> to vector<1x2048xf32>
    %broadcast_in_dim3A = arith.constant 1.000000e+00 : f32
    %broadcast_in_dim3A_8 = vector.broadcast %broadcast_in_dim3A : f32 to vector<1x2048xf32>
    %get3A_9 = arith.constant 0 : index
    %get3A_10 = arith.constant 0 : index
    %get3A_11 = vector.load %arg2[%get3A_9, %get3A_10] : memref<1x2048xf32, #tpu.memory_space<vmem>>, vector<1x2048xf32>
    %concatenate3A = tpu.concatenate %convert_element_type3A_7, %get3A_11, %broadcast_in_dim3A_8 in 0 : vector<1x2048xf32>, vector<1x2048xf32>, vector<1x2048xf32> -> vector<3x2048xf32>
    %dot_general3A = arith.constant dense<0.000000e+00> : vector<256x3xf32>
    %dot_general3A_12 = tpu.matmul %convert_element_type3A_5, %concatenate3A, %dot_general3A {dimension_numbers = #tpu.dot_dimension_numbers<[1], [1], [0], [0], [0, 0, 1, 0], [], []>, precision = #tpu.contract_precision<fp32>, transpose_lhs_hint = false} : vector<256x2048xf32>, vector<3x2048xf32>, vector<256x3xf32> -> vector<256x3xf32>
    %iota3A_13 = tpu.iota {dimensions = array<i32: 0>} : vector<256x1xi32>
    %mul3A_14 = arith.constant 256 : i32
    %mul3A_15 = arith.muli %arg0, %mul3A_14 : i32
    %add3A_16 = vector.broadcast %mul3A_15 : i32 to vector<256x1xi32>
    %add3A_17 = arith.addi %iota3A_13, %add3A_16 : vector<256x1xi32>
    %jit3A = arith.constant 2048 : i32
    %eq3A_18 = arith.constant 0 : i32
    %eq3A_19 = arith.cmpi eq, %jit3A, %eq3A_18 : i32
    %jit3A_20 = arith.constant 1 : i32
    %select_n3A = arith.select %eq3A_19, %jit3A_20, %jit3A : i32
    %rem3A = vector.broadcast %select_n3A : i32 to vector<256x1xi32>
    %rem3A_21 = arith.remsi %add3A_17, %rem3A : vector<256x1xi32>
    %ne3A = arith.constant 0 : i32
    %ne3A_22 = vector.broadcast %ne3A : i32 to vector<256x1xi32>
    %ne3A_23 = arith.cmpi ne, %rem3A_21, %ne3A_22 : vector<256x1xi32>
    %lt3A = arith.constant 0 : i32
    %lt3A_24 = vector.broadcast %lt3A : i32 to vector<256x1xi32>
    %lt3A_25 = arith.cmpi slt, %rem3A_21, %lt3A_24 : vector<256x1xi32>
    %lt3A_26 = arith.constant 0 : i32
    %lt3A_27 = arith.cmpi slt, %select_n3A, %lt3A_26 : i32
    %ne3A_28 = vector.broadcast %lt3A_27 : i1 to vector<256x1xi1>
    %ne3A_29 = vector.broadcast %ne3A_28 : vector<256x1xi1> to vector<256x1xi1>
    %ne3A_30 = arith.xori %lt3A_25, %ne3A_29 : vector<256x1xi1>
    %and3A = arith.andi %ne3A_30, %ne3A_23 : vector<256x1xi1>
    %add3A_31 = vector.broadcast %select_n3A : i32 to vector<256x1xi32>
    %add3A_32 = arith.addi %rem3A_21, %add3A_31 : vector<256x1xi32>
    %select_n3A_33 = arith.select %and3A, %add3A_32, %rem3A_21 : vector<256x1xi1>, vector<256x1xi32>
    %slice3A = vector.extract_strided_slice %dot_general3A_12 {offsets = [0, 2], sizes = [256, 1], strides = [1, 1]} : vector<256x3xf32> to vector<256x1xf32>
    %gt3A = arith.constant 0.000000e+00 : f32
    %gt3A_34 = vector.broadcast %gt3A : f32 to vector<256x1xf32>
    %gt3A_35 = arith.cmpf ogt, %slice3A, %gt3A_34 : vector<256x1xf32>
    %slice3A_36 = vector.extract_strided_slice %dot_general3A_12 {offsets = [0, 0], sizes = [256, 1], strides = [1, 1]} : vector<256x3xf32> to vector<256x1xf32>
    %convert_element_type3A_37 = arith.sitofp %select_n3A_33 : vector<256x1xi32> to vector<256x1xf32>
    %select_n3A_38 = arith.select %gt3A_35, %slice3A_36, %convert_element_type3A_37 : vector<256x1xi1>, vector<256x1xf32>
    %convert_element_type3A_39 = arith.fptosi %select_n3A_38 : vector<256x1xf32> to vector<256x1xi32>
    %swap3A = arith.constant 0 : index
    %swap3A_40 = arith.constant 0 : index
    %swap3A_41 = vector.load %arg3[%swap3A, %swap3A_40] : memref<256x1xi32, #tpu.memory_space<vmem>>, vector<256x1xi32>
    tpu.vector_store %arg3[%swap3A, %swap3A_40], %convert_element_type3A_39 {strides = array<i32>} : memref<256x1xi32, #tpu.memory_space<vmem>>, vector<256x1xi32>,
    %slice3A_42 = vector.extract_strided_slice %dot_general3A_12 {offsets = [0, 1], sizes = [256, 1], strides = [1, 1]} : vector<256x3xf32> to vector<256x1xf32>
    %swap3A_43 = arith.constant 0 : index
    %swap3A_44 = arith.constant 0 : index
    %swap3A_45 = vector.load %arg4[%swap3A_43, %swap3A_44] : memref<256x1xf32, #tpu.memory_space<vmem>>, vector<256x1xf32>
    tpu.vector_store %arg4[%swap3A_43, %swap3A_44], %slice3A_42 {strides = array<i32>} : memref<256x1xf32, #tpu.memory_space<vmem>>, vector<256x1xf32>,
    return
  }
  func.func @transform_0(%arg0: i32) -> (i32, i32) {
    %c0_i32 = arith.constant 0 : i32
    %c0_i32_0 = arith.constant 0 : i32
    %c0_i32_1 = arith.constant 0 : i32
    return %c0_i32, %c0_i32_0 : i32, i32
  }
  func.func @transform_1(%arg0: i32) -> (i32, i32) {
    %c0_i32 = arith.constant 0 : i32
    %c0_i32_0 = arith.constant 0 : i32
    %c0_i32_1 = arith.constant 0 : i32
    return %c0_i32, %c0_i32_0 : i32, i32
  }
  func.func @transform_2(%arg0: i32) -> (i32, i32) {
    %c0_i32 = arith.constant 0 : i32
    %c0_i32_0 = arith.constant 0 : i32
    return %arg0, %c0_i32 : i32, i32
  }
  func.func @transform_3(%arg0: i32) -> (i32, i32) {
    %c0_i32 = arith.constant 0 : i32
    %c0_i32_0 = arith.constant 0 : i32
    return %arg0, %c0_i32 : i32, i32
  }
}

module attributes {stable_mosaic.version = 14 : i64} {
  func.func @_moe_mm_body(%arg0: i32, %arg1: memref<14xi32, #tpu.memory_space<smem>>, %arg2: memref<256x768xf32, #tpu.memory_space<vmem>>, %arg3: memref<256x1xf32, #tpu.memory_space<vmem>>, %arg4: memref<1x768x768xbf16, #tpu.memory_space<vmem>>, %arg5: memref<1x1x768xbf16, #tpu.memory_space<vmem>>, %arg6: memref<256x768xf32, #tpu.memory_space<vmem>>) attributes {dimension_semantics = [#tpu.dimension_semantics<arbitrary>], iteration_bounds = array<i64: 14>, scalar_prefetch = 1 : i64, scratch_operands = 0 : i64, tpu.core_type = #tpu.core_type<tc>, window_params = [{transform_indices = @transform_0, window_bounds = array<i64: 256, 768>}, {transform_indices = @transform_1, window_bounds = array<i64: 256, 1>}, {transform_indices = @transform_2, window_bounds = array<i64: 1, 768, 768>}, {transform_indices = @transform_3, window_bounds = array<i64: 1, 1, 768>}, {transform_indices = @transform_4, window_bounds = array<i64: 256, 768>}]} {
    %get3A = arith.constant 0 : index
    %get3A_0 = arith.constant 0 : index
    %get3A_1 = vector.load %arg2[%get3A, %get3A_0] : memref<256x768xf32, #tpu.memory_space<vmem>>, vector<256x768xf32>
    %convert_element_type3A = arith.truncf %get3A_1 : vector<256x768xf32> to vector<256x768xbf16>
    %get3A_2 = arith.constant 0 : index
    %get3A_3 = arith.constant 0 : index
    %get3A_4 = arith.constant 0 : index
    %get3A_5 = vector.load %arg4[%get3A_2, %get3A_3, %get3A_4] : memref<1x768x768xbf16, #tpu.memory_space<vmem>>, vector<1x768x768xbf16>
    %get3A_6 = vector.shape_cast %get3A_5 : vector<1x768x768xbf16> to vector<768x768xbf16>
    %dot_general3A = arith.constant dense<0.000000e+00> : vector<256x768xf32>
    %dot_general3A_7 = tpu.matmul %convert_element_type3A, %get3A_6, %dot_general3A {dimension_numbers = #tpu.dot_dimension_numbers<[1], [0], [0], [1], [0, 0, 1, 1], [], []>, transpose_lhs_hint = false} : vector<256x768xbf16>, vector<768x768xbf16>, vector<256x768xf32> -> vector<256x768xf32>
    %get3A_8 = arith.constant 0 : index
    %get3A_9 = arith.constant 0 : index
    %get3A_10 = vector.load %arg3[%get3A_8, %get3A_9] : memref<256x1xf32, #tpu.memory_space<vmem>>, vector<256x1xf32>
    %get3A_11 = arith.constant 0 : index
    %get3A_12 = arith.constant 0 : index
    %get3A_13 = arith.constant 0 : index
    %get3A_14 = vector.load %arg5[%get3A_11, %get3A_12, %get3A_13] : memref<1x1x768xbf16, #tpu.memory_space<vmem>>, vector<1x1x768xbf16>
    %get3A_15 = vector.shape_cast %get3A_14 : vector<1x1x768xbf16> to vector<1x768xbf16>
    %convert_element_type3A_16 = arith.extf %get3A_15 : vector<1x768xbf16> to vector<1x768xf32>
    %mul3A = vector.broadcast %get3A_10 : vector<256x1xf32> to vector<256x768xf32>
    %mul3A_17 = vector.broadcast %convert_element_type3A_16 : vector<1x768xf32> to vector<256x768xf32>
    %mul3A_18 = arith.mulf %mul3A, %mul3A_17 : vector<256x768xf32>
    %add3A = arith.addf %dot_general3A_7, %mul3A_18 : vector<256x768xf32>
    %swap3A = arith.constant 0 : index
    %swap3A_19 = arith.constant 0 : index
    %swap3A_20 = vector.load %arg6[%swap3A, %swap3A_19] : memref<256x768xf32, #tpu.memory_space<vmem>>, vector<256x768xf32>
    tpu.vector_store %arg6[%swap3A, %swap3A_19], %add3A {strides = array<i32>} : memref<256x768xf32, #tpu.memory_space<vmem>>, vector<256x768xf32>,
    return
  }
  func.func @transform_0(%arg0: i32, %arg1: memref<14xi32, #tpu.memory_space<smem>>) -> (i32, i32) {
    %c0_i32 = arith.constant 0 : i32
    %c0_i32_0 = arith.constant 0 : i32
    return %arg0, %c0_i32 : i32, i32
  }
  func.func @transform_1(%arg0: i32, %arg1: memref<14xi32, #tpu.memory_space<smem>>) -> (i32, i32) {
    %c0_i32 = arith.constant 0 : i32
    %c0_i32_0 = arith.constant 0 : i32
    return %arg0, %c0_i32 : i32, i32
  }
  func.func @transform_2(%arg0: i32, %arg1: memref<14xi32, #tpu.memory_space<smem>>) -> (i32, i32, i32) {
    %get3A = arith.index_cast %arg0 : i32 to index
    %get3A_0 = memref.load %arg1[%get3A] : memref<14xi32, #tpu.memory_space<smem>>
    %c0_i32 = arith.constant 0 : i32
    %c0_i32_1 = arith.constant 0 : i32
    %c0_i32_2 = arith.constant 0 : i32
    return %get3A_0, %c0_i32, %c0_i32_1 : i32, i32, i32
  }
  func.func @transform_3(%arg0: i32, %arg1: memref<14xi32, #tpu.memory_space<smem>>) -> (i32, i32, i32) {
    %get3A = arith.index_cast %arg0 : i32 to index
    %get3A_0 = memref.load %arg1[%get3A] : memref<14xi32, #tpu.memory_space<smem>>
    %c0_i32 = arith.constant 0 : i32
    %c0_i32_1 = arith.constant 0 : i32
    %c0_i32_2 = arith.constant 0 : i32
    return %get3A_0, %c0_i32, %c0_i32_1 : i32, i32, i32
  }
  func.func @transform_4(%arg0: i32, %arg1: memref<14xi32, #tpu.memory_space<smem>>) -> (i32, i32) {
    %c0_i32 = arith.constant 0 : i32
    %c0_i32_0 = arith.constant 0 : i32
    return %arg0, %c0_i32 : i32, i32
  }
}

module attributes {stable_mosaic.version = 14 : i64} {
  func.func @_combine_body(%arg0: i32, %arg1: memref<256x768xf32, #tpu.memory_space<vmem>>, %arg2: memref<256x768xf32, #tpu.memory_space<vmem>>, %arg3: memref<256x768xf32, #tpu.memory_space<vmem>>) attributes {dimension_semantics = [#tpu.dimension_semantics<arbitrary>], iteration_bounds = array<i64: 8>, scalar_prefetch = 0 : i64, scratch_operands = 0 : i64, tpu.core_type = #tpu.core_type<tc>, window_params = [{transform_indices = @transform_0, window_bounds = array<i64: 256, 768>}, {transform_indices = @transform_1, window_bounds = array<i64: 256, 768>}, {transform_indices = @transform_2, window_bounds = array<i64: 256, 768>}]} {
    %get3A = arith.constant 0 : index
    %get3A_0 = arith.constant 0 : index
    %get3A_1 = vector.load %arg1[%get3A, %get3A_0] : memref<256x768xf32, #tpu.memory_space<vmem>>, vector<256x768xf32>
    %get3A_2 = arith.constant 0 : index
    %get3A_3 = arith.constant 0 : index
    %get3A_4 = vector.load %arg2[%get3A_2, %get3A_3] : memref<256x768xf32, #tpu.memory_space<vmem>>, vector<256x768xf32>
    %add3A = arith.addf %get3A_1, %get3A_4 : vector<256x768xf32>
    %swap3A = arith.constant 0 : index
    %swap3A_5 = arith.constant 0 : index
    %swap3A_6 = vector.load %arg3[%swap3A, %swap3A_5] : memref<256x768xf32, #tpu.memory_space<vmem>>, vector<256x768xf32>
    tpu.vector_store %arg3[%swap3A, %swap3A_5], %add3A {strides = array<i32>} : memref<256x768xf32, #tpu.memory_space<vmem>>, vector<256x768xf32>,
    return
  }
  func.func @transform_0(%arg0: i32) -> (i32, i32) {
    %c0_i32 = arith.constant 0 : i32
    %c0_i32_0 = arith.constant 0 : i32
    return %arg0, %c0_i32 : i32, i32
  }
  func.func @transform_1(%arg0: i32) -> (i32, i32) {
    %c0_i32 = arith.constant 0 : i32
    %c0_i32_0 = arith.constant 0 : i32
    return %arg0, %c0_i32 : i32, i32
  }
  func.func @transform_2(%arg0: i32) -> (i32, i32) {
    %c0_i32 = arith.constant 0 : i32
    %c0_i32_0 = arith.constant 0 : i32
    return %arg0, %c0_i32 : i32, i32
  }
}

module attributes {stable_mosaic.version = 14 : i64} {
  func.func @_combine_body(%arg0: i32, %arg1: memref<256x768xf32, #tpu.memory_space<vmem>>, %arg2: memref<256x768xf32, #tpu.memory_space<vmem>>, %arg3: memref<256x768xf32, #tpu.memory_space<vmem>>) attributes {dimension_semantics = [#tpu.dimension_semantics<arbitrary>], iteration_bounds = array<i64: 8>, scalar_prefetch = 0 : i64, scratch_operands = 0 : i64, tpu.core_type = #tpu.core_type<tc>, window_params = [{transform_indices = @transform_0, window_bounds = array<i64: 256, 768>}, {transform_indices = @transform_1, window_bounds = array<i64: 256, 768>}, {transform_indices = @transform_2, window_bounds = array<i64: 256, 768>}]} {
    %get3A = arith.constant 0 : index
    %get3A_0 = arith.constant 0 : index
    %get3A_1 = vector.load %arg1[%get3A, %get3A_0] : memref<256x768xf32, #tpu.memory_space<vmem>>, vector<256x768xf32>
    %get3A_2 = arith.constant 0 : index
    %get3A_3 = arith.constant 0 : index
    %get3A_4 = vector.load %arg2[%get3A_2, %get3A_3] : memref<256x768xf32, #tpu.memory_space<vmem>>, vector<256x768xf32>
    %add3A = arith.addf %get3A_1, %get3A_4 : vector<256x768xf32>
    %swap3A = arith.constant 0 : index
    %swap3A_5 = arith.constant 0 : index
    %swap3A_6 = vector.load %arg3[%swap3A, %swap3A_5] : memref<256x768xf32, #tpu.memory_space<vmem>>, vector<256x768xf32>
    tpu.vector_store %arg3[%swap3A, %swap3A_5], %add3A {strides = array<i32>} : memref<256x768xf32, #tpu.memory_space<vmem>>, vector<256x768xf32>,
    return
  }
  func.func @transform_0(%arg0: i32) -> (i32, i32) {
    %c0_i32 = arith.constant 0 : i32
    %c0_i32_0 = arith.constant 0 : i32
    return %arg0, %c0_i32 : i32, i32
  }
  func.func @transform_1(%arg0: i32) -> (i32, i32) {
    %c0_i32 = arith.constant 0 : i32
    %c0_i32_0 = arith.constant 0 : i32
    return %arg0, %c0_i32 : i32, i32
  }
  func.func @transform_2(%arg0: i32) -> (i32, i32) {
    %c0_i32 = arith.constant 0 : i32
    %c0_i32_0 = arith.constant 0 : i32
    return %arg0, %c0_i32 : i32, i32
  }
}

</mosaic_0001>

<sc_bundles>
// kernel: kernel.20.cloned.1.call-start
scs
__scs_entry_jumppad:
0x0: {  	(pc) =	sbr.rel $0x88, $3  }
0x1: {  	(tag) =	ssettag $0x0;
	lr =	simm.s32 $0x1  }
0x2: {  	[smem:$0x3F93] =	sst lr;
	_ =	strace $0xD0000000  }
0x3: {  	_ = 	snop  }
0x4: {  	_ = 	snop  }
0x5: {  	_ = 	snop  }
0x6: {  	_ = 	snop  }
0x7: {  	_ = 	snop  }
__scs_overlays_trampoline_lowered:
0x8: {  	[smem:$0x3FA2] =	sst s0  }
0x9: {  	[smem:$0x3FA3] =	sst s1  }
0xa: {  	[smem:$0x3FA4] =	sst s2  }
0xb: {  	[smem:$0x3FA5] =	sst s3  }
0xc: {  	[smem:$0x3FA6] =	sst s4  }
0xd: {  	[smem:$0x3FA7] =	sst s5  }
0xe: {  	[smem:$0x3FA8] =	sst s6  }
0xf: {  	[smem:$0x3FA9] =	sst s7  }
0x10: {  	[smem:$0x3FAA] =	sst s8  }
0x11: {  	[smem:$0x3FAB] =	sst s9;
	s0 =	simm.s32 @!p0 $0x0  }
0x12: {  	s1 =	sld [smem:$0x3F91];
	s0 =	simm.s32 @p0 $0x1  }
0x13: {  	[smem:$0x3FAC] =	sst s0;
	s0 =	simm.s32 @!p1 $0x0  }
0x14: {  	s2 =	sld [smem:$0x3F90];
	s0 =	simm.s32 @p1 $0x1  }
0x15: {  	[smem:$0x3FAD] =	sst s0;
	s0 =	simm.s32 @!p2 $0x0  }
0x16: {  	s3 =	sld [smem:$0x3FDB];
	s0 =	simm.s32 @p2 $0x1  }
0x17: {  	s4 =	simm.s32 $0x1BF5;
	[smem:$0x3FAF] =	sst s0  }
0x18: {  	s0 =	sld [smem:$0x3F92];
	_ =	swait.ge [sflag:s4], $0x0  }
0x19: {  	s7 =	sld [smem:$0x3F93]  }
0x1a: {  	s8 =	sadd.s32 $0xFFFFE003, lr  }
0x1b: {  	s9 =	sadd.s32 $0xFFFFFEF7, lr;
	s5 =	simm.s32 $0xFFFFFFFF;
	p2 =	slt.u32 s8, $0xFFFFF086  }
0x1c: {  	p1 =	slt.u32 s9, $0xF7A;
	s5 =	simm.s32 @!p2 $0x0  }
0x1d: {  	s5 =	simm.s32 @p1 $0x1;
	p0 =	seq.s32 s7, s2  }
0x1e: {  	s7 =	smul.u32 @!p0 $0xF7A, s2;
	p2 =	seq.s32 @!p0 s5, $0x0  }
0x1f: {  	s9 =	smul.u32 $0xF7A, s1;
	s8 =	simm.s32 @!p0 $0x1BF5;
	p2 =	por !p2, p0  }
0x20: {  	[sflag:s8] =	ssyncset.s32 @!p0 $0xFFFFF086;
	s6 =	sadd.s32 @!p0 s3, s7;
	s7 =	simm.s32 @!p0 $0x108  }
0x21: {  	s3 =	sadd.s32 s3, s9;
	s6 =	sadd.s32 @!p0 $0x88, s6;
	s7 =	simm.s32 @p2 $0x1082  }
0x22: {  	[simem:s7], [sflag:s8] =	dma.local @!p0 [hbm:s6], $0xF7A  }
0x23: {  	s9 =	sor.u32 $0xD0000000, s2;
	s6 =	simm.s32 $0x108;
	_ =	swait.ge @!p0 [sflag:s8], $0x0  }
0x24: {  	s3 =	sadd.s32 $0x88, s3;
	s6 =	simm.s32 @!p1 $0x1082;
	[sflag:s4] =	ssyncset.s32 $0xFFFFF086  }
0x25: {  	[simem:s6], [sflag:s4] =	dma.local [hbm:s3], $0xF7A  }
0x26: {  	[smem:$0x3F93] =	sst s1;
	(tag) =	ssettag s2;
	_ =	strace s9  }
0x27: {  	s1 =	sld [smem:$0x3FA3]  }
0x28: {  	s2 =	sld [smem:$0x3FA4]  }
0x29: {  	s4 =	sld [smem:$0x3FA6]  }
0x2a: {  	p0 =	seq.s32 s5, $0x0;
	s5 =	sld [smem:$0x3FA7]  }
0x2b: {  	s6 =	sld [smem:$0x3FA8]  }
0x2c: {  	s7 =	sld [smem:$0x3FA9]  }
0x2d: {  	s3 =	simm.s32 $0x108;
	s8 =	sld [smem:$0x3FAA]  }
0x2e: {  	s3 =	simm.s32 @!p0 $0x1082;
	s9 =	sld [smem:$0x3FAB]  }
0x2f: {  	lr =	sadd.s32 s0, s3;
	s0 =	sld [smem:$0x3FA2]  }
0x30: {  	s3 =	sld [smem:$0x3FA5]  }
0x31: {  	[smem:$0x3FAE] =	sst s10  }
0x32: {  	s10 =	sld [smem:$0x3FAC];
	_ =	sdelay $0x3  }
0x33: {  	p0 =	seq.s32 s10, $0x1;
	s10 =	sld [smem:$0x3FAE];
	_ =	sdelay $0x3  }
0x34: {  	[smem:$0x3FAE] =	sst s10  }
0x35: {  	s10 =	sld [smem:$0x3FAD];
	_ =	sdelay $0x3  }
0x36: {  	p1 =	seq.s32 s10, $0x1;
	s10 =	sld [smem:$0x3FAE];
	_ =	sdelay $0x3  }
0x37: {  	[smem:$0x3FAE] =	sst s10  }
0x38: {  	s10 =	sld [smem:$0x3FAF]  }
0x39: {  	_ = 	snop;
	(pc) =	sbr.ind lr, $3  }
0x3a: {  	_ = 	snop  }
0x3b: {  	_ = 	snop  }
0x3c: {  	p2 =	seq.s32 s10, $0x1;
	s10 =	sld [smem:$0x3FAE]  }
0x3d: {  	_ =	shalt  }
0x3e: {  	_ =	shalt  }
0x3f: {  	_ =	shalt  }
0x40: {  	_ =	shalt  }
0x41: {  	_ =	shalt  }
0x42: {  	_ =	shalt  }
0x43: {  	_ =	shalt  }
0x44: {  	_ =	shalt  }
0x45: {  	_ =	shalt  }
0x46: {  	_ =	shalt  }
0x47: {  	_ =	shalt  }
0x48: {  	_ =	shalt  }
0x49: {  	_ =	shalt  }
0x4a: {  	_ =	shalt  }
0x4b: {  	_ =	shalt  }
0x4c: {  	_ =	shalt  }
0x4d: {  	_ =	shalt  }
0x4e: {  	_ =	shalt  }
0x4f: {  	_ =	shalt  }
0x50: {  	_ =	shalt  }
0x51: {  	_ =	shalt  }
0x52: {  	_ =	shalt  }
0x53: {  	_ =	shalt  }
0x54: {  	_ =	shalt  }
0x55: {  	_ =	shalt  }
0x56: {  	_ =	shalt  }
0x57: {  	_ =	shalt  }
0x58: {  	_ =	shalt  }
0x59: {  	_ =	shalt  }
0x5a: {  	_ =	shalt  }
0x5b: {  	_ =	shalt  }
0x5c: {  	_ =	shalt  }
0x5d: {  	_ =	shalt  }
0x5e: {  	_ =	shalt  }
0x5f: {  	_ =	shalt  }
0x60: {  	_ =	shalt  }
0x61: {  	_ =	shalt  }
0x62: {  	_ =	shalt  }
0x63: {  	_ =	shalt  }
0x64: {  	_ =	shalt  }
0x65: {  	_ =	shalt  }
0x66: {  	_ =	shalt  }
0x67: {  	_ =	shalt  }
0x68: {  	_ =	shalt  }
0x69: {  	_ =	shalt  }
0x6a: {  	_ =	shalt  }
0x6b: {  	_ =	shalt  }
0x6c: {  	_ =	shalt  }
0x6d: {  	_ =	shalt  }
0x6e: {  	_ =	shalt  }
0x6f: {  	_ =	shalt  }
0x70: {  	_ =	shalt  }
0x71: {  	_ =	shalt  }
0x72: {  	_ =	shalt  }
0x73: {  	_ =	shalt  }
0x74: {  	_ =	shalt  }
0x75: {  	_ =	shalt  }
0x76: {  	_ =	shalt  }
0x77: {  	_ =	shalt  }
0x78: {  	_ =	shalt  }
0x79: {  	_ =	shalt  }
0x7a: {  	_ =	shalt  }
0x7b: {  	_ =	shalt  }
0x7c: {  	_ =	shalt  }
0x7d: {  	_ =	shalt  }
0x7e: {  	_ =	shalt  }
0x7f: {  	_ =	shalt  }
0x80: {  	_ =	shalt  }
0x81: {  	_ =	shalt  }
0x82: {  	_ =	shalt  }
0x83: {  	_ =	shalt  }
0x84: {  	_ =	shalt  }
0x85: {  	_ =	shalt  }
0x86: {  	_ =	shalt  }
0x87: {  	_ =	shalt  }
.Lfunc_end0:
.L_simem_size_0:
called_computation_lowered:
.L_overlay_start_0:
0x88: {  	s2 =	sld [smem:$0x3FD9]  }
0x89: {  	s3 =	sld [smem:$0x3FFE];
	_ =	sdelay $0x1  }
0x8a: {  	s1 =	srdreg.scid  }
0x8b: {  	s0 =	sand.u32 $0x1, s1  }
0x8c: {  	s17 =	sshll.u32 s0, $0xA;
	s2 =	sadd.s32 s3, s2  }
0x8d: {  	s2 =	sadd.s32 s2, s17  }
0x8e: {  	[smem:$0x3FBA] =	sst s2  }
0x8f: {  	_ = 	snop  }
0x90: {  	s2 =	sld [smem:$0x3FD0];
	(tm) =	ssettm $0x1  }
0x91: {  	s18 =	sld [smem:$0x3FFB];
	_ =	sdelay $0x3  }
0x92: {  	_ =	strace s18  }
0x93: {  	s3 =	sld [smem:$0x3FFC];
	_ =	sdelay $0x3  }
0x94: {  	_ =	strace s3  }
0x95: {  	s3 =	sld [smem:$0x3FFD];
	_ =	sdelay $0x3  }
0x96: {  	_ =	strace s3  }
0x97: {  	_ =	strace $0x8FFFFFFF  }
0x98: {  	s19 =	sld [smem:$0x3FDB];
	_ =	sdelay $0x1  }
0x99: {  	s4 =	simm.s32 $_scs_section_size  }
0x9a: {  	s5 =	simm.s32 $_size__tile_overlayer_lowered;
	s6 =	simm.s32 $_tile_overlayer_lowered  }
0x9b: {  	s22 =	simm.s32 $0x1BFF;
	s21 =	sshll.u32 s6, $0x1;
	s3 =	sadd.s32 s4, s19  }
0x9c: {  	s7 =	simm.s32 $0x0;
	s20 =	sshll.u32 s5, $0x1;
	s5 =	sadd.s32 s21, s3  }
0x9d: {  	[timem:s7], [sflag:s22] =	dma.local [hbm:s5], s20  }
0x9e: {  	_ =	swait.ge [sflag:s22], s20  }
0x9f: {  	s4 =	ssub.s32 $0x0, s20;
	[sflag:s22] =	ssyncset.done $0x0  }
0xa0: {  	[sflag:s22] =	ssyncadd.s32 s4;
	_ =	sdelay $0x1  }
0xa1: {  	s23 =	simm.s32 $0x1B8B  }
0xa2: {  	_ =	swait.ge [sflag:s23], $0x1  }
0xa3: {  	[sflag:s23] =	ssyncset.done $0x0  }
0xa4: {  	s25 =	simm.s32 $0x1B8E;
	s24 =	sld [smem:$0x3FFE];
	[sflag:s23] =	ssyncadd.s32 $0xFFFFFFFF  }
0xa5: {  	s26 =	simm.s32 $execute0_lowered;
	[smem:$0x3FD2] =	sst s25  }
0xa6: {  	s5 =	sshll.u32 s26, $0x1;
	_ =	strace $0x80000046;
	[dreg:$0x1] =	wrdreg $0xFFFFFFFF  }
0xa7: {  	s28 =	simm.s32 $_size_execute0_lowered;
	s3 =	sadd.s32 s3, s5;
	[dreg:$0x0] =	wrdreg $0x0  }
0xa8: {  	s5 =	sshll.u32 s28, $0x1;
	[dreg:$0x2] =	wrdreg s3  }
0xa9: {  	[dreg:$0x3] =	wrdreg s5  }
0xaa: {  	[dreg:$0x4] =	wrdreg $0xC0  }
0xab: {  	_ =	task [dreg:s7], $0x5FFFF  }
0xac: {  	[dreg:$0x1] =	wrdreg $0xFFFFFFFF  }
0xad: {  	[dreg:$0x0] =	wrdreg $0x60  }
0xae: {  	[dreg:$0x2] =	wrdreg s2  }
0xaf: {  	[dreg:$0x3] =	wrdreg s24  }
0xb0: {  	[dreg:$0x4] =	wrdreg $0x9  }
0xb1: {  	_ =	task.clear_ibuf [dreg:s7], $0x5FFFF;
	_ =	strace $0x90000046  }
0xb2: {  	s29 =	simm.s32 $0x9;
	_ =	strace $0x80000048  }
0xb3: {  	_ =	swait.ge [sflag:s29], $0x1  }
0xb4: {  	[sflag:s29] =	ssyncadd.s32 $0xFFFFFFFF  }
0xb5: {  	_ =	strace $0x90000048  }
0xb6: {  	_ =	sfence  }
0xb7: {  	s30 =	sld [smem:$0x0];
	_ =	sdelay $0x2  }
0xb8: {  	s31 =	sshll.u32 s1, $0xD;
	s1 =	sshrl.u32 s1, $0x2  }
0xb9: {  	s3 =	sand.u32 $0x4000, s31;
	s1 =	sadd.s32 s1, s30  }
0xba: {  	s0 =	sor.u32 s3, s0;
	s1 =	sshll.u32 s1, $0x11  }
0xbb: {  	s0 =	sor.u32 s1, s0  }
0xbc: {  	s0 =	sadd.s32 $0x8F2B, s0  }
0xbd: {  	[sflag:s0] =	ssyncadd.remote.s32 $0x1  }
0xbe: {  	_ =	sfence.sel $0xFFFF  }
0xbf: {  	[dreg:$0x0] =	wrdreg $0xFFFFFFFF;
	(pc) =	sbr.abs _section_cstart, $3  }
0xc0: {  	[dreg:$0x1] =	wrdreg $0xFFFFFFFF  }
0xc1: {  	_ =	task.clear_ibuf [dreg:s7], $0x2FFFF;
	_ =	strace $0x9FFFFFFF  }
0xc2: {  	(tm) =	ssettm $0x7FFFFFFF  }
0xc3: {  	_ =	shalt  }
tec
execute0_lowered:
.L_overlay_start_1:
0x0: {  	(tag) =	ssettag $0x1  }
0x1: {  	s1 =	srdreg.scid;
	s0 =	stileid.u32  }
0x2: {  	s2 =	rddreg [dreg:$0x0];
	s1 =	sand.u32 $0x1, s1;
	s3 =	sshll.u32 s0, $0x1  }
0x3: {  	s5 =	rddreg [dreg:$0x1];
	s4 =	sor.u32 s1, s3;
	s3 =	simm.s32 $0x0  }
0x4: {  	s8 =	simm.s32 $0x880;
	[smem:$0x7FF] =	sst s3  }
0x5: {  	s9 =	simm.s32 $0x1080;
	_ =	strace $0x80000047;
	[dreg:$0x5] =	wrdreg s8  }
0x6: {  	s10 =	simm.s32 $0x1880;
	[dreg:$0x6] =	wrdreg s9  }
0x7: {  	s11 =	simm.s32 $0x2080;
	[dreg:$0x7] =	wrdreg s10  }
0x8: {  	s12 =	simm.s32 $0x2880;
	[dreg:$0x8] =	wrdreg s11  }
0x9: {  	s13 =	simm.s32 $0x3080;
	[dreg:$0x9] =	wrdreg s12  }
0xa: {  	s14 =	simm.s32 $0x3880;
	[dreg:$0xa] =	wrdreg s13  }
0xb: {  	s15 =	simm.s32 $0x4080;
	[dreg:$0xb] =	wrdreg s14  }
0xc: {  	s16 =	simm.s32 $0x4880;
	[dreg:$0xc] =	wrdreg s15  }
0xd: {  	s17 =	simm.s32 $0x5080;
	[dreg:$0xd] =	wrdreg s16  }
0xe: {  	s18 =	simm.s32 $0x5880;
	s19 =	simm.s32 $0x6080;
	[dreg:$0xe] =	wrdreg s17  }
0xf: {  	s21 =	simm.s32 $0x6880;
	s22 =	simm.s32 $0x7080;
	[dreg:$0xf] =	wrdreg s18  }
0x10: {  	s23 =	simm.s32 $0x7880;
	s24 =	simm.s32 $0x8880;
	[dreg:$0x10] =	wrdreg s19  }
0x11: {  	s25 =	simm.s32 $0x9080;
	s26 =	simm.s32 $0x9880;
	[dreg:$0x11] =	wrdreg s21  }
0x12: {  	s28 =	simm.s32 $0x13080;
	s29 =	simm.s32 $0x13880;
	[dreg:$0x12] =	wrdreg s22  }
0x13: {  	s30 =	simm.s32 $0x14080;
	s31 =	simm.s32 $0x14880;
	[dreg:$0x13] =	wrdreg s23  }
0x14: {  	s1 =	ssub.s32 $0x2, s1;
	s6 =	smul.u32 $0xE, s4;
	[dreg:$0x15] =	wrdreg s24  }
0x15: {  	s4 =	smul.u32 $0x2A00, s4;
	s20 =	sshrl.u32 s1, $0x1;
	[dreg:$0x16] =	wrdreg s25  }
0x16: {  	s1 =	ssub.s32 s1, s20;
	s8 =	simm.s32 $0x80;
	[dreg:$0x17] =	wrdreg s26  }
0x17: {  	s10 =	simm.s32 $0xA880;
	s11 =	simm.s32 $0xB080;
	s12 =	simm.s32 $0xB880  }
0x18: {  	s13 =	simm.s32 $0xC080;
	s14 =	simm.s32 $0xC880;
	s15 =	simm.s32 $0xD080  }
0x19: {  	s16 =	simm.s32 $0xD880;
	s17 =	simm.s32 $0xE080;
	s18 =	simm.s32 $0xE880  }
0x1a: {  	s19 =	simm.s32 $0xF080;
	s20 =	simm.s32 $0xF880;
	s21 =	simm.s32 $0x10080  }
0x1b: {  	s22 =	simm.s32 $0x10880;
	s23 =	simm.s32 $0x11080;
	s24 =	simm.s32 $0x11880  }
0x1c: {  	s25 =	simm.s32 $0x12080;
	s26 =	simm.s32 $0x12880;
	s6 =	sadd.s32 s6, s5  }
0x1d: {  	s4 =	sadd.s32 s4, s5;
	s5 =	sadd.s32 $0x200, s2;
	s7 =	sadd.s32 $0x3B600, s6  }
0x1e: {  	v2 =	vlaneseq.u32;
	s4 =	sadd.s32 $0x3B800, s4;
	s6 =	smax.u32 s1, $0x1;
	[dreg:$0x3] =	wrdreg s7  }
0x1f: {  	vm0 =	vmmov $0xffff;
	v1 =	vshrl.u32 v2, $0x3;
	s1 =	simm.s32 $0x1;
	[dreg:$0x4] =	wrdreg s4;
	s7 =	simm.s32 $0x8080  }
0x20: {  	v0 =	vand.u32 $0x7, v2;
	v2 =	vor.u32 $0x8, v2;
	v1 =	vmul.u32 $0x8, v1;
	s4 =	sadd.s32 $0x100, s2;
	[dreg:$0x14] =	wrdreg s7;
	s7 =	simm.s32 $0x2  }
.LBB2_1:
0x21: {  	s0 =	rddreg [dreg:$0x3]  }
0x22: {  	[tilespmem:s3], [sflag:$0x2] =	stream.linear.gather [hbm4b:s0+s3], $0x70, $0x38;
	[tilespmem:$0x15080] =	vst v63  }
0x23: {  	_ =	swait.ge [sflag:s7], $0x70  }
0x24: {  	[sflag:s7] =	ssyncset.done $0x0  }
0x25: {  	[sflag:s7] =	ssyncadd.s32 $0xFFFFFF90  }
0x26: {  	v3 =	vld [tilespmem:$0x0];
	_ =	sdelay $0x4  }
0x27: {  	v4 =	vshrl.u32 v3, $0x3  }
0x28: {  	v4 =	vmul.u32 $0x30, v4  }
0x29: {  	v3 =	vand.u32 $0x7, v3  }
0x2a: {  	v3 =	vor.u32 v3, v4  }
0x2b: {  	v4 =	vperm.xlane v3, v0;
	_ =	sdelay $0x1  }
0x2c: {  	v4 =	vadd.s32 v1, v4;
	_ =	sdelay $0x3  }
0x2d: {  	v3 =	vperm.xlane v3, v2  }
0x2e: {  	[tilespmem:s8], [sflag:$0x1] =	stream.indirect_vreg.gather [hbm4b:s2+s3], $0x80, v4, vm0, $0xb8;
	[tilespmem:$0x15080] =	vst v63  }
0x2f: {  	s0 =	rddreg [dreg:$0x5];
	v3 =	vadd.s32 v1, v3  }
0x30: {  	[tilespmem:s0], [sflag:$0x1] =	stream.indirect_vreg.gather [hbm4b:s4+s3], $0x80, v4, vm0, $0xb8;
	[tilespmem:$0x15080] =	vst v63  }
0x31: {  	s9 =	rddreg [dreg:$0x6]  }
0x32: {  	[tilespmem:s9], [sflag:$0x1] =	stream.indirect_vreg.gather [hbm4b:s5+s3], $0x80, v4, vm0, $0xb8;
	[tilespmem:$0x15080] =	vst v63  }
0x33: {  	s0 =	rddreg [dreg:$0x7]  }
0x34: {  	[tilespmem:s0], [sflag:$0x1] =	stream.indirect_vreg.gather [hbm4b:s2+s3], $0x80, v3, vm0, $0xb8;
	[tilespmem:$0x15080] =	vst v63  }
0x35: {  	s9 =	rddreg [dreg:$0x8]  }
0x36: {  	[tilespmem:s9], [sflag:$0x1] =	stream.indirect_vreg.gather [hbm4b:s4+s3], $0x80, v3, vm0, $0xb8;
	[tilespmem:$0x15080] =	vst v63  }
0x37: {  	s0 =	rddreg [dreg:$0x9]  }
0x38: {  	[tilespmem:s0], [sflag:$0x1] =	stream.indirect_vreg.gather [hbm4b:s5+s3], $0x80, v3, vm0, $0xb8;
	[tilespmem:$0x15080] =	vst v63  }
0x39: {  	v3 =	vld [tilespmem:$0x10];
	_ =	sdelay $0x4  }
0x3a: {  	v58 =	vshrl.u32 v3, $0x3  }
0x3b: {  	v4 =	vmul.u32 $0x30, v58  }
0x3c: {  	v3 =	vand.u32 $0x7, v3  }
0x3d: {  	v3 =	vor.u32 v3, v4  }
0x3e: {  	v4 =	vperm.xlane v3, v0;
	_ =	sdelay $0x1  }
0x3f: {  	v4 =	vadd.s32 v1, v4;
	_ =	sdelay $0x3  }
0x40: {  	s0 =	rddreg [dreg:$0xa];
	v3 =	vperm.xlane v3, v2  }
0x41: {  	[tilespmem:s0], [sflag:$0x1] =	stream.indirect_vreg.gather [hbm4b:s2+s3], $0x80, v4, vm0, $0xb8;
	[tilespmem:$0x15080] =	vst v63  }
0x42: {  	s9 =	rddreg [dreg:$0xb];
	v3 =	vadd.s32 v1, v3  }
0x43: {  	[tilespmem:s9], [sflag:$0x1] =	stream.indirect_vreg.gather [hbm4b:s4+s3], $0x80, v4, vm0, $0xb8;
	[tilespmem:$0x15080] =	vst v63  }
0x44: {  	s0 =	rddreg [dreg:$0xc]  }
0x45: {  	[tilespmem:s0], [sflag:$0x1] =	stream.indirect_vreg.gather [hbm4b:s5+s3], $0x80, v4, vm0, $0xb8;
	[tilespmem:$0x15080] =	vst v63  }
0x46: {  	s9 =	rddreg [dreg:$0xd]  }
0x47: {  	[tilespmem:s9], [sflag:$0x1] =	stream.indirect_vreg.gather [hbm4b:s2+s3], $0x80, v3, vm0, $0xb8;
	[tilespmem:$0x15080] =	vst v63  }
0x48: {  	s0 =	rddreg [dreg:$0xe]  }
0x49: {  	[tilespmem:s0], [sflag:$0x1] =	stream.indirect_vreg.gather [hbm4b:s4+s3], $0x80, v3, vm0, $0xb8;
	[tilespmem:$0x15080] =	vst v63  }
0x4a: {  	s9 =	rddreg [dreg:$0xf]  }
0x4b: {  	[tilespmem:s9], [sflag:$0x1] =	stream.indirect_vreg.gather [hbm4b:s5+s3], $0x80, v3, vm0, $0xb8;
	[tilespmem:$0x15080] =	vst v63  }
0x4c: {  	v3 =	vld [tilespmem:$0x20];
	_ =	sdelay $0x4  }
0x4d: {  	v59 =	vshrl.u32 v3, $0x3  }
0x4e: {  	v4 =	vmul.u32 $0x30, v59  }
0x4f: {  	v3 =	vand.u32 $0x7, v3  }
0x50: {  	v3 =	vor.u32 v3, v4  }
0x51: {  	v4 =	vperm.xlane v3, v0;
	_ =	sdelay $0x1  }
0x52: {  	v4 =	vadd.s32 v1, v4;
	_ =	sdelay $0x3  }
0x53: {  	s0 =	rddreg [dreg:$0x10];
	v3 =	vperm.xlane v3, v2  }
0x54: {  	[tilespmem:s0], [sflag:$0x1] =	stream.indirect_vreg.gather [hbm4b:s2+s3], $0x80, v4, vm0, $0xb8;
	[tilespmem:$0x15080] =	vst v63  }
0x55: {  	s9 =	rddreg [dreg:$0x11];
	v3 =	vadd.s32 v1, v3  }
0x56: {  	[tilespmem:s9], [sflag:$0x1] =	stream.indirect_vreg.gather [hbm4b:s4+s3], $0x80, v4, vm0, $0xb8;
	[tilespmem:$0x15080] =	vst v63  }
0x57: {  	s0 =	rddreg [dreg:$0x12]  }
0x58: {  	[tilespmem:s0], [sflag:$0x1] =	stream.indirect_vreg.gather [hbm4b:s5+s3], $0x80, v4, vm0, $0xb8;
	[tilespmem:$0x15080] =	vst v63  }
0x59: {  	s9 =	rddreg [dreg:$0x13]  }
0x5a: {  	[tilespmem:s9], [sflag:$0x1] =	stream.indirect_vreg.gather [hbm4b:s2+s3], $0x80, v3, vm0, $0xb8;
	[tilespmem:$0x15080] =	vst v63  }
0x5b: {  	s0 =	rddreg [dreg:$0x14]  }
0x5c: {  	[tilespmem:s0], [sflag:$0x1] =	stream.indirect_vreg.gather [hbm4b:s4+s3], $0x80, v3, vm0, $0xb8;
	[tilespmem:$0x15080] =	vst v63  }
0x5d: {  	s9 =	rddreg [dreg:$0x15]  }
0x5e: {  	[tilespmem:s9], [sflag:$0x1] =	stream.indirect_vreg.gather [hbm4b:s5+s3], $0x80, v3, vm0, $0xb8;
	[tilespmem:$0x15080] =	vst v63  }
0x5f: {  	v3 =	vld [tilespmem:$0x30];
	_ =	sdelay $0x4  }
0x60: {  	v60 =	vshrl.u32 v3, $0x3  }
0x61: {  	v4 =	vmul.u32 $0x30, v60  }
0x62: {  	v3 =	vand.u32 $0x7, v3  }
0x63: {  	v3 =	vor.u32 v3, v4  }
0x64: {  	v4 =	vperm.xlane v3, v0;
	_ =	sdelay $0x1  }
0x65: {  	v4 =	vadd.s32 v1, v4;
	_ =	sdelay $0x3  }
0x66: {  	s0 =	rddreg [dreg:$0x16];
	v3 =	vperm.xlane v3, v2  }
0x67: {  	[tilespmem:s0], [sflag:$0x1] =	stream.indirect_vreg.gather [hbm4b:s2+s3], $0x80, v4, vm0, $0xb8;
	[tilespmem:$0x15080] =	vst v63  }
0x68: {  	s9 =	rddreg [dreg:$0x17];
	v3 =	vadd.s32 v1, v3  }
0x69: {  	[tilespmem:s9], [sflag:$0x1] =	stream.indirect_vreg.gather [hbm4b:s4+s3], $0x80, v4, vm0, $0xb8;
	[tilespmem:$0x15080] =	vst v63  }
0x6a: {  	s9 =	simm.s32 $0xA080  }
0x6b: {  	[tilespmem:s9], [sflag:$0x1] =	stream.indirect_vreg.gather [hbm4b:s5+s3], $0x80, v4, vm0, $0xb8;
	[tilespmem:$0x15080] =	vst v63  }
0x6c: {  	_ = 	snop  }
0x6d: {  	[tilespmem:s10], [sflag:$0x1] =	stream.indirect_vreg.gather [hbm4b:s2+s3], $0x80, v3, vm0, $0xb8;
	[tilespmem:$0x15080] =	vst v63  }
0x6e: {  	_ = 	snop  }
0x6f: {  	[tilespmem:s11], [sflag:$0x1] =	stream.indirect_vreg.gather [hbm4b:s4+s3], $0x80, v3, vm0, $0xb8;
	[tilespmem:$0x15080] =	vst v63  }
0x70: {  	_ = 	snop  }
0x71: {  	[tilespmem:s12], [sflag:$0x1] =	stream.indirect_vreg.gather [hbm4b:s5+s3], $0x80, v3, vm0, $0xb8;
	[tilespmem:$0x15080] =	vst v63  }
0x72: {  	v3 =	vld [tilespmem:$0x40];
	_ =	sdelay $0x4  }
0x73: {  	v61 =	vshrl.u32 v3, $0x3  }
0x74: {  	v4 =	vmul.u32 $0x30, v61  }
0x75: {  	v3 =	vand.u32 $0x7, v3  }
0x76: {  	v3 =	vor.u32 v3, v4  }
0x77: {  	v4 =	vperm.xlane v3, v0;
	_ =	sdelay $0x1  }
0x78: {  	v4 =	vadd.s32 v1, v4;
	_ =	sdelay $0x3  }
0x79: {  	v3 =	vperm.xlane v3, v2  }
0x7a: {  	[tilespmem:s13], [sflag:$0x1] =	stream.indirect_vreg.gather [hbm4b:s2+s3], $0x80, v4, vm0, $0xb8;
	[tilespmem:$0x15080] =	vst v63  }
0x7b: {  	v3 =	vadd.s32 v1, v3  }
0x7c: {  	[tilespmem:s14], [sflag:$0x1] =	stream.indirect_vreg.gather [hbm4b:s4+s3], $0x80, v4, vm0, $0xb8;
	[tilespmem:$0x15080] =	vst v63  }
0x7d: {  	_ = 	snop  }
0x7e: {  	[tilespmem:s15], [sflag:$0x1] =	stream.indirect_vreg.gather [hbm4b:s5+s3], $0x80, v4, vm0, $0xb8;
	[tilespmem:$0x15080] =	vst v63  }
0x7f: {  	_ = 	snop  }
0x80: {  	[tilespmem:s16], [sflag:$0x1] =	stream.indirect_vreg.gather [hbm4b:s2+s3], $0x80, v3, vm0, $0xb8;
	[tilespmem:$0x15080] =	vst v63  }
0x81: {  	_ = 	snop  }
0x82: {  	[tilespmem:s17], [sflag:$0x1] =	stream.indirect_vreg.gather [hbm4b:s4+s3], $0x80, v3, vm0, $0xb8;
	[tilespmem:$0x15080] =	vst v63  }
0x83: {  	_ = 	snop  }
0x84: {  	[tilespmem:s18], [sflag:$0x1] =	stream.indirect_vreg.gather [hbm4b:s5+s3], $0x80, v3, vm0, $0xb8;
	[tilespmem:$0x15080] =	vst v63  }
0x85: {  	v3 =	vld [tilespmem:$0x50];
	_ =	sdelay $0x4  }
0x86: {  	v62 =	vshrl.u32 v3, $0x3  }
0x87: {  	v4 =	vmul.u32 $0x30, v62  }
0x88: {  	v3 =	vand.u32 $0x7, v3  }
0x89: {  	v3 =	vor.u32 v3, v4  }
0x8a: {  	v4 =	vperm.xlane v3, v0;
	_ =	sdelay $0x1  }
0x8b: {  	v4 =	vadd.s32 v1, v4;
	_ =	sdelay $0x3  }
0x8c: {  	v3 =	vperm.xlane v3, v2  }
0x8d: {  	[tilespmem:s19], [sflag:$0x1] =	stream.indirect_vreg.gather [hbm4b:s2+s3], $0x80, v4, vm0, $0xb8;
	[tilespmem:$0x15080] =	vst v63  }
0x8e: {  	v3 =	vadd.s32 v1, v3  }
0x8f: {  	[tilespmem:s20], [sflag:$0x1] =	stream.indirect_vreg.gather [hbm4b:s4+s3], $0x80, v4, vm0, $0xb8;
	[tilespmem:$0x15080] =	vst v63  }
0x90: {  	_ = 	snop  }
0x91: {  	[tilespmem:s21], [sflag:$0x1] =	stream.indirect_vreg.gather [hbm4b:s5+s3], $0x80, v4, vm0, $0xb8;
	[tilespmem:$0x15080] =	vst v63  }
0x92: {  	_ = 	snop  }
0x93: {  	[tilespmem:s22], [sflag:$0x1] =	stream.indirect_vreg.gather [hbm4b:s2+s3], $0x80, v3, vm0, $0xb8;
	[tilespmem:$0x15080] =	vst v63  }
0x94: {  	_ = 	snop  }
0x95: {  	[tilespmem:s23], [sflag:$0x1] =	stream.indirect_vreg.gather [hbm4b:s4+s3], $0x80, v3, vm0, $0xb8;
	[tilespmem:$0x15080] =	vst v63  }
0x96: {  	_ = 	snop  }
0x97: {  	[tilespmem:s24], [sflag:$0x1] =	stream.indirect_vreg.gather [hbm4b:s5+s3], $0x80, v3, vm0, $0xb8;
	[tilespmem:$0x15080] =	vst v63  }
0x98: {  	v3 =	vld [tilespmem:$0x60];
	_ =	sdelay $0x4  }
0x99: {  	v63 =	vshrl.u32 v3, $0x3  }
0x9a: {  	v4 =	vmul.u32 $0x30, v63  }
0x9b: {  	v3 =	vand.u32 $0x7, v3  }
0x9c: {  	v3 =	vor.u32 v3, v4  }
0x9d: {  	v4 =	vperm.xlane v3, v0;
	_ =	sdelay $0x1  }
0x9e: {  	v4 =	vadd.s32 v1, v4;
	_ =	sdelay $0x3  }
0x9f: {  	v3 =	vperm.xlane v3, v2  }
0xa0: {  	[tilespmem:s25], [sflag:$0x1] =	stream.indirect_vreg.gather [hbm4b:s2+s3], $0x80, v4, vm0, $0xb8;
	[tilespmem:$0x15080] =	vst v63  }
0xa1: {  	v3 =	vadd.s32 v1, v3  }
0xa2: {  	[tilespmem:s26], [sflag:$0x1] =	stream.indirect_vreg.gather [hbm4b:s4+s3], $0x80, v4, vm0, $0xb8;
	[tilespmem:$0x15080] =	vst v63  }
0xa3: {  	_ = 	snop  }
0xa4: {  	[tilespmem:s28], [sflag:$0x1] =	stream.indirect_vreg.gather [hbm4b:s5+s3], $0x80, v4, vm0, $0xb8;
	[tilespmem:$0x15080] =	vst v63  }
0xa5: {  	_ = 	snop  }
0xa6: {  	[tilespmem:s29], [sflag:$0x1] =	stream.indirect_vreg.gather [hbm4b:s2+s3], $0x80, v3, vm0, $0xb8;
	[tilespmem:$0x15080] =	vst v63  }
0xa7: {  	_ = 	snop  }
0xa8: {  	[tilespmem:s30], [sflag:$0x1] =	stream.indirect_vreg.gather [hbm4b:s4+s3], $0x80, v3, vm0, $0xb8;
	[tilespmem:$0x15080] =	vst v63  }
0xa9: {  	_ = 	snop  }
0xaa: {  	[tilespmem:s31], [sflag:$0x1] =	stream.indirect_vreg.gather [hbm4b:s5+s3], $0x80, v3, vm0, $0xb8;
	[tilespmem:$0x15080] =	vst v63  }
0xab: {  	_ =	swait.ge [sflag:s1], $0x15000  }
0xac: {  	p0 =	sne.s32 s6, $0x1;
	[sflag:s1] =	ssyncset.done $0x0  }
.Ltmp0:
0xad: {  	s9 =	rddreg [dreg:$0x4];
	[sflag:s1] =	ssyncadd.s32 $0xFFFEB000;
	(pc) =	sbr.rel @p0 .LBB2_1-.Ltmp0, $4  }
0xae: {  	[hbm4b:s9+s3] =	stream.linear.scatter [tilespmem:s8], [sflag:$0x2], $0x15000, $0x38;
	[tilespmem:$0x15080] =	vst v63  }
0xaf: {  	_ =	swait.ge [sflag:s7], $0x15000  }
0xb0: {  	[sflag:s7] =	ssyncset.done $0x0  }
0xb1: {  	s6 =	sadd.s32 $0xFFFFFFFF, s6;
	[sflag:s7] =	ssyncadd.s32 $0xFFFEB000  }
0xb2: {  	_ =	sfence.sel $0x180000  }
0xb3: {  	[bflag:$0x0] =	sbarrier.arrive $0xFFFF  }
0xb4: {  	_ =	strace $0x90000047  }
0xb5: {  	s0 =	stileid.u32;
	[bflag:$0x2] =	sbarrier.arrive $0xFFFF  }
0xb6: {  	p0 =	sne.s32 s0, $0x0;
	s0 =	rddreg [dreg:$0x2]  }
0xb7: {  	s0 =	sadd.s32 @!p0 $0x100000, s0  }
0xb8: {  	[sflag:s0] =	ssyncadd.tile.s32 @!p0 $0x1;
	_ =	shalt  }
.Lfunc_end2:
_tile_overlayer_lowered:
.L_overlay_start_2:
0xb9: {  	(tag) =	ssettag $0x2  }
0xba: {  	s0 =	rddreg [dreg:$0x0];
	s2 =	stileid.u32  }
0xbb: {  	s1 =	rddreg [dreg:$0x1];
	p0 =	sne.s32 s2, $0x0  }
0xbc: {  	s3 =	rddreg [dreg:$0x2];
	[bflag:$0x3] =	sbarrier.arrive $0xFFFF;
	s2 =	simm.s32 @!p0 $0x1C02  }
0xbd: {  	[timem:s3], [sflag:s2] =	dma.local @!p0 [hbm:s0], s1  }
0xbe: {  	s0 =	simm.s32 @!p0 $0x2  }
0xbf: {  	_ =	swait.ge @!p0 [sflag:s0], s1  }
0xc0: {  	s1 =	ssub.s32 @!p0 $0x0, s1;
	[sflag:s0] =	ssyncset.done @!p0 $0x0  }
0xc1: {  	[sflag:s0] =	ssyncadd.s32 @!p0 s1  }
0xc2: {  	[bflag:$0x3] =	sbarrier.arrive $0xFFFF  }
0xc3: {  	_ =	shalt  }

// kernel: kernel.23.cloned.1.call-start
scs
__scs_entry_jumppad:
0x0: {  	(pc) =	sbr.rel $0x88, $3  }
0x1: {  	(tag) =	ssettag $0x0;
	lr =	simm.s32 $0x1  }
0x2: {  	[smem:$0x3F93] =	sst lr;
	_ =	strace $0xD0000000  }
0x3: {  	_ = 	snop  }
0x4: {  	_ = 	snop  }
0x5: {  	_ = 	snop  }
0x6: {  	_ = 	snop  }
0x7: {  	_ = 	snop  }
__scs_overlays_trampoline_lowered:
0x8: {  	[smem:$0x3FA2] =	sst s0  }
0x9: {  	[smem:$0x3FA3] =	sst s1  }
0xa: {  	[smem:$0x3FA4] =	sst s2  }
0xb: {  	[smem:$0x3FA5] =	sst s3  }
0xc: {  	[smem:$0x3FA6] =	sst s4  }
0xd: {  	[smem:$0x3FA7] =	sst s5  }
0xe: {  	[smem:$0x3FA8] =	sst s6  }
0xf: {  	[smem:$0x3FA9] =	sst s7  }
0x10: {  	[smem:$0x3FAA] =	sst s8  }
0x11: {  	[smem:$0x3FAB] =	sst s9;
	s0 =	simm.s32 @!p0 $0x0  }
0x12: {  	s1 =	sld [smem:$0x3F91];
	s0 =	simm.s32 @p0 $0x1  }
0x13: {  	[smem:$0x3FAC] =	sst s0;
	s0 =	simm.s32 @!p1 $0x0  }
0x14: {  	s2 =	sld [smem:$0x3F90];
	s0 =	simm.s32 @p1 $0x1  }
0x15: {  	[smem:$0x3FAD] =	sst s0;
	s0 =	simm.s32 @!p2 $0x0  }
0x16: {  	s3 =	sld [smem:$0x3FDB];
	s0 =	simm.s32 @p2 $0x1  }
0x17: {  	s4 =	simm.s32 $0x1BF5;
	[smem:$0x3FAF] =	sst s0  }
0x18: {  	s0 =	sld [smem:$0x3F92];
	_ =	swait.ge [sflag:s4], $0x0  }
0x19: {  	s7 =	sld [smem:$0x3F93]  }
0x1a: {  	s8 =	sadd.s32 $0xFFFFE003, lr  }
0x1b: {  	s9 =	sadd.s32 $0xFFFFFEF7, lr;
	s5 =	simm.s32 $0xFFFFFFFF;
	p2 =	slt.u32 s8, $0xFFFFF086  }
0x1c: {  	p1 =	slt.u32 s9, $0xF7A;
	s5 =	simm.s32 @!p2 $0x0  }
0x1d: {  	s5 =	simm.s32 @p1 $0x1;
	p0 =	seq.s32 s7, s2  }
0x1e: {  	s7 =	smul.u32 @!p0 $0xF7A, s2;
	p2 =	seq.s32 @!p0 s5, $0x0  }
0x1f: {  	s9 =	smul.u32 $0xF7A, s1;
	s8 =	simm.s32 @!p0 $0x1BF5;
	p2 =	por !p2, p0  }
0x20: {  	[sflag:s8] =	ssyncset.s32 @!p0 $0xFFFFF086;
	s6 =	sadd.s32 @!p0 s3, s7;
	s7 =	simm.s32 @!p0 $0x108  }
0x21: {  	s3 =	sadd.s32 s3, s9;
	s6 =	sadd.s32 @!p0 $0x88, s6;
	s7 =	simm.s32 @p2 $0x1082  }
0x22: {  	[simem:s7], [sflag:s8] =	dma.local @!p0 [hbm:s6], $0xF7A  }
0x23: {  	s9 =	sor.u32 $0xD0000000, s2;
	s6 =	simm.s32 $0x108;
	_ =	swait.ge @!p0 [sflag:s8], $0x0  }
0x24: {  	s3 =	sadd.s32 $0x88, s3;
	s6 =	simm.s32 @!p1 $0x1082;
	[sflag:s4] =	ssyncset.s32 $0xFFFFF086  }
0x25: {  	[simem:s6], [sflag:s4] =	dma.local [hbm:s3], $0xF7A  }
0x26: {  	[smem:$0x3F93] =	sst s1;
	(tag) =	ssettag s2;
	_ =	strace s9  }
0x27: {  	s1 =	sld [smem:$0x3FA3]  }
0x28: {  	s2 =	sld [smem:$0x3FA4]  }
0x29: {  	s4 =	sld [smem:$0x3FA6]  }
0x2a: {  	p0 =	seq.s32 s5, $0x0;
	s5 =	sld [smem:$0x3FA7]  }
0x2b: {  	s6 =	sld [smem:$0x3FA8]  }
0x2c: {  	s7 =	sld [smem:$0x3FA9]  }
0x2d: {  	s3 =	simm.s32 $0x108;
	s8 =	sld [smem:$0x3FAA]  }
0x2e: {  	s3 =	simm.s32 @!p0 $0x1082;
	s9 =	sld [smem:$0x3FAB]  }
0x2f: {  	lr =	sadd.s32 s0, s3;
	s0 =	sld [smem:$0x3FA2]  }
0x30: {  	s3 =	sld [smem:$0x3FA5]  }
0x31: {  	[smem:$0x3FAE] =	sst s10  }
0x32: {  	s10 =	sld [smem:$0x3FAC];
	_ =	sdelay $0x3  }
0x33: {  	p0 =	seq.s32 s10, $0x1;
	s10 =	sld [smem:$0x3FAE];
	_ =	sdelay $0x3  }
0x34: {  	[smem:$0x3FAE] =	sst s10  }
0x35: {  	s10 =	sld [smem:$0x3FAD];
	_ =	sdelay $0x3  }
0x36: {  	p1 =	seq.s32 s10, $0x1;
	s10 =	sld [smem:$0x3FAE];
	_ =	sdelay $0x3  }
0x37: {  	[smem:$0x3FAE] =	sst s10  }
0x38: {  	s10 =	sld [smem:$0x3FAF]  }
0x39: {  	_ = 	snop;
	(pc) =	sbr.ind lr, $3  }
0x3a: {  	_ = 	snop  }
0x3b: {  	_ = 	snop  }
0x3c: {  	p2 =	seq.s32 s10, $0x1;
	s10 =	sld [smem:$0x3FAE]  }
0x3d: {  	_ =	shalt  }
0x3e: {  	_ =	shalt  }
0x3f: {  	_ =	shalt  }
0x40: {  	_ =	shalt  }
0x41: {  	_ =	shalt  }
0x42: {  	_ =	shalt  }
0x43: {  	_ =	shalt  }
0x44: {  	_ =	shalt  }
0x45: {  	_ =	shalt  }
0x46: {  	_ =	shalt  }
0x47: {  	_ =	shalt  }
0x48: {  	_ =	shalt  }
0x49: {  	_ =	shalt  }
0x4a: {  	_ =	shalt  }
0x4b: {  	_ =	shalt  }
0x4c: {  	_ =	shalt  }
0x4d: {  	_ =	shalt  }
0x4e: {  	_ =	shalt  }
0x4f: {  	_ =	shalt  }
0x50: {  	_ =	shalt  }
0x51: {  	_ =	shalt  }
0x52: {  	_ =	shalt  }
0x53: {  	_ =	shalt  }
0x54: {  	_ =	shalt  }
0x55: {  	_ =	shalt  }
0x56: {  	_ =	shalt  }
0x57: {  	_ =	shalt  }
0x58: {  	_ =	shalt  }
0x59: {  	_ =	shalt  }
0x5a: {  	_ =	shalt  }
0x5b: {  	_ =	shalt  }
0x5c: {  	_ =	shalt  }
0x5d: {  	_ =	shalt  }
0x5e: {  	_ =	shalt  }
0x5f: {  	_ =	shalt  }
0x60: {  	_ =	shalt  }
0x61: {  	_ =	shalt  }
0x62: {  	_ =	shalt  }
0x63: {  	_ =	shalt  }
0x64: {  	_ =	shalt  }
0x65: {  	_ =	shalt  }
0x66: {  	_ =	shalt  }
0x67: {  	_ =	shalt  }
0x68: {  	_ =	shalt  }
0x69: {  	_ =	shalt  }
0x6a: {  	_ =	shalt  }
0x6b: {  	_ =	shalt  }
0x6c: {  	_ =	shalt  }
0x6d: {  	_ =	shalt  }
0x6e: {  	_ =	shalt  }
0x6f: {  	_ =	shalt  }
0x70: {  	_ =	shalt  }
0x71: {  	_ =	shalt  }
0x72: {  	_ =	shalt  }
0x73: {  	_ =	shalt  }
0x74: {  	_ =	shalt  }
0x75: {  	_ =	shalt  }
0x76: {  	_ =	shalt  }
0x77: {  	_ =	shalt  }
0x78: {  	_ =	shalt  }
0x79: {  	_ =	shalt  }
0x7a: {  	_ =	shalt  }
0x7b: {  	_ =	shalt  }
0x7c: {  	_ =	shalt  }
0x7d: {  	_ =	shalt  }
0x7e: {  	_ =	shalt  }
0x7f: {  	_ =	shalt  }
0x80: {  	_ =	shalt  }
0x81: {  	_ =	shalt  }
0x82: {  	_ =	shalt  }
0x83: {  	_ =	shalt  }
0x84: {  	_ =	shalt  }
0x85: {  	_ =	shalt  }
0x86: {  	_ =	shalt  }
0x87: {  	_ =	shalt  }
.Lfunc_end0:
.L_simem_size_0:
called_computation.1_lowered:
.L_overlay_start_0:
0x88: {  	s2 =	sld [smem:$0x3FD9]  }
0x89: {  	s3 =	sld [smem:$0x3FFE];
	_ =	sdelay $0x1  }
0x8a: {  	s1 =	srdreg.scid  }
0x8b: {  	s0 =	sand.u32 $0x1, s1  }
0x8c: {  	s17 =	sshll.u32 s0, $0xA;
	s2 =	sadd.s32 s3, s2  }
0x8d: {  	s2 =	sadd.s32 s2, s17  }
0x8e: {  	[smem:$0x3FBA] =	sst s2  }
0x8f: {  	_ = 	snop  }
0x90: {  	s2 =	sld [smem:$0x3FD0];
	(tm) =	ssettm $0x1  }
0x91: {  	s18 =	sld [smem:$0x3FFB];
	_ =	sdelay $0x3  }
0x92: {  	_ =	strace s18  }
0x93: {  	s3 =	sld [smem:$0x3FFC];
	_ =	sdelay $0x3  }
0x94: {  	_ =	strace s3  }
0x95: {  	s3 =	sld [smem:$0x3FFD];
	_ =	sdelay $0x3  }
0x96: {  	_ =	strace s3  }
0x97: {  	_ =	strace $0x8FFFFFFF  }
0x98: {  	s19 =	sld [smem:$0x3FDB];
	_ =	sdelay $0x1  }
0x99: {  	s4 =	simm.s32 $_scs_section_size  }
0x9a: {  	s5 =	simm.s32 $_size__tile_overlayer_lowered;
	s6 =	simm.s32 $_tile_overlayer_lowered  }
0x9b: {  	s22 =	simm.s32 $0x1BFF;
	s21 =	sshll.u32 s6, $0x1;
	s3 =	sadd.s32 s4, s19  }
0x9c: {  	s7 =	simm.s32 $0x0;
	s20 =	sshll.u32 s5, $0x1;
	s5 =	sadd.s32 s21, s3  }
0x9d: {  	[timem:s7], [sflag:s22] =	dma.local [hbm:s5], s20  }
0x9e: {  	_ =	swait.ge [sflag:s22], s20  }
0x9f: {  	s4 =	ssub.s32 $0x0, s20;
	[sflag:s22] =	ssyncset.done $0x0  }
0xa0: {  	[sflag:s22] =	ssyncadd.s32 s4;
	_ =	sdelay $0x1  }
0xa1: {  	s23 =	simm.s32 $0x1B8B  }
0xa2: {  	_ =	swait.ge [sflag:s23], $0x1  }
0xa3: {  	[sflag:s23] =	ssyncset.done $0x0  }
0xa4: {  	s25 =	simm.s32 $0x1B8E;
	s24 =	sld [smem:$0x3FFE];
	[sflag:s23] =	ssyncadd.s32 $0xFFFFFFFF  }
0xa5: {  	s26 =	simm.s32 $execute0_lowered;
	[smem:$0x3FD2] =	sst s25  }
0xa6: {  	s5 =	sshll.u32 s26, $0x1;
	_ =	strace $0x80000049;
	[dreg:$0x1] =	wrdreg $0xFFFFFFFF  }
0xa7: {  	s28 =	simm.s32 $_size_execute0_lowered;
	s3 =	sadd.s32 s3, s5;
	[dreg:$0x0] =	wrdreg $0x0  }
0xa8: {  	s5 =	sshll.u32 s28, $0x1;
	[dreg:$0x2] =	wrdreg s3  }
0xa9: {  	[dreg:$0x3] =	wrdreg s5  }
0xaa: {  	[dreg:$0x4] =	wrdreg $0xC0  }
0xab: {  	_ =	task [dreg:s7], $0x5FFFF  }
0xac: {  	[dreg:$0x1] =	wrdreg $0xFFFFFFFF  }
0xad: {  	[dreg:$0x0] =	wrdreg $0x60  }
0xae: {  	[dreg:$0x2] =	wrdreg s24  }
0xaf: {  	[dreg:$0x3] =	wrdreg s2  }
0xb0: {  	[dreg:$0x4] =	wrdreg $0x9  }
0xb1: {  	_ =	task.clear_ibuf [dreg:s7], $0x5FFFF;
	_ =	strace $0x90000049  }
0xb2: {  	s29 =	simm.s32 $0x9;
	_ =	strace $0x8000004B  }
0xb3: {  	_ =	swait.ge [sflag:s29], $0x1  }
0xb4: {  	[sflag:s29] =	ssyncadd.s32 $0xFFFFFFFF  }
0xb5: {  	_ =	strace $0x9000004B  }
0xb6: {  	_ =	sfence  }
0xb7: {  	s30 =	sld [smem:$0x0];
	_ =	sdelay $0x2  }
0xb8: {  	s31 =	sshll.u32 s1, $0xD;
	s1 =	sshrl.u32 s1, $0x2  }
0xb9: {  	s3 =	sand.u32 $0x4000, s31;
	s1 =	sadd.s32 s1, s30  }
0xba: {  	s0 =	sor.u32 s3, s0;
	s1 =	sshll.u32 s1, $0x11  }
0xbb: {  	s0 =	sor.u32 s1, s0  }
0xbc: {  	s0 =	sadd.s32 $0x8F2B, s0  }
0xbd: {  	[sflag:s0] =	ssyncadd.remote.s32 $0x1  }
0xbe: {  	_ =	sfence.sel $0xFFFF  }
0xbf: {  	[dreg:$0x0] =	wrdreg $0xFFFFFFFF;
	(pc) =	sbr.abs _section_cstart, $3  }
0xc0: {  	[dreg:$0x1] =	wrdreg $0xFFFFFFFF  }
0xc1: {  	_ =	task.clear_ibuf [dreg:s7], $0x2FFFF;
	_ =	strace $0x9FFFFFFF  }
0xc2: {  	(tm) =	ssettm $0x7FFFFFFF  }
0xc3: {  	_ =	shalt  }
tec
execute0_lowered:
.L_overlay_start_1:
0x0: {  	(tag) =	ssettag $0x1  }
0x1: {  	s0 =	rddreg [dreg:$0x0]  }
0x2: {  	s5 =	rddreg [dreg:$0x1];
	s3 =	srdreg.scid  }
0x3: {  	s2 =	simm.s32 $0x0;
	s1 =	stileid.u32;
	s26 =	simm.s32 $0x880  }
0x4: {  	s10 =	simm.s32 $0x1880;
	s11 =	simm.s32 $0x2080;
	s12 =	simm.s32 $0x2880  }
0x5: {  	s13 =	simm.s32 $0x3080;
	s14 =	simm.s32 $0x3880;
	s15 =	simm.s32 $0x4080  }
0x6: {  	s16 =	simm.s32 $0x4880;
	s17 =	simm.s32 $0x5080;
	s18 =	simm.s32 $0x5880  }
0x7: {  	s19 =	simm.s32 $0x6080;
	s20 =	simm.s32 $0x6880;
	s21 =	simm.s32 $0x7080  }
0x8: {  	s22 =	simm.s32 $0x7880;
	s28 =	simm.s32 $0xA080;
	s29 =	simm.s32 $0xA880  }
0x9: {  	s30 =	simm.s32 $0xB080;
	s31 =	simm.s32 $0xB880;
	s3 =	sand.u32 $0x1, s3  }
0xa: {  	[smem:$0x7FF] =	sst s2;
	s4 =	sshll.u32 s1, $0x4;
	s6 =	sshll.u32 s3, $0x3  }
0xb: {  	_ =	strace $0x8000004A;
	s23 =	ssub.s32 $0x2, s3;
	s3 =	sadd.s32 $0x3B600, s0  }
0xc: {  	[dreg:$0x5] =	wrdreg s26;
	s26 =	simm.s32 $0x9880;
	s4 =	sor.u32 s6, s4  }
0xd: {  	s8 =	sshrl.u32 s23, $0x1;
	s7 =	sadd.s32 s4, s0;
	s9 =	smul.u32 $0x300, s4  }
0xe: {  	s6 =	ssub.s32 s23, s8;
	s4 =	sadd.s32 $0x3B700, s0;
	s8 =	simm.s32 $0x80  }
0xf: {  	s23 =	simm.s32 $0x8080;
	s24 =	sadd.s32 $0x3B400, s7;
	s6 =	smax.u32 s6, $0x1  }
0x10: {  	v2 =	vlaneseq.u32;
	s7 =	simm.s32 $0x2;
	[dreg:$0x3] =	wrdreg s24;
	s25 =	sadd.s32 s5, s9  }
0x11: {  	vm0 =	vmmov $0xffff;
	v1 =	vshrl.u32 v2, $0x3;
	s5 =	sadd.s32 $0x3B800, s0;
	s9 =	simm.s32 $0x1080;
	s24 =	simm.s32 $0x8880  }
0x12: {  	v0 =	vand.u32 $0x7, v2;
	v2 =	vor.u32 $0x8, v2;
	v1 =	vmul.u32 $0x8, v1;
	s0 =	simm.s32 $0x1;
	[dreg:$0x4] =	wrdreg s25;
	s25 =	simm.s32 $0x9080  }
.LBB2_1:
0x13: {  	s1 =	rddreg [dreg:$0x3]  }
0x14: {  	[tilespmem:s2], [sflag:$0x2] =	stream.linear.gather [hbm4b:s1+s2], $0x40, $0x38;
	[tilespmem:$0xC080] =	vst v63  }
0x15: {  	_ =	swait.ge [sflag:s7], $0x40  }
0x16: {  	[sflag:s7] =	ssyncset.done $0x0  }
0x17: {  	[sflag:s7] =	ssyncadd.s32 $0xFFFFFFC0  }
0x18: {  	v3 =	vld [tilespmem:$0x0];
	_ =	sdelay $0x4  }
0x19: {  	v4 =	vshrl.u32 v3, $0x3  }
0x1a: {  	v4 =	vmul.u32 $0x30, v4  }
0x1b: {  	v3 =	vand.u32 $0x7, v3  }
0x1c: {  	v3 =	vor.u32 v3, v4  }
0x1d: {  	v4 =	vperm.xlane v3, v0;
	_ =	sdelay $0x1  }
0x1e: {  	v4 =	vadd.s32 v1, v4;
	_ =	sdelay $0x3  }
0x1f: {  	v3 =	vperm.xlane v3, v2  }
0x20: {  	[tilespmem:s8], [sflag:$0x1] =	stream.indirect_vreg.gather [hbm4b:s3+s2], $0x80, v4, vm0, $0xb8;
	[tilespmem:$0xC080] =	vst v63  }
0x21: {  	s1 =	rddreg [dreg:$0x5];
	v3 =	vadd.s32 v1, v3  }
0x22: {  	[tilespmem:s1], [sflag:$0x1] =	stream.indirect_vreg.gather [hbm4b:s4+s2], $0x80, v4, vm0, $0xb8;
	[tilespmem:$0xC080] =	vst v63  }
0x23: {  	_ = 	snop  }
0x24: {  	[tilespmem:s9], [sflag:$0x1] =	stream.indirect_vreg.gather [hbm4b:s5+s2], $0x80, v4, vm0, $0xb8;
	[tilespmem:$0xC080] =	vst v63  }
0x25: {  	_ = 	snop  }
0x26: {  	[tilespmem:s10], [sflag:$0x1] =	stream.indirect_vreg.gather [hbm4b:s3+s2], $0x80, v3, vm0, $0xb8;
	[tilespmem:$0xC080] =	vst v63  }
0x27: {  	_ = 	snop  }
0x28: {  	[tilespmem:s11], [sflag:$0x1] =	stream.indirect_vreg.gather [hbm4b:s4+s2], $0x80, v3, vm0, $0xb8;
	[tilespmem:$0xC080] =	vst v63  }
0x29: {  	_ = 	snop  }
0x2a: {  	[tilespmem:s12], [sflag:$0x1] =	stream.indirect_vreg.gather [hbm4b:s5+s2], $0x80, v3, vm0, $0xb8;
	[tilespmem:$0xC080] =	vst v63  }
0x2b: {  	v3 =	vld [tilespmem:$0x10];
	_ =	sdelay $0x4  }
0x2c: {  	v61 =	vshrl.u32 v3, $0x3  }
0x2d: {  	v4 =	vmul.u32 $0x30, v61  }
0x2e: {  	v3 =	vand.u32 $0x7, v3  }
0x2f: {  	v3 =	vor.u32 v3, v4  }
0x30: {  	v4 =	vperm.xlane v3, v0;
	_ =	sdelay $0x1  }
0x31: {  	v4 =	vadd.s32 v1, v4;
	_ =	sdelay $0x3  }
0x32: {  	v3 =	vperm.xlane v3, v2  }
0x33: {  	[tilespmem:s13], [sflag:$0x1] =	stream.indirect_vreg.gather [hbm4b:s3+s2], $0x80, v4, vm0, $0xb8;
	[tilespmem:$0xC080] =	vst v63  }
0x34: {  	v3 =	vadd.s32 v1, v3  }
0x35: {  	[tilespmem:s14], [sflag:$0x1] =	stream.indirect_vreg.gather [hbm4b:s4+s2], $0x80, v4, vm0, $0xb8;
	[tilespmem:$0xC080] =	vst v63  }
0x36: {  	_ = 	snop  }
0x37: {  	[tilespmem:s15], [sflag:$0x1] =	stream.indirect_vreg.gather [hbm4b:s5+s2], $0x80, v4, vm0, $0xb8;
	[tilespmem:$0xC080] =	vst v63  }
0x38: {  	_ = 	snop  }
0x39: {  	[tilespmem:s16], [sflag:$0x1] =	stream.indirect_vreg.gather [hbm4b:s3+s2], $0x80, v3, vm0, $0xb8;
	[tilespmem:$0xC080] =	vst v63  }
0x3a: {  	_ = 	snop  }
0x3b: {  	[tilespmem:s17], [sflag:$0x1] =	stream.indirect_vreg.gather [hbm4b:s4+s2], $0x80, v3, vm0, $0xb8;
	[tilespmem:$0xC080] =	vst v63  }
0x3c: {  	_ = 	snop  }
0x3d: {  	[tilespmem:s18], [sflag:$0x1] =	stream.indirect_vreg.gather [hbm4b:s5+s2], $0x80, v3, vm0, $0xb8;
	[tilespmem:$0xC080] =	vst v63  }
0x3e: {  	v3 =	vld [tilespmem:$0x20];
	_ =	sdelay $0x4  }
0x3f: {  	v62 =	vshrl.u32 v3, $0x3  }
0x40: {  	v4 =	vmul.u32 $0x30, v62  }
0x41: {  	v3 =	vand.u32 $0x7, v3  }
0x42: {  	v3 =	vor.u32 v3, v4  }
0x43: {  	v4 =	vperm.xlane v3, v0;
	_ =	sdelay $0x1  }
0x44: {  	v4 =	vadd.s32 v1, v4;
	_ =	sdelay $0x3  }
0x45: {  	v3 =	vperm.xlane v3, v2  }
0x46: {  	[tilespmem:s19], [sflag:$0x1] =	stream.indirect_vreg.gather [hbm4b:s3+s2], $0x80, v4, vm0, $0xb8;
	[tilespmem:$0xC080] =	vst v63  }
0x47: {  	v3 =	vadd.s32 v1, v3  }
0x48: {  	[tilespmem:s20], [sflag:$0x1] =	stream.indirect_vreg.gather [hbm4b:s4+s2], $0x80, v4, vm0, $0xb8;
	[tilespmem:$0xC080] =	vst v63  }
0x49: {  	_ = 	snop  }
0x4a: {  	[tilespmem:s21], [sflag:$0x1] =	stream.indirect_vreg.gather [hbm4b:s5+s2], $0x80, v4, vm0, $0xb8;
	[tilespmem:$0xC080] =	vst v63  }
0x4b: {  	_ = 	snop  }
0x4c: {  	[tilespmem:s22], [sflag:$0x1] =	stream.indirect_vreg.gather [hbm4b:s3+s2], $0x80, v3, vm0, $0xb8;
	[tilespmem:$0xC080] =	vst v63  }
0x4d: {  	_ = 	snop  }
0x4e: {  	[tilespmem:s23], [sflag:$0x1] =	stream.indirect_vreg.gather [hbm4b:s4+s2], $0x80, v3, vm0, $0xb8;
	[tilespmem:$0xC080] =	vst v63  }
0x4f: {  	_ = 	snop  }
0x50: {  	[tilespmem:s24], [sflag:$0x1] =	stream.indirect_vreg.gather [hbm4b:s5+s2], $0x80, v3, vm0, $0xb8;
	[tilespmem:$0xC080] =	vst v63  }
0x51: {  	v3 =	vld [tilespmem:$0x30];
	_ =	sdelay $0x4  }
0x52: {  	v63 =	vshrl.u32 v3, $0x3  }
0x53: {  	v4 =	vmul.u32 $0x30, v63  }
0x54: {  	v3 =	vand.u32 $0x7, v3  }
0x55: {  	v3 =	vor.u32 v3, v4  }
0x56: {  	v4 =	vperm.xlane v3, v0;
	_ =	sdelay $0x1  }
0x57: {  	v4 =	vadd.s32 v1, v4;
	_ =	sdelay $0x3  }
0x58: {  	v3 =	vperm.xlane v3, v2  }
0x59: {  	[tilespmem:s25], [sflag:$0x1] =	stream.indirect_vreg.gather [hbm4b:s3+s2], $0x80, v4, vm0, $0xb8;
	[tilespmem:$0xC080] =	vst v63  }
0x5a: {  	v3 =	vadd.s32 v1, v3  }
0x5b: {  	[tilespmem:s26], [sflag:$0x1] =	stream.indirect_vreg.gather [hbm4b:s4+s2], $0x80, v4, vm0, $0xb8;
	[tilespmem:$0xC080] =	vst v63  }
0x5c: {  	_ = 	snop  }
0x5d: {  	[tilespmem:s28], [sflag:$0x1] =	stream.indirect_vreg.gather [hbm4b:s5+s2], $0x80, v4, vm0, $0xb8;
	[tilespmem:$0xC080] =	vst v63  }
0x5e: {  	_ = 	snop  }
0x5f: {  	[tilespmem:s29], [sflag:$0x1] =	stream.indirect_vreg.gather [hbm4b:s3+s2], $0x80, v3, vm0, $0xb8;
	[tilespmem:$0xC080] =	vst v63  }
0x60: {  	_ = 	snop  }
0x61: {  	[tilespmem:s30], [sflag:$0x1] =	stream.indirect_vreg.gather [hbm4b:s4+s2], $0x80, v3, vm0, $0xb8;
	[tilespmem:$0xC080] =	vst v63  }
0x62: {  	_ = 	snop  }
0x63: {  	[tilespmem:s31], [sflag:$0x1] =	stream.indirect_vreg.gather [hbm4b:s5+s2], $0x80, v3, vm0, $0xb8;
	[tilespmem:$0xC080] =	vst v63  }
0x64: {  	_ =	swait.ge [sflag:s0], $0xC000  }
0x65: {  	p0 =	sne.s32 s6, $0x1;
	[sflag:s0] =	ssyncset.done $0x0  }
.Ltmp0:
0x66: {  	s1 =	rddreg [dreg:$0x4];
	[sflag:s0] =	ssyncadd.s32 $0xFFFF4000;
	(pc) =	sbr.rel @p0 .LBB2_1-.Ltmp0, $4  }
0x67: {  	[hbm4b:s1+s2] =	stream.linear.scatter [tilespmem:s8], [sflag:$0x2], $0xC000, $0x38;
	[tilespmem:$0xC080] =	vst v63  }
0x68: {  	_ =	swait.ge [sflag:s7], $0xC000  }
0x69: {  	[sflag:s7] =	ssyncset.done $0x0  }
0x6a: {  	s6 =	sadd.s32 $0xFFFFFFFF, s6;
	[sflag:s7] =	ssyncadd.s32 $0xFFFF4000  }
0x6b: {  	_ =	sfence.sel $0x180000  }
0x6c: {  	[bflag:$0x0] =	sbarrier.arrive $0xFFFF  }
0x6d: {  	_ =	strace $0x9000004A  }
0x6e: {  	s0 =	stileid.u32;
	[bflag:$0x2] =	sbarrier.arrive $0xFFFF  }
0x6f: {  	p0 =	sne.s32 s0, $0x0;
	s0 =	rddreg [dreg:$0x2]  }
0x70: {  	s0 =	sadd.s32 @!p0 $0x100000, s0  }
0x71: {  	[sflag:s0] =	ssyncadd.tile.s32 @!p0 $0x1;
	_ =	shalt  }
.Lfunc_end2:
_tile_overlayer_lowered:
.L_overlay_start_2:
0x72: {  	(tag) =	ssettag $0x2  }
0x73: {  	s0 =	rddreg [dreg:$0x0];
	s2 =	stileid.u32  }
0x74: {  	s1 =	rddreg [dreg:$0x1];
	p0 =	sne.s32 s2, $0x0  }
0x75: {  	s3 =	rddreg [dreg:$0x2];
	[bflag:$0x3] =	sbarrier.arrive $0xFFFF;
	s2 =	simm.s32 @!p0 $0x1C02  }
0x76: {  	[timem:s3], [sflag:s2] =	dma.local @!p0 [hbm:s0], s1  }
0x77: {  	s0 =	simm.s32 @!p0 $0x2  }
0x78: {  	_ =	swait.ge @!p0 [sflag:s0], s1  }
0x79: {  	s1 =	ssub.s32 @!p0 $0x0, s1;
	[sflag:s0] =	ssyncset.done @!p0 $0x0  }
0x7a: {  	[sflag:s0] =	ssyncadd.s32 @!p0 s1  }
0x7b: {  	[bflag:$0x3] =	sbarrier.arrive $0xFFFF  }
0x7c: {  	_ =	shalt  }

// kernel: kernel.26.cloned.1.call-start
scs
__scs_entry_jumppad:
0x0: {  	(pc) =	sbr.rel $0x88, $3  }
0x1: {  	(tag) =	ssettag $0x0;
	lr =	simm.s32 $0x1  }
0x2: {  	[smem:$0x3F93] =	sst lr;
	_ =	strace $0xD0000000  }
0x3: {  	_ = 	snop  }
0x4: {  	_ = 	snop  }
0x5: {  	_ = 	snop  }
0x6: {  	_ = 	snop  }
0x7: {  	_ = 	snop  }
__scs_overlays_trampoline_lowered:
0x8: {  	[smem:$0x3FA2] =	sst s0  }
0x9: {  	[smem:$0x3FA3] =	sst s1  }
0xa: {  	[smem:$0x3FA4] =	sst s2  }
0xb: {  	[smem:$0x3FA5] =	sst s3  }
0xc: {  	[smem:$0x3FA6] =	sst s4  }
0xd: {  	[smem:$0x3FA7] =	sst s5  }
0xe: {  	[smem:$0x3FA8] =	sst s6  }
0xf: {  	[smem:$0x3FA9] =	sst s7  }
0x10: {  	[smem:$0x3FAA] =	sst s8  }
0x11: {  	[smem:$0x3FAB] =	sst s9;
	s0 =	simm.s32 @!p0 $0x0  }
0x12: {  	s1 =	sld [smem:$0x3F91];
	s0 =	simm.s32 @p0 $0x1  }
0x13: {  	[smem:$0x3FAC] =	sst s0;
	s0 =	simm.s32 @!p1 $0x0  }
0x14: {  	s2 =	sld [smem:$0x3F90];
	s0 =	simm.s32 @p1 $0x1  }
0x15: {  	[smem:$0x3FAD] =	sst s0;
	s0 =	simm.s32 @!p2 $0x0  }
0x16: {  	s3 =	sld [smem:$0x3FDB];
	s0 =	simm.s32 @p2 $0x1  }
0x17: {  	s4 =	simm.s32 $0x1BF5;
	[smem:$0x3FAF] =	sst s0  }
0x18: {  	s0 =	sld [smem:$0x3F92];
	_ =	swait.ge [sflag:s4], $0x0  }
0x19: {  	s7 =	sld [smem:$0x3F93]  }
0x1a: {  	s8 =	sadd.s32 $0xFFFFE003, lr  }
0x1b: {  	s9 =	sadd.s32 $0xFFFFFEF7, lr;
	s5 =	simm.s32 $0xFFFFFFFF;
	p2 =	slt.u32 s8, $0xFFFFF086  }
0x1c: {  	p1 =	slt.u32 s9, $0xF7A;
	s5 =	simm.s32 @!p2 $0x0  }
0x1d: {  	s5 =	simm.s32 @p1 $0x1;
	p0 =	seq.s32 s7, s2  }
0x1e: {  	s7 =	smul.u32 @!p0 $0xF7A, s2;
	p2 =	seq.s32 @!p0 s5, $0x0  }
0x1f: {  	s9 =	smul.u32 $0xF7A, s1;
	s8 =	simm.s32 @!p0 $0x1BF5;
	p2 =	por !p2, p0  }
0x20: {  	[sflag:s8] =	ssyncset.s32 @!p0 $0xFFFFF086;
	s6 =	sadd.s32 @!p0 s3, s7;
	s7 =	simm.s32 @!p0 $0x108  }
0x21: {  	s3 =	sadd.s32 s3, s9;
	s6 =	sadd.s32 @!p0 $0x88, s6;
	s7 =	simm.s32 @p2 $0x1082  }
0x22: {  	[simem:s7], [sflag:s8] =	dma.local @!p0 [hbm:s6], $0xF7A  }
0x23: {  	s9 =	sor.u32 $0xD0000000, s2;
	s6 =	simm.s32 $0x108;
	_ =	swait.ge @!p0 [sflag:s8], $0x0  }
0x24: {  	s3 =	sadd.s32 $0x88, s3;
	s6 =	simm.s32 @!p1 $0x1082;
	[sflag:s4] =	ssyncset.s32 $0xFFFFF086  }
0x25: {  	[simem:s6], [sflag:s4] =	dma.local [hbm:s3], $0xF7A  }
0x26: {  	[smem:$0x3F93] =	sst s1;
	(tag) =	ssettag s2;
	_ =	strace s9  }
0x27: {  	s1 =	sld [smem:$0x3FA3]  }
0x28: {  	s2 =	sld [smem:$0x3FA4]  }
0x29: {  	s4 =	sld [smem:$0x3FA6]  }
0x2a: {  	p0 =	seq.s32 s5, $0x0;
	s5 =	sld [smem:$0x3FA7]  }
0x2b: {  	s6 =	sld [smem:$0x3FA8]  }
0x2c: {  	s7 =	sld [smem:$0x3FA9]  }
0x2d: {  	s3 =	simm.s32 $0x108;
	s8 =	sld [smem:$0x3FAA]  }
0x2e: {  	s3 =	simm.s32 @!p0 $0x1082;
	s9 =	sld [smem:$0x3FAB]  }
0x2f: {  	lr =	sadd.s32 s0, s3;
	s0 =	sld [smem:$0x3FA2]  }
0x30: {  	s3 =	sld [smem:$0x3FA5]  }
0x31: {  	[smem:$0x3FAE] =	sst s10  }
0x32: {  	s10 =	sld [smem:$0x3FAC];
	_ =	sdelay $0x3  }
0x33: {  	p0 =	seq.s32 s10, $0x1;
	s10 =	sld [smem:$0x3FAE];
	_ =	sdelay $0x3  }
0x34: {  	[smem:$0x3FAE] =	sst s10  }
0x35: {  	s10 =	sld [smem:$0x3FAD];
	_ =	sdelay $0x3  }
0x36: {  	p1 =	seq.s32 s10, $0x1;
	s10 =	sld [smem:$0x3FAE];
	_ =	sdelay $0x3  }
0x37: {  	[smem:$0x3FAE] =	sst s10  }
0x38: {  	s10 =	sld [smem:$0x3FAF]  }
0x39: {  	_ = 	snop;
	(pc) =	sbr.ind lr, $3  }
0x3a: {  	_ = 	snop  }
0x3b: {  	_ = 	snop  }
0x3c: {  	p2 =	seq.s32 s10, $0x1;
	s10 =	sld [smem:$0x3FAE]  }
0x3d: {  	_ =	shalt  }
0x3e: {  	_ =	shalt  }
0x3f: {  	_ =	shalt  }
0x40: {  	_ =	shalt  }
0x41: {  	_ =	shalt  }
0x42: {  	_ =	shalt  }
0x43: {  	_ =	shalt  }
0x44: {  	_ =	shalt  }
0x45: {  	_ =	shalt  }
0x46: {  	_ =	shalt  }
0x47: {  	_ =	shalt  }
0x48: {  	_ =	shalt  }
0x49: {  	_ =	shalt  }
0x4a: {  	_ =	shalt  }
0x4b: {  	_ =	shalt  }
0x4c: {  	_ =	shalt  }
0x4d: {  	_ =	shalt  }
0x4e: {  	_ =	shalt  }
0x4f: {  	_ =	shalt  }
0x50: {  	_ =	shalt  }
0x51: {  	_ =	shalt  }
0x52: {  	_ =	shalt  }
0x53: {  	_ =	shalt  }
0x54: {  	_ =	shalt  }
0x55: {  	_ =	shalt  }
0x56: {  	_ =	shalt  }
0x57: {  	_ =	shalt  }
0x58: {  	_ =	shalt  }
0x59: {  	_ =	shalt  }
0x5a: {  	_ =	shalt  }
0x5b: {  	_ =	shalt  }
0x5c: {  	_ =	shalt  }
0x5d: {  	_ =	shalt  }
0x5e: {  	_ =	shalt  }
0x5f: {  	_ =	shalt  }
0x60: {  	_ =	shalt  }
0x61: {  	_ =	shalt  }
0x62: {  	_ =	shalt  }
0x63: {  	_ =	shalt  }
0x64: {  	_ =	shalt  }
0x65: {  	_ =	shalt  }
0x66: {  	_ =	shalt  }
0x67: {  	_ =	shalt  }
0x68: {  	_ =	shalt  }
0x69: {  	_ =	shalt  }
0x6a: {  	_ =	shalt  }
0x6b: {  	_ =	shalt  }
0x6c: {  	_ =	shalt  }
0x6d: {  	_ =	shalt  }
0x6e: {  	_ =	shalt  }
0x6f: {  	_ =	shalt  }
0x70: {  	_ =	shalt  }
0x71: {  	_ =	shalt  }
0x72: {  	_ =	shalt  }
0x73: {  	_ =	shalt  }
0x74: {  	_ =	shalt  }
0x75: {  	_ =	shalt  }
0x76: {  	_ =	shalt  }
0x77: {  	_ =	shalt  }
0x78: {  	_ =	shalt  }
0x79: {  	_ =	shalt  }
0x7a: {  	_ =	shalt  }
0x7b: {  	_ =	shalt  }
0x7c: {  	_ =	shalt  }
0x7d: {  	_ =	shalt  }
0x7e: {  	_ =	shalt  }
0x7f: {  	_ =	shalt  }
0x80: {  	_ =	shalt  }
0x81: {  	_ =	shalt  }
0x82: {  	_ =	shalt  }
0x83: {  	_ =	shalt  }
0x84: {  	_ =	shalt  }
0x85: {  	_ =	shalt  }
0x86: {  	_ =	shalt  }
0x87: {  	_ =	shalt  }
.Lfunc_end0:
.L_simem_size_0:
called_computation.2_lowered:
.L_overlay_start_0:
0x88: {  	s2 =	sld [smem:$0x3FD9]  }
0x89: {  	s3 =	sld [smem:$0x3FFE];
	_ =	sdelay $0x1  }
0x8a: {  	s1 =	srdreg.scid  }
0x8b: {  	s0 =	sand.u32 $0x1, s1  }
0x8c: {  	s17 =	sshll.u32 s0, $0xA;
	s2 =	sadd.s32 s3, s2  }
0x8d: {  	s2 =	sadd.s32 s2, s17  }
0x8e: {  	[smem:$0x3FBA] =	sst s2  }
0x8f: {  	_ = 	snop  }
0x90: {  	s2 =	sld [smem:$0x3FD0];
	(tm) =	ssettm $0x1  }
0x91: {  	s18 =	sld [smem:$0x3FFB];
	_ =	sdelay $0x3  }
0x92: {  	_ =	strace s18  }
0x93: {  	s3 =	sld [smem:$0x3FFC];
	_ =	sdelay $0x3  }
0x94: {  	_ =	strace s3  }
0x95: {  	s3 =	sld [smem:$0x3FFD];
	_ =	sdelay $0x3  }
0x96: {  	_ =	strace s3  }
0x97: {  	_ =	strace $0x8FFFFFFF  }
0x98: {  	s19 =	sld [smem:$0x3FDB];
	_ =	sdelay $0x1  }
0x99: {  	s4 =	simm.s32 $_scs_section_size  }
0x9a: {  	s5 =	simm.s32 $_size__tile_overlayer_lowered;
	s6 =	simm.s32 $_tile_overlayer_lowered  }
0x9b: {  	s22 =	simm.s32 $0x1BFF;
	s21 =	sshll.u32 s6, $0x1;
	s3 =	sadd.s32 s4, s19  }
0x9c: {  	s7 =	simm.s32 $0x0;
	s20 =	sshll.u32 s5, $0x1;
	s5 =	sadd.s32 s21, s3  }
0x9d: {  	[timem:s7], [sflag:s22] =	dma.local [hbm:s5], s20  }
0x9e: {  	_ =	swait.ge [sflag:s22], s20  }
0x9f: {  	s4 =	ssub.s32 $0x0, s20;
	[sflag:s22] =	ssyncset.done $0x0  }
0xa0: {  	[sflag:s22] =	ssyncadd.s32 s4;
	_ =	sdelay $0x1  }
0xa1: {  	s23 =	simm.s32 $0x1B8B  }
0xa2: {  	_ =	swait.ge [sflag:s23], $0x1  }
0xa3: {  	[sflag:s23] =	ssyncset.done $0x0  }
0xa4: {  	s25 =	simm.s32 $0x1B8E;
	s24 =	sld [smem:$0x3FFE];
	[sflag:s23] =	ssyncadd.s32 $0xFFFFFFFF  }
0xa5: {  	s26 =	simm.s32 $execute0_lowered;
	[smem:$0x3FD2] =	sst s25  }
0xa6: {  	s5 =	sshll.u32 s26, $0x1;
	_ =	strace $0x8000004C;
	[dreg:$0x1] =	wrdreg $0xFFFFFFFF  }
0xa7: {  	s28 =	simm.s32 $_size_execute0_lowered;
	s3 =	sadd.s32 s3, s5;
	[dreg:$0x0] =	wrdreg $0x0  }
0xa8: {  	s5 =	sshll.u32 s28, $0x1;
	[dreg:$0x2] =	wrdreg s3  }
0xa9: {  	[dreg:$0x3] =	wrdreg s5  }
0xaa: {  	[dreg:$0x4] =	wrdreg $0xC0  }
0xab: {  	_ =	task [dreg:s7], $0x5FFFF  }
0xac: {  	[dreg:$0x1] =	wrdreg $0xFFFFFFFF  }
0xad: {  	[dreg:$0x0] =	wrdreg $0x60  }
0xae: {  	[dreg:$0x2] =	wrdreg s2  }
0xaf: {  	[dreg:$0x3] =	wrdreg s24  }
0xb0: {  	[dreg:$0x4] =	wrdreg $0x9  }
0xb1: {  	_ =	task.clear_ibuf [dreg:s7], $0x5FFFF;
	_ =	strace $0x9000004C  }
0xb2: {  	s29 =	simm.s32 $0x9;
	_ =	strace $0x8000004E  }
0xb3: {  	_ =	swait.ge [sflag:s29], $0x1  }
0xb4: {  	[sflag:s29] =	ssyncadd.s32 $0xFFFFFFFF  }
0xb5: {  	_ =	strace $0x9000004E  }
0xb6: {  	_ =	sfence  }
0xb7: {  	s30 =	sld [smem:$0x0];
	_ =	sdelay $0x2  }
0xb8: {  	s31 =	sshll.u32 s1, $0xD;
	s1 =	sshrl.u32 s1, $0x2  }
0xb9: {  	s3 =	sand.u32 $0x4000, s31;
	s1 =	sadd.s32 s1, s30  }
0xba: {  	s0 =	sor.u32 s3, s0;
	s1 =	sshll.u32 s1, $0x11  }
0xbb: {  	s0 =	sor.u32 s1, s0  }
0xbc: {  	s0 =	sadd.s32 $0x8F2B, s0  }
0xbd: {  	[sflag:s0] =	ssyncadd.remote.s32 $0x1  }
0xbe: {  	_ =	sfence.sel $0xFFFF  }
0xbf: {  	[dreg:$0x0] =	wrdreg $0xFFFFFFFF;
	(pc) =	sbr.abs _section_cstart, $3  }
0xc0: {  	[dreg:$0x1] =	wrdreg $0xFFFFFFFF  }
0xc1: {  	_ =	task.clear_ibuf [dreg:s7], $0x2FFFF;
	_ =	strace $0x9FFFFFFF  }
0xc2: {  	(tm) =	ssettm $0x7FFFFFFF  }
0xc3: {  	_ =	shalt  }
tec
execute0_lowered:
.L_overlay_start_1:
0x0: {  	(tag) =	ssettag $0x1  }
0x1: {  	s1 =	srdreg.scid;
	s0 =	stileid.u32  }
0x2: {  	s2 =	rddreg [dreg:$0x0];
	s1 =	sand.u32 $0x1, s1;
	s3 =	sshll.u32 s0, $0x1  }
0x3: {  	s5 =	rddreg [dreg:$0x1];
	s4 =	sor.u32 s1, s3;
	s3 =	simm.s32 $0x0  }
0x4: {  	s8 =	simm.s32 $0x880;
	[smem:$0x7FF] =	sst s3  }
0x5: {  	s9 =	simm.s32 $0x1080;
	_ =	strace $0x8000004D;
	[dreg:$0x5] =	wrdreg s8  }
0x6: {  	s10 =	simm.s32 $0x1880;
	[dreg:$0x6] =	wrdreg s9  }
0x7: {  	s11 =	simm.s32 $0x2080;
	[dreg:$0x7] =	wrdreg s10  }
0x8: {  	s12 =	simm.s32 $0x2880;
	[dreg:$0x8] =	wrdreg s11  }
0x9: {  	s13 =	simm.s32 $0x3080;
	[dreg:$0x9] =	wrdreg s12  }
0xa: {  	s14 =	simm.s32 $0x3880;
	[dreg:$0xa] =	wrdreg s13  }
0xb: {  	s15 =	simm.s32 $0x4080;
	[dreg:$0xb] =	wrdreg s14  }
0xc: {  	s16 =	simm.s32 $0x4880;
	[dreg:$0xc] =	wrdreg s15  }
0xd: {  	s17 =	simm.s32 $0x5080;
	[dreg:$0xd] =	wrdreg s16  }
0xe: {  	s18 =	simm.s32 $0x5880;
	s19 =	simm.s32 $0x6080;
	[dreg:$0xe] =	wrdreg s17  }
0xf: {  	s21 =	simm.s32 $0x6880;
	s22 =	simm.s32 $0x7080;
	[dreg:$0xf] =	wrdreg s18  }
0x10: {  	s23 =	simm.s32 $0x7880;
	s24 =	simm.s32 $0x8880;
	[dreg:$0x10] =	wrdreg s19  }
0x11: {  	s25 =	simm.s32 $0x9080;
	s26 =	simm.s32 $0x9880;
	[dreg:$0x11] =	wrdreg s21  }
0x12: {  	s28 =	simm.s32 $0x13080;
	s29 =	simm.s32 $0x13880;
	[dreg:$0x12] =	wrdreg s22  }
0x13: {  	s30 =	simm.s32 $0x14080;
	s31 =	simm.s32 $0x14880;
	[dreg:$0x13] =	wrdreg s23  }
0x14: {  	s1 =	ssub.s32 $0x2, s1;
	s6 =	smul.u32 $0xE, s4;
	[dreg:$0x15] =	wrdreg s24  }
0x15: {  	s4 =	smul.u32 $0x2A00, s4;
	s20 =	sshrl.u32 s1, $0x1;
	[dreg:$0x16] =	wrdreg s25  }
0x16: {  	s1 =	ssub.s32 s1, s20;
	s8 =	simm.s32 $0x80;
	[dreg:$0x17] =	wrdreg s26  }
0x17: {  	s10 =	simm.s32 $0xA880;
	s11 =	simm.s32 $0xB080;
	s12 =	simm.s32 $0xB880  }
0x18: {  	s13 =	simm.s32 $0xC080;
	s14 =	simm.s32 $0xC880;
	s15 =	simm.s32 $0xD080  }
0x19: {  	s16 =	simm.s32 $0xD880;
	s17 =	simm.s32 $0xE080;
	s18 =	simm.s32 $0xE880  }
0x1a: {  	s19 =	simm.s32 $0xF080;
	s20 =	simm.s32 $0xF880;
	s21 =	simm.s32 $0x10080  }
0x1b: {  	s22 =	simm.s32 $0x10880;
	s23 =	simm.s32 $0x11080;
	s24 =	simm.s32 $0x11880  }
0x1c: {  	s25 =	simm.s32 $0x12080;
	s26 =	simm.s32 $0x12880;
	s6 =	sadd.s32 s6, s5  }
0x1d: {  	s4 =	sadd.s32 s4, s5;
	s5 =	sadd.s32 $0x200, s2;
	s7 =	sadd.s32 $0x5600, s6  }
0x1e: {  	v2 =	vlaneseq.u32;
	s4 =	sadd.s32 $0x5800, s4;
	s6 =	smax.u32 s1, $0x1;
	[dreg:$0x3] =	wrdreg s7  }
0x1f: {  	vm0 =	vmmov $0xffff;
	v1 =	vshrl.u32 v2, $0x3;
	s1 =	simm.s32 $0x1;
	[dreg:$0x4] =	wrdreg s4;
	s7 =	simm.s32 $0x8080  }
0x20: {  	v0 =	vand.u32 $0x7, v2;
	v2 =	vor.u32 $0x8, v2;
	v1 =	vmul.u32 $0x8, v1;
	s4 =	sadd.s32 $0x100, s2;
	[dreg:$0x14] =	wrdreg s7;
	s7 =	simm.s32 $0x2  }
.LBB2_1:
0x21: {  	s0 =	rddreg [dreg:$0x3]  }
0x22: {  	[tilespmem:s3], [sflag:$0x2] =	stream.linear.gather [hbm4b:s0+s3], $0x70, $0x38;
	[tilespmem:$0x15080] =	vst v63  }
0x23: {  	_ =	swait.ge [sflag:s7], $0x70  }
0x24: {  	[sflag:s7] =	ssyncset.done $0x0  }
0x25: {  	[sflag:s7] =	ssyncadd.s32 $0xFFFFFF90  }
0x26: {  	v3 =	vld [tilespmem:$0x0];
	_ =	sdelay $0x4  }
0x27: {  	v4 =	vshrl.u32 v3, $0x3  }
0x28: {  	v4 =	vmul.u32 $0x30, v4  }
0x29: {  	v3 =	vand.u32 $0x7, v3  }
0x2a: {  	v3 =	vor.u32 v3, v4  }
0x2b: {  	v4 =	vperm.xlane v3, v0;
	_ =	sdelay $0x1  }
0x2c: {  	v4 =	vadd.s32 v1, v4;
	_ =	sdelay $0x3  }
0x2d: {  	v3 =	vperm.xlane v3, v2  }
0x2e: {  	[tilespmem:s8], [sflag:$0x1] =	stream.indirect_vreg.gather [hbm4b:s2+s3], $0x80, v4, vm0, $0xb8;
	[tilespmem:$0x15080] =	vst v63  }
0x2f: {  	s0 =	rddreg [dreg:$0x5];
	v3 =	vadd.s32 v1, v3  }
0x30: {  	[tilespmem:s0], [sflag:$0x1] =	stream.indirect_vreg.gather [hbm4b:s4+s3], $0x80, v4, vm0, $0xb8;
	[tilespmem:$0x15080] =	vst v63  }
0x31: {  	s9 =	rddreg [dreg:$0x6]  }
0x32: {  	[tilespmem:s9], [sflag:$0x1] =	stream.indirect_vreg.gather [hbm4b:s5+s3], $0x80, v4, vm0, $0xb8;
	[tilespmem:$0x15080] =	vst v63  }
0x33: {  	s0 =	rddreg [dreg:$0x7]  }
0x34: {  	[tilespmem:s0], [sflag:$0x1] =	stream.indirect_vreg.gather [hbm4b:s2+s3], $0x80, v3, vm0, $0xb8;
	[tilespmem:$0x15080] =	vst v63  }
0x35: {  	s9 =	rddreg [dreg:$0x8]  }
0x36: {  	[tilespmem:s9], [sflag:$0x1] =	stream.indirect_vreg.gather [hbm4b:s4+s3], $0x80, v3, vm0, $0xb8;
	[tilespmem:$0x15080] =	vst v63  }
0x37: {  	s0 =	rddreg [dreg:$0x9]  }
0x38: {  	[tilespmem:s0], [sflag:$0x1] =	stream.indirect_vreg.gather [hbm4b:s5+s3], $0x80, v3, vm0, $0xb8;
	[tilespmem:$0x15080] =	vst v63  }
0x39: {  	v3 =	vld [tilespmem:$0x10];
	_ =	sdelay $0x4  }
0x3a: {  	v58 =	vshrl.u32 v3, $0x3  }
0x3b: {  	v4 =	vmul.u32 $0x30, v58  }
0x3c: {  	v3 =	vand.u32 $0x7, v3  }
0x3d: {  	v3 =	vor.u32 v3, v4  }
0x3e: {  	v4 =	vperm.xlane v3, v0;
	_ =	sdelay $0x1  }
0x3f: {  	v4 =	vadd.s32 v1, v4;
	_ =	sdelay $0x3  }
0x40: {  	s0 =	rddreg [dreg:$0xa];
	v3 =	vperm.xlane v3, v2  }
0x41: {  	[tilespmem:s0], [sflag:$0x1] =	stream.indirect_vreg.gather [hbm4b:s2+s3], $0x80, v4, vm0, $0xb8;
	[tilespmem:$0x15080] =	vst v63  }
0x42: {  	s9 =	rddreg [dreg:$0xb];
	v3 =	vadd.s32 v1, v3  }
0x43: {  	[tilespmem:s9], [sflag:$0x1] =	stream.indirect_vreg.gather [hbm4b:s4+s3], $0x80, v4, vm0, $0xb8;
	[tilespmem:$0x15080] =	vst v63  }
0x44: {  	s0 =	rddreg [dreg:$0xc]  }
0x45: {  	[tilespmem:s0], [sflag:$0x1] =	stream.indirect_vreg.gather [hbm4b:s5+s3], $0x80, v4, vm0, $0xb8;
	[tilespmem:$0x15080] =	vst v63  }
0x46: {  	s9 =	rddreg [dreg:$0xd]  }
0x47: {  	[tilespmem:s9], [sflag:$0x1] =	stream.indirect_vreg.gather [hbm4b:s2+s3], $0x80, v3, vm0, $0xb8;
	[tilespmem:$0x15080] =	vst v63  }
0x48: {  	s0 =	rddreg [dreg:$0xe]  }
0x49: {  	[tilespmem:s0], [sflag:$0x1] =	stream.indirect_vreg.gather [hbm4b:s4+s3], $0x80, v3, vm0, $0xb8;
	[tilespmem:$0x15080] =	vst v63  }
0x4a: {  	s9 =	rddreg [dreg:$0xf]  }
0x4b: {  	[tilespmem:s9], [sflag:$0x1] =	stream.indirect_vreg.gather [hbm4b:s5+s3], $0x80, v3, vm0, $0xb8;
	[tilespmem:$0x15080] =	vst v63  }
0x4c: {  	v3 =	vld [tilespmem:$0x20];
	_ =	sdelay $0x4  }
0x4d: {  	v59 =	vshrl.u32 v3, $0x3  }
0x4e: {  	v4 =	vmul.u32 $0x30, v59  }
0x4f: {  	v3 =	vand.u32 $0x7, v3  }
0x50: {  	v3 =	vor.u32 v3, v4  }
0x51: {  	v4 =	vperm.xlane v3, v0;
	_ =	sdelay $0x1  }
0x52: {  	v4 =	vadd.s32 v1, v4;
	_ =	sdelay $0x3  }
0x53: {  	s0 =	rddreg [dreg:$0x10];
	v3 =	vperm.xlane v3, v2  }
0x54: {  	[tilespmem:s0], [sflag:$0x1] =	stream.indirect_vreg.gather [hbm4b:s2+s3], $0x80, v4, vm0, $0xb8;
	[tilespmem:$0x15080] =	vst v63  }
0x55: {  	s9 =	rddreg [dreg:$0x11];
	v3 =	vadd.s32 v1, v3  }
0x56: {  	[tilespmem:s9], [sflag:$0x1] =	stream.indirect_vreg.gather [hbm4b:s4+s3], $0x80, v4, vm0, $0xb8;
	[tilespmem:$0x15080] =	vst v63  }
0x57: {  	s0 =	rddreg [dreg:$0x12]  }
0x58: {  	[tilespmem:s0], [sflag:$0x1] =	stream.indirect_vreg.gather [hbm4b:s5+s3], $0x80, v4, vm0, $0xb8;
	[tilespmem:$0x15080] =	vst v63  }
0x59: {  	s9 =	rddreg [dreg:$0x13]  }
0x5a: {  	[tilespmem:s9], [sflag:$0x1] =	stream.indirect_vreg.gather [hbm4b:s2+s3], $0x80, v3, vm0, $0xb8;
	[tilespmem:$0x15080] =	vst v63  }
0x5b: {  	s0 =	rddreg [dreg:$0x14]  }
0x5c: {  	[tilespmem:s0], [sflag:$0x1] =	stream.indirect_vreg.gather [hbm4b:s4+s3], $0x80, v3, vm0, $0xb8;
	[tilespmem:$0x15080] =	vst v63  }
0x5d: {  	s9 =	rddreg [dreg:$0x15]  }
0x5e: {  	[tilespmem:s9], [sflag:$0x1] =	stream.indirect_vreg.gather [hbm4b:s5+s3], $0x80, v3, vm0, $0xb8;
	[tilespmem:$0x15080] =	vst v63  }
0x5f: {  	v3 =	vld [tilespmem:$0x30];
	_ =	sdelay $0x4  }
0x60: {  	v60 =	vshrl.u32 v3, $0x3  }
0x61: {  	v4 =	vmul.u32 $0x30, v60  }
0x62: {  	v3 =	vand.u32 $0x7, v3  }
0x63: {  	v3 =	vor.u32 v3, v4  }
0x64: {  	v4 =	vperm.xlane v3, v0;
	_ =	sdelay $0x1  }
0x65: {  	v4 =	vadd.s32 v1, v4;
	_ =	sdelay $0x3  }
0x66: {  	s0 =	rddreg [dreg:$0x16];
	v3 =	vperm.xlane v3, v2  }
0x67: {  	[tilespmem:s0], [sflag:$0x1] =	stream.indirect_vreg.gather [hbm4b:s2+s3], $0x80, v4, vm0, $0xb8;
	[tilespmem:$0x15080] =	vst v63  }
0x68: {  	s9 =	rddreg [dreg:$0x17];
	v3 =	vadd.s32 v1, v3  }
0x69: {  	[tilespmem:s9], [sflag:$0x1] =	stream.indirect_vreg.gather [hbm4b:s4+s3], $0x80, v4, vm0, $0xb8;
	[tilespmem:$0x15080] =	vst v63  }
0x6a: {  	s9 =	simm.s32 $0xA080  }
0x6b: {  	[tilespmem:s9], [sflag:$0x1] =	stream.indirect_vreg.gather [hbm4b:s5+s3], $0x80, v4, vm0, $0xb8;
	[tilespmem:$0x15080] =	vst v63  }
0x6c: {  	_ = 	snop  }
0x6d: {  	[tilespmem:s10], [sflag:$0x1] =	stream.indirect_vreg.gather [hbm4b:s2+s3], $0x80, v3, vm0, $0xb8;
	[tilespmem:$0x15080] =	vst v63  }
0x6e: {  	_ = 	snop  }
0x6f: {  	[tilespmem:s11], [sflag:$0x1] =	stream.indirect_vreg.gather [hbm4b:s4+s3], $0x80, v3, vm0, $0xb8;
	[tilespmem:$0x15080] =	vst v63  }
0x70: {  	_ = 	snop  }
0x71: {  	[tilespmem:s12], [sflag:$0x1] =	stream.indirect_vreg.gather [hbm4b:s5+s3], $0x80, v3, vm0, $0xb8;
	[tilespmem:$0x15080] =	vst v63  }
0x72: {  	v3 =	vld [tilespmem:$0x40];
	_ =	sdelay $0x4  }
0x73: {  	v61 =	vshrl.u32 v3, $0x3  }
0x74: {  	v4 =	vmul.u32 $0x30, v61  }
0x75: {  	v3 =	vand.u32 $0x7, v3  }
0x76: {  	v3 =	vor.u32 v3, v4  }
0x77: {  	v4 =	vperm.xlane v3, v0;
	_ =	sdelay $0x1  }
0x78: {  	v4 =	vadd.s32 v1, v4;
	_ =	sdelay $0x3  }
0x79: {  	v3 =	vperm.xlane v3, v2  }
0x7a: {  	[tilespmem:s13], [sflag:$0x1] =	stream.indirect_vreg.gather [hbm4b:s2+s3], $0x80, v4, vm0, $0xb8;
	[tilespmem:$0x15080] =	vst v63  }
0x7b: {  	v3 =	vadd.s32 v1, v3  }
0x7c: {  	[tilespmem:s14], [sflag:$0x1] =	stream.indirect_vreg.gather [hbm4b:s4+s3], $0x80, v4, vm0, $0xb8;
	[tilespmem:$0x15080] =	vst v63  }
0x7d: {  	_ = 	snop  }
0x7e: {  	[tilespmem:s15], [sflag:$0x1] =	stream.indirect_vreg.gather [hbm4b:s5+s3], $0x80, v4, vm0, $0xb8;
	[tilespmem:$0x15080] =	vst v63  }
0x7f: {  	_ = 	snop  }
0x80: {  	[tilespmem:s16], [sflag:$0x1] =	stream.indirect_vreg.gather [hbm4b:s2+s3], $0x80, v3, vm0, $0xb8;
	[tilespmem:$0x15080] =	vst v63  }
0x81: {  	_ = 	snop  }
0x82: {  	[tilespmem:s17], [sflag:$0x1] =	stream.indirect_vreg.gather [hbm4b:s4+s3], $0x80, v3, vm0, $0xb8;
	[tilespmem:$0x15080] =	vst v63  }
0x83: {  	_ = 	snop  }
0x84: {  	[tilespmem:s18], [sflag:$0x1] =	stream.indirect_vreg.gather [hbm4b:s5+s3], $0x80, v3, vm0, $0xb8;
	[tilespmem:$0x15080] =	vst v63  }
0x85: {  	v3 =	vld [tilespmem:$0x50];
	_ =	sdelay $0x4  }
0x86: {  	v62 =	vshrl.u32 v3, $0x3  }
0x87: {  	v4 =	vmul.u32 $0x30, v62  }
0x88: {  	v3 =	vand.u32 $0x7, v3  }
0x89: {  	v3 =	vor.u32 v3, v4  }
0x8a: {  	v4 =	vperm.xlane v3, v0;
	_ =	sdelay $0x1  }
0x8b: {  	v4 =	vadd.s32 v1, v4;
	_ =	sdelay $0x3  }
0x8c: {  	v3 =	vperm.xlane v3, v2  }
0x8d: {  	[tilespmem:s19], [sflag:$0x1] =	stream.indirect_vreg.gather [hbm4b:s2+s3], $0x80, v4, vm0, $0xb8;
	[tilespmem:$0x15080] =	vst v63  }
0x8e: {  	v3 =	vadd.s32 v1, v3  }
0x8f: {  	[tilespmem:s20], [sflag:$0x1] =	stream.indirect_vreg.gather [hbm4b:s4+s3], $0x80, v4, vm0, $0xb8;
	[tilespmem:$0x15080] =	vst v63  }
0x90: {  	_ = 	snop  }
0x91: {  	[tilespmem:s21], [sflag:$0x1] =	stream.indirect_vreg.gather [hbm4b:s5+s3], $0x80, v4, vm0, $0xb8;
	[tilespmem:$0x15080] =	vst v63  }
0x92: {  	_ = 	snop  }
0x93: {  	[tilespmem:s22], [sflag:$0x1] =	stream.indirect_vreg.gather [hbm4b:s2+s3], $0x80, v3, vm0, $0xb8;
	[tilespmem:$0x15080] =	vst v63  }
0x94: {  	_ = 	snop  }
0x95: {  	[tilespmem:s23], [sflag:$0x1] =	stream.indirect_vreg.gather [hbm4b:s4+s3], $0x80, v3, vm0, $0xb8;
	[tilespmem:$0x15080] =	vst v63  }
0x96: {  	_ = 	snop  }
0x97: {  	[tilespmem:s24], [sflag:$0x1] =	stream.indirect_vreg.gather [hbm4b:s5+s3], $0x80, v3, vm0, $0xb8;
	[tilespmem:$0x15080] =	vst v63  }
0x98: {  	v3 =	vld [tilespmem:$0x60];
	_ =	sdelay $0x4  }
0x99: {  	v63 =	vshrl.u32 v3, $0x3  }
0x9a: {  	v4 =	vmul.u32 $0x30, v63  }
0x9b: {  	v3 =	vand.u32 $0x7, v3  }
0x9c: {  	v3 =	vor.u32 v3, v4  }
0x9d: {  	v4 =	vperm.xlane v3, v0;
	_ =	sdelay $0x1  }
0x9e: {  	v4 =	vadd.s32 v1, v4;
	_ =	sdelay $0x3  }
0x9f: {  	v3 =	vperm.xlane v3, v2  }
0xa0: {  	[tilespmem:s25], [sflag:$0x1] =	stream.indirect_vreg.gather [hbm4b:s2+s3], $0x80, v4, vm0, $0xb8;
	[tilespmem:$0x15080] =	vst v63  }
0xa1: {  	v3 =	vadd.s32 v1, v3  }
0xa2: {  	[tilespmem:s26], [sflag:$0x1] =	stream.indirect_vreg.gather [hbm4b:s4+s3], $0x80, v4, vm0, $0xb8;
	[tilespmem:$0x15080] =	vst v63  }
0xa3: {  	_ = 	snop  }
0xa4: {  	[tilespmem:s28], [sflag:$0x1] =	stream.indirect_vreg.gather [hbm4b:s5+s3], $0x80, v4, vm0, $0xb8;
	[tilespmem:$0x15080] =	vst v63  }
0xa5: {  	_ = 	snop  }
0xa6: {  	[tilespmem:s29], [sflag:$0x1] =	stream.indirect_vreg.gather [hbm4b:s2+s3], $0x80, v3, vm0, $0xb8;
	[tilespmem:$0x15080] =	vst v63  }
0xa7: {  	_ = 	snop  }
0xa8: {  	[tilespmem:s30], [sflag:$0x1] =	stream.indirect_vreg.gather [hbm4b:s4+s3], $0x80, v3, vm0, $0xb8;
	[tilespmem:$0x15080] =	vst v63  }
0xa9: {  	_ = 	snop  }
0xaa: {  	[tilespmem:s31], [sflag:$0x1] =	stream.indirect_vreg.gather [hbm4b:s5+s3], $0x80, v3, vm0, $0xb8;
	[tilespmem:$0x15080] =	vst v63  }
0xab: {  	_ =	swait.ge [sflag:s1], $0x15000  }
0xac: {  	p0 =	sne.s32 s6, $0x1;
	[sflag:s1] =	ssyncset.done $0x0  }
.Ltmp0:
0xad: {  	s9 =	rddreg [dreg:$0x4];
	[sflag:s1] =	ssyncadd.s32 $0xFFFEB000;
	(pc) =	sbr.rel @p0 .LBB2_1-.Ltmp0, $4  }
0xae: {  	[hbm4b:s9+s3] =	stream.linear.scatter [tilespmem:s8], [sflag:$0x2], $0x15000, $0x38;
	[tilespmem:$0x15080] =	vst v63  }
0xaf: {  	_ =	swait.ge [sflag:s7], $0x15000  }
0xb0: {  	[sflag:s7] =	ssyncset.done $0x0  }
0xb1: {  	s6 =	sadd.s32 $0xFFFFFFFF, s6;
	[sflag:s7] =	ssyncadd.s32 $0xFFFEB000  }
0xb2: {  	_ =	sfence.sel $0x180000  }
0xb3: {  	[bflag:$0x0] =	sbarrier.arrive $0xFFFF  }
0xb4: {  	_ =	strace $0x9000004D  }
0xb5: {  	s0 =	stileid.u32;
	[bflag:$0x2] =	sbarrier.arrive $0xFFFF  }
0xb6: {  	p0 =	sne.s32 s0, $0x0;
	s0 =	rddreg [dreg:$0x2]  }
0xb7: {  	s0 =	sadd.s32 @!p0 $0x100000, s0  }
0xb8: {  	[sflag:s0] =	ssyncadd.tile.s32 @!p0 $0x1;
	_ =	shalt  }
.Lfunc_end2:
_tile_overlayer_lowered:
.L_overlay_start_2:
0xb9: {  	(tag) =	ssettag $0x2  }
0xba: {  	s0 =	rddreg [dreg:$0x0];
	s2 =	stileid.u32  }
0xbb: {  	s1 =	rddreg [dreg:$0x1];
	p0 =	sne.s32 s2, $0x0  }
0xbc: {  	s3 =	rddreg [dreg:$0x2];
	[bflag:$0x3] =	sbarrier.arrive $0xFFFF;
	s2 =	simm.s32 @!p0 $0x1C02  }
0xbd: {  	[timem:s3], [sflag:s2] =	dma.local @!p0 [hbm:s0], s1  }
0xbe: {  	s0 =	simm.s32 @!p0 $0x2  }
0xbf: {  	_ =	swait.ge @!p0 [sflag:s0], s1  }
0xc0: {  	s1 =	ssub.s32 @!p0 $0x0, s1;
	[sflag:s0] =	ssyncset.done @!p0 $0x0  }
0xc1: {  	[sflag:s0] =	ssyncadd.s32 @!p0 s1  }
0xc2: {  	[bflag:$0x3] =	sbarrier.arrive $0xFFFF  }
0xc3: {  	_ =	shalt  }

// kernel: kernel.29.cloned.1.call-start
scs
__scs_entry_jumppad:
0x0: {  	(pc) =	sbr.rel $0x88, $3  }
0x1: {  	(tag) =	ssettag $0x0;
	lr =	simm.s32 $0x1  }
0x2: {  	[smem:$0x3F93] =	sst lr;
	_ =	strace $0xD0000000  }
0x3: {  	_ = 	snop  }
0x4: {  	_ = 	snop  }
0x5: {  	_ = 	snop  }
0x6: {  	_ = 	snop  }
0x7: {  	_ = 	snop  }
__scs_overlays_trampoline_lowered:
0x8: {  	[smem:$0x3FA2] =	sst s0  }
0x9: {  	[smem:$0x3FA3] =	sst s1  }
0xa: {  	[smem:$0x3FA4] =	sst s2  }
0xb: {  	[smem:$0x3FA5] =	sst s3  }
0xc: {  	[smem:$0x3FA6] =	sst s4  }
0xd: {  	[smem:$0x3FA7] =	sst s5  }
0xe: {  	[smem:$0x3FA8] =	sst s6  }
0xf: {  	[smem:$0x3FA9] =	sst s7  }
0x10: {  	[smem:$0x3FAA] =	sst s8  }
0x11: {  	[smem:$0x3FAB] =	sst s9;
	s0 =	simm.s32 @!p0 $0x0  }
0x12: {  	s1 =	sld [smem:$0x3F91];
	s0 =	simm.s32 @p0 $0x1  }
0x13: {  	[smem:$0x3FAC] =	sst s0;
	s0 =	simm.s32 @!p1 $0x0  }
0x14: {  	s2 =	sld [smem:$0x3F90];
	s0 =	simm.s32 @p1 $0x1  }
0x15: {  	[smem:$0x3FAD] =	sst s0;
	s0 =	simm.s32 @!p2 $0x0  }
0x16: {  	s3 =	sld [smem:$0x3FDB];
	s0 =	simm.s32 @p2 $0x1  }
0x17: {  	s4 =	simm.s32 $0x1BF5;
	[smem:$0x3FAF] =	sst s0  }
0x18: {  	s0 =	sld [smem:$0x3F92];
	_ =	swait.ge [sflag:s4], $0x0  }
0x19: {  	s7 =	sld [smem:$0x3F93]  }
0x1a: {  	s8 =	sadd.s32 $0xFFFFE003, lr  }
0x1b: {  	s9 =	sadd.s32 $0xFFFFFEF7, lr;
	s5 =	simm.s32 $0xFFFFFFFF;
	p2 =	slt.u32 s8, $0xFFFFF086  }
0x1c: {  	p1 =	slt.u32 s9, $0xF7A;
	s5 =	simm.s32 @!p2 $0x0  }
0x1d: {  	s5 =	simm.s32 @p1 $0x1;
	p0 =	seq.s32 s7, s2  }
0x1e: {  	s7 =	smul.u32 @!p0 $0xF7A, s2;
	p2 =	seq.s32 @!p0 s5, $0x0  }
0x1f: {  	s9 =	smul.u32 $0xF7A, s1;
	s8 =	simm.s32 @!p0 $0x1BF5;
	p2 =	por !p2, p0  }
0x20: {  	[sflag:s8] =	ssyncset.s32 @!p0 $0xFFFFF086;
	s6 =	sadd.s32 @!p0 s3, s7;
	s7 =	simm.s32 @!p0 $0x108  }
0x21: {  	s3 =	sadd.s32 s3, s9;
	s6 =	sadd.s32 @!p0 $0x88, s6;
	s7 =	simm.s32 @p2 $0x1082  }
0x22: {  	[simem:s7], [sflag:s8] =	dma.local @!p0 [hbm:s6], $0xF7A  }
0x23: {  	s9 =	sor.u32 $0xD0000000, s2;
	s6 =	simm.s32 $0x108;
	_ =	swait.ge @!p0 [sflag:s8], $0x0  }
0x24: {  	s3 =	sadd.s32 $0x88, s3;
	s6 =	simm.s32 @!p1 $0x1082;
	[sflag:s4] =	ssyncset.s32 $0xFFFFF086  }
0x25: {  	[simem:s6], [sflag:s4] =	dma.local [hbm:s3], $0xF7A  }
0x26: {  	[smem:$0x3F93] =	sst s1;
	(tag) =	ssettag s2;
	_ =	strace s9  }
0x27: {  	s1 =	sld [smem:$0x3FA3]  }
0x28: {  	s2 =	sld [smem:$0x3FA4]  }
0x29: {  	s4 =	sld [smem:$0x3FA6]  }
0x2a: {  	p0 =	seq.s32 s5, $0x0;
	s5 =	sld [smem:$0x3FA7]  }
0x2b: {  	s6 =	sld [smem:$0x3FA8]  }
0x2c: {  	s7 =	sld [smem:$0x3FA9]  }
0x2d: {  	s3 =	simm.s32 $0x108;
	s8 =	sld [smem:$0x3FAA]  }
0x2e: {  	s3 =	simm.s32 @!p0 $0x1082;
	s9 =	sld [smem:$0x3FAB]  }
0x2f: {  	lr =	sadd.s32 s0, s3;
	s0 =	sld [smem:$0x3FA2]  }
0x30: {  	s3 =	sld [smem:$0x3FA5]  }
0x31: {  	[smem:$0x3FAE] =	sst s10  }
0x32: {  	s10 =	sld [smem:$0x3FAC];
	_ =	sdelay $0x3  }
0x33: {  	p0 =	seq.s32 s10, $0x1;
	s10 =	sld [smem:$0x3FAE];
	_ =	sdelay $0x3  }
0x34: {  	[smem:$0x3FAE] =	sst s10  }
0x35: {  	s10 =	sld [smem:$0x3FAD];
	_ =	sdelay $0x3  }
0x36: {  	p1 =	seq.s32 s10, $0x1;
	s10 =	sld [smem:$0x3FAE];
	_ =	sdelay $0x3  }
0x37: {  	[smem:$0x3FAE] =	sst s10  }
0x38: {  	s10 =	sld [smem:$0x3FAF]  }
0x39: {  	_ = 	snop;
	(pc) =	sbr.ind lr, $3  }
0x3a: {  	_ = 	snop  }
0x3b: {  	_ = 	snop  }
0x3c: {  	p2 =	seq.s32 s10, $0x1;
	s10 =	sld [smem:$0x3FAE]  }
0x3d: {  	_ =	shalt  }
0x3e: {  	_ =	shalt  }
0x3f: {  	_ =	shalt  }
0x40: {  	_ =	shalt  }
0x41: {  	_ =	shalt  }
0x42: {  	_ =	shalt  }
0x43: {  	_ =	shalt  }
0x44: {  	_ =	shalt  }
0x45: {  	_ =	shalt  }
0x46: {  	_ =	shalt  }
0x47: {  	_ =	shalt  }
0x48: {  	_ =	shalt  }
0x49: {  	_ =	shalt  }
0x4a: {  	_ =	shalt  }
0x4b: {  	_ =	shalt  }
0x4c: {  	_ =	shalt  }
0x4d: {  	_ =	shalt  }
0x4e: {  	_ =	shalt  }
0x4f: {  	_ =	shalt  }
0x50: {  	_ =	shalt  }
0x51: {  	_ =	shalt  }
0x52: {  	_ =	shalt  }
0x53: {  	_ =	shalt  }
0x54: {  	_ =	shalt  }
0x55: {  	_ =	shalt  }
0x56: {  	_ =	shalt  }
0x57: {  	_ =	shalt  }
0x58: {  	_ =	shalt  }
0x59: {  	_ =	shalt  }
0x5a: {  	_ =	shalt  }
0x5b: {  	_ =	shalt  }
0x5c: {  	_ =	shalt  }
0x5d: {  	_ =	shalt  }
0x5e: {  	_ =	shalt  }
0x5f: {  	_ =	shalt  }
0x60: {  	_ =	shalt  }
0x61: {  	_ =	shalt  }
0x62: {  	_ =	shalt  }
0x63: {  	_ =	shalt  }
0x64: {  	_ =	shalt  }
0x65: {  	_ =	shalt  }
0x66: {  	_ =	shalt  }
0x67: {  	_ =	shalt  }
0x68: {  	_ =	shalt  }
0x69: {  	_ =	shalt  }
0x6a: {  	_ =	shalt  }
0x6b: {  	_ =	shalt  }
0x6c: {  	_ =	shalt  }
0x6d: {  	_ =	shalt  }
0x6e: {  	_ =	shalt  }
0x6f: {  	_ =	shalt  }
0x70: {  	_ =	shalt  }
0x71: {  	_ =	shalt  }
0x72: {  	_ =	shalt  }
0x73: {  	_ =	shalt  }
0x74: {  	_ =	shalt  }
0x75: {  	_ =	shalt  }
0x76: {  	_ =	shalt  }
0x77: {  	_ =	shalt  }
0x78: {  	_ =	shalt  }
0x79: {  	_ =	shalt  }
0x7a: {  	_ =	shalt  }
0x7b: {  	_ =	shalt  }
0x7c: {  	_ =	shalt  }
0x7d: {  	_ =	shalt  }
0x7e: {  	_ =	shalt  }
0x7f: {  	_ =	shalt  }
0x80: {  	_ =	shalt  }
0x81: {  	_ =	shalt  }
0x82: {  	_ =	shalt  }
0x83: {  	_ =	shalt  }
0x84: {  	_ =	shalt  }
0x85: {  	_ =	shalt  }
0x86: {  	_ =	shalt  }
0x87: {  	_ =	shalt  }
.Lfunc_end0:
.L_simem_size_0:
called_computation.3_lowered:
.L_overlay_start_0:
0x88: {  	s2 =	sld [smem:$0x3FD9]  }
0x89: {  	s3 =	sld [smem:$0x3FFE];
	_ =	sdelay $0x1  }
0x8a: {  	s1 =	srdreg.scid  }
0x8b: {  	s0 =	sand.u32 $0x1, s1  }
0x8c: {  	s17 =	sshll.u32 s0, $0xA;
	s2 =	sadd.s32 s3, s2  }
0x8d: {  	s2 =	sadd.s32 s2, s17  }
0x8e: {  	[smem:$0x3FBA] =	sst s2  }
0x8f: {  	_ = 	snop  }
0x90: {  	s2 =	sld [smem:$0x3FD0];
	(tm) =	ssettm $0x1  }
0x91: {  	s18 =	sld [smem:$0x3FFB];
	_ =	sdelay $0x3  }
0x92: {  	_ =	strace s18  }
0x93: {  	s3 =	sld [smem:$0x3FFC];
	_ =	sdelay $0x3  }
0x94: {  	_ =	strace s3  }
0x95: {  	s3 =	sld [smem:$0x3FFD];
	_ =	sdelay $0x3  }
0x96: {  	_ =	strace s3  }
0x97: {  	_ =	strace $0x8FFFFFFF  }
0x98: {  	s19 =	sld [smem:$0x3FDB];
	_ =	sdelay $0x1  }
0x99: {  	s4 =	simm.s32 $_scs_section_size  }
0x9a: {  	s5 =	simm.s32 $_size__tile_overlayer_lowered;
	s6 =	simm.s32 $_tile_overlayer_lowered  }
0x9b: {  	s22 =	simm.s32 $0x1BFF;
	s21 =	sshll.u32 s6, $0x1;
	s3 =	sadd.s32 s4, s19  }
0x9c: {  	s7 =	simm.s32 $0x0;
	s20 =	sshll.u32 s5, $0x1;
	s5 =	sadd.s32 s21, s3  }
0x9d: {  	[timem:s7], [sflag:s22] =	dma.local [hbm:s5], s20  }
0x9e: {  	_ =	swait.ge [sflag:s22], s20  }
0x9f: {  	s4 =	ssub.s32 $0x0, s20;
	[sflag:s22] =	ssyncset.done $0x0  }
0xa0: {  	[sflag:s22] =	ssyncadd.s32 s4;
	_ =	sdelay $0x1  }
0xa1: {  	s23 =	simm.s32 $0x1B8B  }
0xa2: {  	_ =	swait.ge [sflag:s23], $0x1  }
0xa3: {  	[sflag:s23] =	ssyncset.done $0x0  }
0xa4: {  	s25 =	simm.s32 $0x1B8E;
	s24 =	sld [smem:$0x3FFE];
	[sflag:s23] =	ssyncadd.s32 $0xFFFFFFFF  }
0xa5: {  	s26 =	simm.s32 $execute0_lowered;
	[smem:$0x3FD2] =	sst s25  }
0xa6: {  	s5 =	sshll.u32 s26, $0x1;
	_ =	strace $0x8000004F;
	[dreg:$0x1] =	wrdreg $0xFFFFFFFF  }
0xa7: {  	s28 =	simm.s32 $_size_execute0_lowered;
	s3 =	sadd.s32 s3, s5;
	[dreg:$0x0] =	wrdreg $0x0  }
0xa8: {  	s5 =	sshll.u32 s28, $0x1;
	[dreg:$0x2] =	wrdreg s3  }
0xa9: {  	[dreg:$0x3] =	wrdreg s5  }
0xaa: {  	[dreg:$0x4] =	wrdreg $0xC0  }
0xab: {  	_ =	task [dreg:s7], $0x5FFFF  }
0xac: {  	[dreg:$0x1] =	wrdreg $0xFFFFFFFF  }
0xad: {  	[dreg:$0x0] =	wrdreg $0x60  }
0xae: {  	[dreg:$0x2] =	wrdreg s24  }
0xaf: {  	[dreg:$0x3] =	wrdreg s2  }
0xb0: {  	[dreg:$0x4] =	wrdreg $0x9  }
0xb1: {  	_ =	task.clear_ibuf [dreg:s7], $0x5FFFF;
	_ =	strace $0x9000004F  }
0xb2: {  	s29 =	simm.s32 $0x9;
	_ =	strace $0x80000051  }
0xb3: {  	_ =	swait.ge [sflag:s29], $0x1  }
0xb4: {  	[sflag:s29] =	ssyncadd.s32 $0xFFFFFFFF  }
0xb5: {  	_ =	strace $0x90000051  }
0xb6: {  	_ =	sfence  }
0xb7: {  	s30 =	sld [smem:$0x0];
	_ =	sdelay $0x2  }
0xb8: {  	s31 =	sshll.u32 s1, $0xD;
	s1 =	sshrl.u32 s1, $0x2  }
0xb9: {  	s3 =	sand.u32 $0x4000, s31;
	s1 =	sadd.s32 s1, s30  }
0xba: {  	s0 =	sor.u32 s3, s0;
	s1 =	sshll.u32 s1, $0x11  }
0xbb: {  	s0 =	sor.u32 s1, s0  }
0xbc: {  	s0 =	sadd.s32 $0x8F2B, s0  }
0xbd: {  	[sflag:s0] =	ssyncadd.remote.s32 $0x1  }
0xbe: {  	_ =	sfence.sel $0xFFFF  }
0xbf: {  	[dreg:$0x0] =	wrdreg $0xFFFFFFFF;
	(pc) =	sbr.abs _section_cstart, $3  }
0xc0: {  	[dreg:$0x1] =	wrdreg $0xFFFFFFFF  }
0xc1: {  	_ =	task.clear_ibuf [dreg:s7], $0x2FFFF;
	_ =	strace $0x9FFFFFFF  }
0xc2: {  	(tm) =	ssettm $0x7FFFFFFF  }
0xc3: {  	_ =	shalt  }
tec
execute0_lowered:
.L_overlay_start_1:
0x0: {  	(tag) =	ssettag $0x1  }
0x1: {  	s0 =	rddreg [dreg:$0x0]  }
0x2: {  	s5 =	rddreg [dreg:$0x1];
	s3 =	srdreg.scid  }
0x3: {  	s2 =	simm.s32 $0x0;
	s1 =	stileid.u32;
	s26 =	simm.s32 $0x880  }
0x4: {  	s10 =	simm.s32 $0x1880;
	s11 =	simm.s32 $0x2080;
	s12 =	simm.s32 $0x2880  }
0x5: {  	s13 =	simm.s32 $0x3080;
	s14 =	simm.s32 $0x3880;
	s15 =	simm.s32 $0x4080  }
0x6: {  	s16 =	simm.s32 $0x4880;
	s17 =	simm.s32 $0x5080;
	s18 =	simm.s32 $0x5880  }
0x7: {  	s19 =	simm.s32 $0x6080;
	s20 =	simm.s32 $0x6880;
	s21 =	simm.s32 $0x7080  }
0x8: {  	s22 =	simm.s32 $0x7880;
	s28 =	simm.s32 $0xA080;
	s29 =	simm.s32 $0xA880  }
0x9: {  	s30 =	simm.s32 $0xB080;
	s31 =	simm.s32 $0xB880;
	s3 =	sand.u32 $0x1, s3  }
0xa: {  	[smem:$0x7FF] =	sst s2;
	s4 =	sshll.u32 s1, $0x4;
	s6 =	sshll.u32 s3, $0x3  }
0xb: {  	_ =	strace $0x80000050;
	s23 =	ssub.s32 $0x2, s3;
	s3 =	sadd.s32 $0x5600, s0  }
0xc: {  	[dreg:$0x5] =	wrdreg s26;
	s26 =	simm.s32 $0x9880;
	s4 =	sor.u32 s6, s4  }
0xd: {  	s8 =	sshrl.u32 s23, $0x1;
	s7 =	sadd.s32 s4, s0;
	s9 =	smul.u32 $0x300, s4  }
0xe: {  	s6 =	ssub.s32 s23, s8;
	s4 =	sadd.s32 $0x5700, s0;
	s8 =	simm.s32 $0x80  }
0xf: {  	s23 =	simm.s32 $0x8080;
	s24 =	sadd.s32 $0x5400, s7;
	s6 =	smax.u32 s6, $0x1  }
0x10: {  	v2 =	vlaneseq.u32;
	s7 =	simm.s32 $0x2;
	[dreg:$0x3] =	wrdreg s24;
	s25 =	sadd.s32 s5, s9  }
0x11: {  	vm0 =	vmmov $0xffff;
	v1 =	vshrl.u32 v2, $0x3;
	s5 =	sadd.s32 $0x5800, s0;
	s9 =	simm.s32 $0x1080;
	s24 =	simm.s32 $0x8880  }
0x12: {  	v0 =	vand.u32 $0x7, v2;
	v2 =	vor.u32 $0x8, v2;
	v1 =	vmul.u32 $0x8, v1;
	s0 =	simm.s32 $0x1;
	[dreg:$0x4] =	wrdreg s25;
	s25 =	simm.s32 $0x9080  }
.LBB2_1:
0x13: {  	s1 =	rddreg [dreg:$0x3]  }
0x14: {  	[tilespmem:s2], [sflag:$0x2] =	stream.linear.gather [hbm4b:s1+s2], $0x40, $0x38;
	[tilespmem:$0xC080] =	vst v63  }
0x15: {  	_ =	swait.ge [sflag:s7], $0x40  }
0x16: {  	[sflag:s7] =	ssyncset.done $0x0  }
0x17: {  	[sflag:s7] =	ssyncadd.s32 $0xFFFFFFC0  }
0x18: {  	v3 =	vld [tilespmem:$0x0];
	_ =	sdelay $0x4  }
0x19: {  	v4 =	vshrl.u32 v3, $0x3  }
0x1a: {  	v4 =	vmul.u32 $0x30, v4  }
0x1b: {  	v3 =	vand.u32 $0x7, v3  }
0x1c: {  	v3 =	vor.u32 v3, v4  }
0x1d: {  	v4 =	vperm.xlane v3, v0;
	_ =	sdelay $0x1  }
0x1e: {  	v4 =	vadd.s32 v1, v4;
	_ =	sdelay $0x3  }
0x1f: {  	v3 =	vperm.xlane v3, v2  }
0x20: {  	[tilespmem:s8], [sflag:$0x1] =	stream.indirect_vreg.gather [hbm4b:s3+s2], $0x80, v4, vm0, $0xb8;
	[tilespmem:$0xC080] =	vst v63  }
0x21: {  	s1 =	rddreg [dreg:$0x5];
	v3 =	vadd.s32 v1, v3  }
0x22: {  	[tilespmem:s1], [sflag:$0x1] =	stream.indirect_vreg.gather [hbm4b:s4+s2], $0x80, v4, vm0, $0xb8;
	[tilespmem:$0xC080] =	vst v63  }
0x23: {  	_ = 	snop  }
0x24: {  	[tilespmem:s9], [sflag:$0x1] =	stream.indirect_vreg.gather [hbm4b:s5+s2], $0x80, v4, vm0, $0xb8;
	[tilespmem:$0xC080] =	vst v63  }
0x25: {  	_ = 	snop  }
0x26: {  	[tilespmem:s10], [sflag:$0x1] =	stream.indirect_vreg.gather [hbm4b:s3+s2], $0x80, v3, vm0, $0xb8;
	[tilespmem:$0xC080] =	vst v63  }
0x27: {  	_ = 	snop  }
0x28: {  	[tilespmem:s11], [sflag:$0x1] =	stream.indirect_vreg.gather [hbm4b:s4+s2], $0x80, v3, vm0, $0xb8;
	[tilespmem:$0xC080] =	vst v63  }
0x29: {  	_ = 	snop  }
0x2a: {  	[tilespmem:s12], [sflag:$0x1] =	stream.indirect_vreg.gather [hbm4b:s5+s2], $0x80, v3, vm0, $0xb8;
	[tilespmem:$0xC080] =	vst v63  }
0x2b: {  	v3 =	vld [tilespmem:$0x10];
	_ =	sdelay $0x4  }
0x2c: {  	v61 =	vshrl.u32 v3, $0x3  }
0x2d: {  	v4 =	vmul.u32 $0x30, v61  }
0x2e: {  	v3 =	vand.u32 $0x7, v3  }
0x2f: {  	v3 =	vor.u32 v3, v4  }
0x30: {  	v4 =	vperm.xlane v3, v0;
	_ =	sdelay $0x1  }
0x31: {  	v4 =	vadd.s32 v1, v4;
	_ =	sdelay $0x3  }
0x32: {  	v3 =	vperm.xlane v3, v2  }
0x33: {  	[tilespmem:s13], [sflag:$0x1] =	stream.indirect_vreg.gather [hbm4b:s3+s2], $0x80, v4, vm0, $0xb8;
	[tilespmem:$0xC080] =	vst v63  }
0x34: {  	v3 =	vadd.s32 v1, v3  }
0x35: {  	[tilespmem:s14], [sflag:$0x1] =	stream.indirect_vreg.gather [hbm4b:s4+s2], $0x80, v4, vm0, $0xb8;
	[tilespmem:$0xC080] =	vst v63  }
0x36: {  	_ = 	snop  }
0x37: {  	[tilespmem:s15], [sflag:$0x1] =	stream.indirect_vreg.gather [hbm4b:s5+s2], $0x80, v4, vm0, $0xb8;
	[tilespmem:$0xC080] =	vst v63  }
0x38: {  	_ = 	snop  }
0x39: {  	[tilespmem:s16], [sflag:$0x1] =	stream.indirect_vreg.gather [hbm4b:s3+s2], $0x80, v3, vm0, $0xb8;
	[tilespmem:$0xC080] =	vst v63  }
0x3a: {  	_ = 	snop  }
0x3b: {  	[tilespmem:s17], [sflag:$0x1] =	stream.indirect_vreg.gather [hbm4b:s4+s2], $0x80, v3, vm0, $0xb8;
	[tilespmem:$0xC080] =	vst v63  }
0x3c: {  	_ = 	snop  }
0x3d: {  	[tilespmem:s18], [sflag:$0x1] =	stream.indirect_vreg.gather [hbm4b:s5+s2], $0x80, v3, vm0, $0xb8;
	[tilespmem:$0xC080] =	vst v63  }
0x3e: {  	v3 =	vld [tilespmem:$0x20];
	_ =	sdelay $0x4  }
0x3f: {  	v62 =	vshrl.u32 v3, $0x3  }
0x40: {  	v4 =	vmul.u32 $0x30, v62  }
0x41: {  	v3 =	vand.u32 $0x7, v3  }
0x42: {  	v3 =	vor.u32 v3, v4  }
0x43: {  	v4 =	vperm.xlane v3, v0;
	_ =	sdelay $0x1  }
0x44: {  	v4 =	vadd.s32 v1, v4;
	_ =	sdelay $0x3  }
0x45: {  	v3 =	vperm.xlane v3, v2  }
0x46: {  	[tilespmem:s19], [sflag:$0x1] =	stream.indirect_vreg.gather [hbm4b:s3+s2], $0x80, v4, vm0, $0xb8;
	[tilespmem:$0xC080] =	vst v63  }
0x47: {  	v3 =	vadd.s32 v1, v3  }
0x48: {  	[tilespmem:s20], [sflag:$0x1] =	stream.indirect_vreg.gather [hbm4b:s4+s2], $0x80, v4, vm0, $0xb8;
	[tilespmem:$0xC080] =	vst v63  }
0x49: {  	_ = 	snop  }
0x4a: {  	[tilespmem:s21], [sflag:$0x1] =	stream.indirect_vreg.gather [hbm4b:s5+s2], $0x80, v4, vm0, $0xb8;
	[tilespmem:$0xC080] =	vst v63  }
0x4b: {  	_ = 	snop  }
0x4c: {  	[tilespmem:s22], [sflag:$0x1] =	stream.indirect_vreg.gather [hbm4b:s3+s2], $0x80, v3, vm0, $0xb8;
	[tilespmem:$0xC080] =	vst v63  }
0x4d: {  	_ = 	snop  }
0x4e: {  	[tilespmem:s23], [sflag:$0x1] =	stream.indirect_vreg.gather [hbm4b:s4+s2], $0x80, v3, vm0, $0xb8;
	[tilespmem:$0xC080] =	vst v63  }
0x4f: {  	_ = 	snop  }
0x50: {  	[tilespmem:s24], [sflag:$0x1] =	stream.indirect_vreg.gather [hbm4b:s5+s2], $0x80, v3, vm0, $0xb8;
	[tilespmem:$0xC080] =	vst v63  }
0x51: {  	v3 =	vld [tilespmem:$0x30];
	_ =	sdelay $0x4  }
0x52: {  	v63 =	vshrl.u32 v3, $0x3  }
0x53: {  	v4 =	vmul.u32 $0x30, v63  }
0x54: {  	v3 =	vand.u32 $0x7, v3  }
0x55: {  	v3 =	vor.u32 v3, v4  }
0x56: {  	v4 =	vperm.xlane v3, v0;
	_ =	sdelay $0x1  }
0x57: {  	v4 =	vadd.s32 v1, v4;
	_ =	sdelay $0x3  }
0x58: {  	v3 =	vperm.xlane v3, v2  }
0x59: {  	[tilespmem:s25], [sflag:$0x1] =	stream.indirect_vreg.gather [hbm4b:s3+s2], $0x80, v4, vm0, $0xb8;
	[tilespmem:$0xC080] =	vst v63  }
0x5a: {  	v3 =	vadd.s32 v1, v3  }
0x5b: {  	[tilespmem:s26], [sflag:$0x1] =	stream.indirect_vreg.gather [hbm4b:s4+s2], $0x80, v4, vm0, $0xb8;
	[tilespmem:$0xC080] =	vst v63  }
0x5c: {  	_ = 	snop  }
0x5d: {  	[tilespmem:s28], [sflag:$0x1] =	stream.indirect_vreg.gather [hbm4b:s5+s2], $0x80, v4, vm0, $0xb8;
	[tilespmem:$0xC080] =	vst v63  }
0x5e: {  	_ = 	snop  }
0x5f: {  	[tilespmem:s29], [sflag:$0x1] =	stream.indirect_vreg.gather [hbm4b:s3+s2], $0x80, v3, vm0, $0xb8;
	[tilespmem:$0xC080] =	vst v63  }
0x60: {  	_ = 	snop  }
0x61: {  	[tilespmem:s30], [sflag:$0x1] =	stream.indirect_vreg.gather [hbm4b:s4+s2], $0x80, v3, vm0, $0xb8;
	[tilespmem:$0xC080] =	vst v63  }
0x62: {  	_ = 	snop  }
0x63: {  	[tilespmem:s31], [sflag:$0x1] =	stream.indirect_vreg.gather [hbm4b:s5+s2], $0x80, v3, vm0, $0xb8;
	[tilespmem:$0xC080] =	vst v63  }
0x64: {  	_ =	swait.ge [sflag:s0], $0xC000  }
0x65: {  	p0 =	sne.s32 s6, $0x1;
	[sflag:s0] =	ssyncset.done $0x0  }
.Ltmp0:
0x66: {  	s1 =	rddreg [dreg:$0x4];
	[sflag:s0] =	ssyncadd.s32 $0xFFFF4000;
	(pc) =	sbr.rel @p0 .LBB2_1-.Ltmp0, $4  }
0x67: {  	[hbm4b:s1+s2] =	stream.linear.scatter [tilespmem:s8], [sflag:$0x2], $0xC000, $0x38;
	[tilespmem:$0xC080] =	vst v63  }
0x68: {  	_ =	swait.ge [sflag:s7], $0xC000  }
0x69: {  	[sflag:s7] =	ssyncset.done $0x0  }
0x6a: {  	s6 =	sadd.s32 $0xFFFFFFFF, s6;
	[sflag:s7] =	ssyncadd.s32 $0xFFFF4000  }
0x6b: {  	_ =	sfence.sel $0x180000  }
0x6c: {  	[bflag:$0x0] =	sbarrier.arrive $0xFFFF  }
0x6d: {  	_ =	strace $0x90000050  }
0x6e: {  	s0 =	stileid.u32;
	[bflag:$0x2] =	sbarrier.arrive $0xFFFF  }
0x6f: {  	p0 =	sne.s32 s0, $0x0;
	s0 =	rddreg [dreg:$0x2]  }
0x70: {  	s0 =	sadd.s32 @!p0 $0x100000, s0  }
0x71: {  	[sflag:s0] =	ssyncadd.tile.s32 @!p0 $0x1;
	_ =	shalt  }
.Lfunc_end2:
_tile_overlayer_lowered:
.L_overlay_start_2:
0x72: {  	(tag) =	ssettag $0x2  }
0x73: {  	s0 =	rddreg [dreg:$0x0];
	s2 =	stileid.u32  }
0x74: {  	s1 =	rddreg [dreg:$0x1];
	p0 =	sne.s32 s2, $0x0  }
0x75: {  	s3 =	rddreg [dreg:$0x2];
	[bflag:$0x3] =	sbarrier.arrive $0xFFFF;
	s2 =	simm.s32 @!p0 $0x1C02  }
0x76: {  	[timem:s3], [sflag:s2] =	dma.local @!p0 [hbm:s0], s1  }
0x77: {  	s0 =	simm.s32 @!p0 $0x2  }
0x78: {  	_ =	swait.ge @!p0 [sflag:s0], s1  }
0x79: {  	s1 =	ssub.s32 @!p0 $0x0, s1;
	[sflag:s0] =	ssyncset.done @!p0 $0x0  }
0x7a: {  	[sflag:s0] =	ssyncadd.s32 @!p0 s1  }
0x7b: {  	[bflag:$0x3] =	sbarrier.arrive $0xFFFF  }
0x7c: {  	_ =	shalt  }

</sc_bundles>
